<compile_context>
chip_gen: v7x
topology: tpu7x:2x2x1
jax: 0.10.2.dev20260603
libtpu: 0.0.44.dev20260713+nightly
codegen_flags: <defaults>
</compile_context>

<pallas_src>
import functools

import jax
import jax.numpy as jnp
from jax import lax
from jax.experimental import pallas as pl
from jax.experimental.pallas import tpu as pltpu
from jax.experimental.pallas import tpu_sc as plsc

N = 10000
NP = 10240
E = 160000
D = 256
HALF = 128
NC = 2
NS = 16
K = 80
EPT = E // NS
CH = EPT // K
RPT = NP // NS
ZR = 8
DEGP = 10240
DPT = DEGP // NS


def _sc_agg_body(with_deg, xs_hbm, srcg_hbm, dstg_hbm, zdeg_hbm,
                 ones_hbm, aggs_hbm, deg_hbm,
                 acc_sh, deg_sh, src_v, dst_a, dst_b, rows_a, rows_b,
                 zdeg_v, ones_v, sem_a, sem_b, sem_da, sem_db, sem_sa,
                 sem_sb, sem_ga, sem_gb):
    c = lax.axis_index("c")
    s = lax.axis_index("s")

    pltpu.sync_copy(zdeg_hbm, zdeg_v)
    pltpu.sync_copy(ones_hbm, ones_v)
    pltpu.sync_copy(srcg_hbm.at[s], src_v)

    zv = jnp.zeros((16,), jnp.float32)

    def zbody(t, carry):
        rows_a[t // (HALF // 16), pl.ds((t % (HALF // 16)) * 16, 16)] = zv
        return carry

    lax.fori_loop(0, K * HALF // 16, zbody, 0)
    for i in range(RPT // K):
        pltpu.sync_copy(rows_a, acc_sh.at[pl.ds(s * RPT + i * K, K)])
    if with_deg:
        pltpu.sync_copy(zdeg_v, deg_sh.at[pl.ds(s * DPT, DPT)])
    plsc.subcore_barrier()

    def process(x_half):
        def fetch(j, rows_ref, dst_ref, sem_r, sem_d):
            pltpu.async_copy(x_half.at[src_v.at[j]], rows_ref, sem_r)
            pltpu.async_copy(dstg_hbm.at[s, j], dst_ref, sem_d)

        def wait_fetch(j, rows_ref, dst_ref, sem_r, sem_d):
            pltpu.make_async_copy(x_half.at[src_v.at[j]], rows_ref,
                                  sem_r).wait()
            pltpu.make_async_copy(dstg_hbm.at[s, j], dst_ref, sem_d).wait()

        def start_scatter(rows_ref, dst_ref, sem_s, sem_g):
            pltpu.async_copy(rows_ref, acc_sh.at[dst_ref], sem_s, add=True)
            if with_deg:
                @pl.when(c == 0)
                def _():
                    pltpu.async_copy(ones_v, deg_sh.at[dst_ref], sem_g,
                                     add=True)

        def wait_scatter(rows_ref, dst_ref, sem_s, sem_g):
            pltpu.make_async_copy(rows_ref, acc_sh.at[dst_ref],
                                  sem_s).wait()
            if with_deg:
                @pl.when(c == 0)
                def _():
                    pltpu.make_async_copy(ones_v, deg_sh.at[dst_ref],
                                          sem_g).wait()

        fetch(0, rows_a, dst_a, sem_a, sem_da)
        fetch(1, rows_b, dst_b, sem_b, sem_db)

        def body(i, carry):
            j0 = 2 * i
            j1 = j0 + 1

            wait_fetch(j0, rows_a, dst_a, sem_a, sem_da)
            start_scatter(rows_a, dst_a, sem_sa, sem_ga)

            @pl.when(j1 < CH)
            def _():
                wait_fetch(j1, rows_b, dst_b, sem_b, sem_db)
                start_scatter(rows_b, dst_b, sem_sb, sem_gb)

            wait_scatter(rows_a, dst_a, sem_sa, sem_ga)

            @pl.when(j0 + 2 < CH)
            def _():
                fetch(j0 + 2, rows_a, dst_a, sem_a, sem_da)

            @pl.when(j1 < CH)
            def _():
                wait_scatter(rows_b, dst_b, sem_sb, sem_gb)

                @pl.when(j1 + 2 < CH)
                def _():
                    fetch(j1 + 2, rows_b, dst_b, sem_b, sem_db)

            return carry

        lax.fori_loop(0, (CH + 1) // 2, body, 0)

    @pl.when(c == 0)
    def _():
        process(xs_hbm.at[0])

    @pl.when(c == 1)
    def _():
        process(xs_hbm.at[1])

    plsc.subcore_barrier()

    @pl.when(c == 0)
    def _():
        pltpu.sync_copy(acc_sh.at[pl.ds(s * RPT, RPT)],
                        aggs_hbm.at[0, pl.ds(s * RPT, RPT)])
        if with_deg:
            pltpu.sync_copy(deg_sh.at[pl.ds(s * DPT, DPT)],
                            deg_hbm.at[pl.ds(s * DPT, DPT)])

    @pl.when(c == 1)
    def _():
        pltpu.sync_copy(acc_sh.at[pl.ds(s * RPT, RPT)],
                        aggs_hbm.at[1, pl.ds(s * RPT, RPT)])


def _make_sc_agg(with_deg):
    out_type = [jax.ShapeDtypeStruct((2, NP, HALF), jnp.float32)]
    if with_deg:
        out_type.append(jax.ShapeDtypeStruct((DEGP,), jnp.float32))

    @functools.partial(
        pl.kernel,
        out_type=tuple(out_type),
        mesh=plsc.VectorSubcoreMesh(core_axis_name="c",
                                    subcore_axis_name="s"),
        scratch_types=[
            pltpu.VMEM_SHARED((NP, HALF), jnp.float32),
            pltpu.VMEM_SHARED((DEGP,), jnp.float32),
            pltpu.VMEM((CH, K), jnp.int32),
            pltpu.VMEM((K,), jnp.int32),
            pltpu.VMEM((K,), jnp.int32),
            pltpu.VMEM((K, HALF), jnp.float32),
            pltpu.VMEM((K, HALF), jnp.float32),
            pltpu.VMEM((DPT,), jnp.float32),
            pltpu.VMEM((K,), jnp.float32),
            pltpu.SemaphoreType.DMA,
            pltpu.SemaphoreType.DMA,
            pltpu.SemaphoreType.DMA,
            pltpu.SemaphoreType.DMA,
            pltpu.SemaphoreType.DMA,
            pltpu.SemaphoreType.DMA,
            pltpu.SemaphoreType.DMA,
            pltpu.SemaphoreType.DMA,
        ],
    )
    def sc_agg(xs_hbm, srcg_hbm, dstg_hbm, zdeg_hbm, ones_hbm, *rest):
        if with_deg:
            aggs_hbm, deg_hbm = rest[0], rest[1]
            scratch = rest[2:]
        else:
            aggs_hbm, deg_hbm = rest[0], None
            scratch = rest[1:]
        _sc_agg_body(with_deg, xs_hbm, srcg_hbm, dstg_hbm,
                     zdeg_hbm, ones_hbm, aggs_hbm, deg_hbm, *scratch)

    return sc_agg


_sc_agg_deg = _make_sc_agg(True)
_sc_agg_nodeg = _make_sc_agg(False)


TN = 400
GRID = N // TN


def _tc_layer_body(apply_relu, split_out, xs_ref, aggs_ref, deg_ref,
                   w_ref, b_ref, out_ref):
    r = 1.0 / jnp.maximum(deg_ref[...], 1.0)
    cat = jnp.concatenate(
        [xs_ref[0], xs_ref[1], aggs_ref[0] * r, aggs_ref[1] * r], axis=1)
    h = jnp.dot(cat, w_ref[...], preferred_element_type=jnp.float32)
    h = h + b_ref[...]
    if apply_relu:
        h = jnp.maximum(h, 0.0)
    if split_out:
        out_ref[0] = h[:, :HALF]
        out_ref[1] = h[:, HALF:]
    else:
        out_ref[...] = h


def _tc_layer(xs, aggs, deg2d, W, b2d, apply_relu, split_out):
    if split_out:
        out_shape = jax.ShapeDtypeStruct((2, NP, HALF), jnp.float32)
        out_spec = pl.BlockSpec((2, TN, HALF), lambda i: (0, i, 0))
    else:
        out_shape = jax.ShapeDtypeStruct((N, D), jnp.float32)
        out_spec = pl.BlockSpec((TN, D), lambda i: (i, 0))
    return pl.pallas_call(
        functools.partial(_tc_layer_body, apply_relu, split_out),
        grid=(GRID,),
        in_specs=[
            pl.BlockSpec((2, TN, HALF), lambda i: (0, i, 0)),
            pl.BlockSpec((2, TN, HALF), lambda i: (0, i, 0)),
            pl.BlockSpec((TN, 1), lambda i: (i, 0)),
            pl.BlockSpec((2 * D, D), lambda i: (0, 0)),
            pl.BlockSpec((1, D), lambda i: (0, 0)),
        ],
        out_specs=out_spec,
        out_shape=out_shape,
    )(xs, aggs, deg2d, W, b2d)


@jax.jit
def _run(features, edge_index, W1, b1, W2, b2):
    src = edge_index[0].reshape(NS, CH, K)
    dst = edge_index[1].reshape(NS, CH, K)
    xs = jnp.zeros((2, NP, HALF), jnp.float32).at[:, :N].set(
        jnp.moveaxis(features.reshape(N, 2, HALF), 1, 0))
    zdeg = jnp.zeros((DPT,), jnp.float32)
    ones = jnp.ones((K,), jnp.float32)

    aggs1, deg = _sc_agg_deg(xs, src, dst, zdeg, ones)
    deg2d = deg[:N].reshape(N, 1)
    hs = _tc_layer(xs, aggs1, deg2d, W1, b1.reshape(1, D), True, True)
    (aggs2,) = _sc_agg_nodeg(hs, src, dst, zdeg, ones)
    out = _tc_layer(hs, aggs2, deg2d, W2, b2.reshape(1, D), False, False)
    return out


def kernel(features, edge_index, W1, b1, W2, b2):
    return _run(features, edge_index, W1, b1, W2, b2)

# --- scband reference (transcript-rebuilt; emitter-appended) ---
"""Pipeline reference for scband-graph-sage-20710332301460 (READ-ONLY COPY).

The authoritative reference and input builder live on the scoring server;
editing this copy changes nothing except your own understanding.
"""

import jax, jax.numpy as jnp
import numpy as np

N = 10000
E = 160000
D = 256
H1 = 256
H2 = 256


def setup_inputs(seed: int = 0) -> dict:
    key = jax.random.key(seed)
    k1, k2, k3, k4 = jax.random.split(key, 4)
    features = jax.random.normal(k1, (N, D), dtype=jnp.float32)
    edge_index = jax.random.randint(k2, (2, E), 0, N, dtype=jnp.int32)
    # Xavier-normal init matching init.xavier_normal_
    W1 = jax.random.normal(k3, (2 * D, H1), dtype=jnp.float32) * np.sqrt(2.0 / (2 * D + H1))
    b1 = jnp.zeros((H1,), dtype=jnp.float32)
    W2 = jax.random.normal(k4, (2 * H1, H2), dtype=jnp.float32) * np.sqrt(2.0 / (2 * H1 + H2))
    b2 = jnp.zeros((H2,), dtype=jnp.float32)
    return {"features": features, "edge_index": edge_index, "W1": W1, "b1": b1, "W2": W2, "b2": b2}


def reference(features, edge_index, W1, b1, W2, b2):
    # GraphSAGE with mean aggregator, 2 layers (hidden_dims=[256,256]).
    # The original torch code walks node_layers/mapping/rows (sampled neighborhoods);
    # here the sampled adjacency is expressed as a flat edge list (src -> dst).
    src = edge_index[0]
    dst = edge_index[1]
    num_edges = src.shape[0]
    deg = jax.ops.segment_sum(jnp.ones((num_edges,), dtype=jnp.float32), dst, num_segments=N)
    deg = jnp.clip(deg, 1.0)

    def sage_layer(x, W, b, apply_relu):
        # mean aggregation over in-neighbors (gather + scatter-add)
        msgs = jnp.take(x, src, axis=0)
        agg = jax.ops.segment_sum(msgs, dst, num_segments=N) / deg[:, None]
        h = jnp.concatenate([x, agg], axis=1) @ W + b
        if apply_relu:
            h = jax.nn.relu(h)  # dropout=0.0 -> identity
        return h

    h = sage_layer(features, W1, b1, True)
    out = sage_layer(h, W2, b2, False)  # last layer: no relu/dropout per original code
    return out

if __name__ == "__main__":
    import jax
    _d = setup_inputs()
    print(jax.jit(kernel)(*tuple(_d.values())))

</pallas_src>

<mosaic_0001>
#map = affine_map<(d0, d1) -> (0, 0, 0)>
#map1 = affine_map<(d0, d1) -> (0)>
module attributes {stable_mosaic.version = 14 : i64} {
  func.func @sc_agg(%arg0: i32, %arg1: i32, %arg2: memref<2x10240x128xf32, #tpu.memory_space<hbm>>, %arg3: memref<16x125x80xi32, #tpu.memory_space<hbm>>, %arg4: memref<16x125x80xi32, #tpu.memory_space<hbm>>, %arg5: memref<640xf32, #tpu.memory_space<hbm>>, %arg6: memref<80xf32, #tpu.memory_space<hbm>>, %arg7: memref<2x10240x128xf32, #tpu.memory_space<hbm>>, %arg8: memref<10240x128xf32, #tpu.memory_space<vmem_shared>>, %arg9: memref<10240xf32, #tpu.memory_space<vmem_shared>>, %arg10: memref<125x80xi32, #tpu.memory_space<vmem>>, %arg11: memref<80xi32, #tpu.memory_space<vmem>>, %arg12: memref<80xi32, #tpu.memory_space<vmem>>, %arg13: memref<80x128xf32, #tpu.memory_space<vmem>>, %arg14: memref<80x128xf32, #tpu.memory_space<vmem>>, %arg15: memref<640xf32, #tpu.memory_space<vmem>>, %arg16: memref<80xf32, #tpu.memory_space<vmem>>, %arg17: memref<!tpu.dma_semaphore, #tpu.memory_space<semaphore_mem>>, %arg18: memref<!tpu.dma_semaphore, #tpu.memory_space<semaphore_mem>>, %arg19: memref<!tpu.dma_semaphore, #tpu.memory_space<semaphore_mem>>, %arg20: memref<!tpu.dma_semaphore, #tpu.memory_space<semaphore_mem>>, %arg21: memref<!tpu.dma_semaphore, #tpu.memory_space<semaphore_mem>>, %arg22: memref<!tpu.dma_semaphore, #tpu.memory_space<semaphore_mem>>, %arg23: memref<!tpu.dma_semaphore, #tpu.memory_space<semaphore_mem>>, %arg24: memref<!tpu.dma_semaphore, #tpu.memory_space<semaphore_mem>>) attributes {dimension_semantics = [#tpu.dimension_semantics<core_parallel>, #tpu.dimension_semantics<subcore_parallel>], iteration_bounds = array<i64: 2, 16>, scalar_prefetch = 0 : i64, scratch_operands = 17 : i64, tpu.core_type = #tpu.core_type<sc_vector_subcore>, window_params = [{transform_indices = #map}, {transform_indices = #map}, {transform_indices = #map}, {transform_indices = #map1}, {transform_indices = #map1}, {transform_indices = #map}]} {
    "tpu.region"() ({
      %run_scoped3A = tpu.sem_alloc : memref<!tpu.dma_semaphore, #tpu.memory_space<semaphore_mem>>
      tpu.enqueue_dma source(%arg5 : memref<640xf32, #tpu.memory_space<hbm>>) target(%arg15 : memref<640xf32, #tpu.memory_space<vmem>>) target_semaphore(%run_scoped3A : memref<!tpu.dma_semaphore, #tpu.memory_space<semaphore_mem>>)
      tpu.wait_dma2 semaphore(%run_scoped3A : memref<!tpu.dma_semaphore, #tpu.memory_space<semaphore_mem>>) src(%arg5 : memref<640xf32, #tpu.memory_space<hbm>>) dst(%arg15 : memref<640xf32, #tpu.memory_space<vmem>>)
      tpu.yield
    }) : () -> ()
    "tpu.region"() ({
      %run_scoped3A = tpu.sem_alloc : memref<!tpu.dma_semaphore, #tpu.memory_space<semaphore_mem>>
      tpu.enqueue_dma source(%arg6 : memref<80xf32, #tpu.memory_space<hbm>>) target(%arg16 : memref<80xf32, #tpu.memory_space<vmem>>) target_semaphore(%run_scoped3A : memref<!tpu.dma_semaphore, #tpu.memory_space<semaphore_mem>>)
      tpu.wait_dma2 semaphore(%run_scoped3A : memref<!tpu.dma_semaphore, #tpu.memory_space<semaphore_mem>>) src(%arg6 : memref<80xf32, #tpu.memory_space<hbm>>) dst(%arg16 : memref<80xf32, #tpu.memory_space<vmem>>)
      tpu.yield
    }) : () -> ()
    "tpu.region"() ({
      %run_scoped3A = tpu.sem_alloc : memref<!tpu.dma_semaphore, #tpu.memory_space<semaphore_mem>>
      %dma_start3A = arith.constant 0 : i32
      %dma_start3A_54 = arith.constant 0 : i32
      %dma_start3A_55 = tpu.memref_slice %arg3[%arg1, %dma_start3A, %dma_start3A_54] : memref<16x125x80xi32, #tpu.memory_space<hbm>> -> memref<1x125x80xi32, #tpu.memory_space<hbm>>
      %dma_start3A_56 = tpu.memref_squeeze %dma_start3A_55 : memref<1x125x80xi32, #tpu.memory_space<hbm>> -> memref<125x80xi32, #tpu.memory_space<hbm>>
      %dma_start3A_57 = arith.constant 0 : i32
      %dma_start3A_58 = arith.constant 0 : i32
      %dma_start3A_59 = tpu.memref_slice %arg3[%arg1, %dma_start3A_57, %dma_start3A_58] : memref<16x125x80xi32, #tpu.memory_space<hbm>> -> memref<1x125x80xi32, #tpu.memory_space<hbm>>
      %dma_start3A_60 = tpu.memref_squeeze %dma_start3A_59 : memref<1x125x80xi32, #tpu.memory_space<hbm>> -> memref<125x80xi32, #tpu.memory_space<hbm>>
      tpu.enqueue_dma source(%dma_start3A_60 : memref<125x80xi32, #tpu.memory_space<hbm>>) target(%arg10 : memref<125x80xi32, #tpu.memory_space<vmem>>) target_semaphore(%run_scoped3A : memref<!tpu.dma_semaphore, #tpu.memory_space<semaphore_mem>>)
      %dma_wait3A = arith.constant 0 : i32
      %dma_wait3A_61 = arith.constant 0 : i32
      %dma_wait3A_62 = tpu.memref_slice %arg3[%arg1, %dma_wait3A, %dma_wait3A_61] : memref<16x125x80xi32, #tpu.memory_space<hbm>> -> memref<1x125x80xi32, #tpu.memory_space<hbm>>
      %dma_wait3A_63 = tpu.memref_squeeze %dma_wait3A_62 : memref<1x125x80xi32, #tpu.memory_space<hbm>> -> memref<125x80xi32, #tpu.memory_space<hbm>>
      %dma_wait3A_64 = arith.constant 0 : i32
      %dma_wait3A_65 = arith.constant 0 : i32
      %dma_wait3A_66 = tpu.memref_slice %arg3[%arg1, %dma_wait3A_64, %dma_wait3A_65] : memref<16x125x80xi32, #tpu.memory_space<hbm>> -> memref<1x125x80xi32, #tpu.memory_space<hbm>>
      %dma_wait3A_67 = tpu.memref_squeeze %dma_wait3A_66 : memref<1x125x80xi32, #tpu.memory_space<hbm>> -> memref<125x80xi32, #tpu.memory_space<hbm>>
      tpu.wait_dma2 semaphore(%run_scoped3A : memref<!tpu.dma_semaphore, #tpu.memory_space<semaphore_mem>>) src(%dma_wait3A_67 : memref<125x80xi32, #tpu.memory_space<hbm>>) dst(%arg10 : memref<125x80xi32, #tpu.memory_space<vmem>>)
      tpu.yield
    }) : () -> ()
    %broadcast_in_dim3A = arith.constant 0.000000e+00 : f32
    %broadcast_in_dim3A_0 = vector.broadcast %broadcast_in_dim3A : f32 to vector<16xf32>
    %scan3A = arith.constant 0 : i32
    %scan3A_1 = arith.constant 0 : i32
    %scan3A_2 = arith.constant 640 : i32
    %scan3A_3 = arith.addi %scan3A_1, %scan3A_2 : i32
    %scan3A_4 = arith.constant 1 : i32
    scf.for %scan3A_54 = %scan3A_1 to %scan3A_3 step %scan3A_4  : i32 {
      %jit3A = arith.constant 8 : i32
      %div3A = arith.divsi %scan3A_54, %jit3A : i32
      %sign3A = arith.constant 0 : i32
      %sign3A_55 = arith.cmpi sgt, %scan3A_54, %sign3A : i32
      %sign3A_56 = arith.extui %sign3A_55 : i1 to i32
      %sign3A_57 = arith.constant 0 : i32
      %sign3A_58 = arith.cmpi slt, %scan3A_54, %sign3A_57 : i32
      %sign3A_59 = arith.extui %sign3A_58 : i1 to i32
      %sign3A_60 = arith.subi %sign3A_56, %sign3A_59 : i32
      %sign3A_61 = arith.constant 0 : i32
      %sign3A_62 = arith.cmpi sgt, %jit3A, %sign3A_61 : i32
      %sign3A_63 = arith.extui %sign3A_62 : i1 to i32
      %sign3A_64 = arith.constant 0 : i32
      %sign3A_65 = arith.cmpi slt, %jit3A, %sign3A_64 : i32
      %sign3A_66 = arith.extui %sign3A_65 : i1 to i32
      %sign3A_67 = arith.subi %sign3A_63, %sign3A_66 : i32
      %ne3A = arith.cmpi ne, %sign3A_60, %sign3A_67 : i32
      %rem3A = arith.remsi %scan3A_54, %jit3A : i32
      %ne3A_68 = arith.constant 0 : i32
      %ne3A_69 = arith.cmpi ne, %rem3A, %ne3A_68 : i32
      %and3A = arith.andi %ne3A, %ne3A_69 : i1
      %sub3A = arith.constant 1 : i32
      %sub3A_70 = arith.subi %div3A, %sub3A : i32
      %select_n3A = arith.select %and3A, %sub3A_70, %div3A : i32
      %jit3A_71 = arith.constant 8 : i32
      %eq3A_72 = arith.constant 0 : i32
      %eq3A_73 = arith.cmpi eq, %jit3A_71, %eq3A_72 : i32
      %jit3A_74 = arith.constant 1 : i32
      %select_n3A_75 = arith.select %eq3A_73, %jit3A_74, %jit3A_71 : i32
      %rem3A_76 = arith.remsi %scan3A_54, %select_n3A_75 : i32
      %ne3A_77 = arith.constant 0 : i32
      %ne3A_78 = arith.cmpi ne, %rem3A_76, %ne3A_77 : i32
      %lt3A = arith.constant 0 : i32
      %lt3A_79 = arith.cmpi slt, %rem3A_76, %lt3A : i32
      %lt3A_80 = arith.constant 0 : i32
      %lt3A_81 = arith.cmpi slt, %select_n3A_75, %lt3A_80 : i32
      %ne3A_82 = arith.xori %lt3A_79, %lt3A_81 : i1
      %and3A_83 = arith.andi %ne3A_82, %ne3A_78 : i1
      %add3A_84 = arith.addi %rem3A_76, %select_n3A_75 : i32
      %select_n3A_85 = arith.select %and3A_83, %add3A_84, %rem3A_76 : i32
      %mul3A_86 = arith.constant 16 : i32
      %mul3A_87 = arith.muli %select_n3A_85, %mul3A_86 : i32
      %swap3A = arith.index_cast %select_n3A : i32 to index
      %swap3A_88 = arith.index_cast %mul3A_87 : i32 to index
      %swap3A_89 = tpu.vector_load %arg13[%swap3A, %swap3A_88] {strides = array<i32>} : memref<80x128xf32, #tpu.memory_space<vmem>>, vector<1x16xf32>,
      %swap3A_90 = vector.shape_cast %swap3A_89 : vector<1x16xf32> to vector<16xf32>
      %swap3A_91 = vector.shape_cast %broadcast_in_dim3A_0 : vector<16xf32> to vector<1x16xf32>
      tpu.vector_store %arg13[%swap3A, %swap3A_88], %swap3A_91 {strides = array<i32>} : memref<80x128xf32, #tpu.memory_space<vmem>>, vector<1x16xf32>,
    }
    %scan3A_5 = arith.constant 640 : i32
    %mul3A = arith.constant 640 : i32
    %mul3A_6 = arith.muli %arg1, %mul3A : i32
    %add3A = arith.constant 0 : i32
    %add3A_7 = arith.addi %mul3A_6, %add3A : i32
    "tpu.region"() ({
      %run_scoped3A = tpu.sem_alloc : memref<!tpu.dma_semaphore, #tpu.memory_space<semaphore_mem>>
      %dma_start3A = arith.constant 0 : i32
      %dma_start3A_54 = tpu.memref_slice %arg8[%add3A_7, %dma_start3A] : memref<10240x128xf32, #tpu.memory_space<vmem_shared>> -> memref<80x128xf32, #tpu.memory_space<vmem_shared>>
      %dma_start3A_55 = arith.constant 0 : i32
      %dma_start3A_56 = tpu.memref_slice %arg8[%add3A_7, %dma_start3A_55] : memref<10240x128xf32, #tpu.memory_space<vmem_shared>> -> memref<80x128xf32, #tpu.memory_space<vmem_shared>>
      tpu.enqueue_dma source(%arg13 : memref<80x128xf32, #tpu.memory_space<vmem>>) target(%dma_start3A_56 : memref<80x128xf32, #tpu.memory_space<vmem_shared>>) target_semaphore(%run_scoped3A : memref<!tpu.dma_semaphore, #tpu.memory_space<semaphore_mem>>)
      %dma_wait3A = arith.constant 0 : i32
      %dma_wait3A_57 = tpu.memref_slice %arg8[%add3A_7, %dma_wait3A] : memref<10240x128xf32, #tpu.memory_space<vmem_shared>> -> memref<80x128xf32, #tpu.memory_space<vmem_shared>>
      %dma_wait3A_58 = arith.constant 0 : i32
      %dma_wait3A_59 = tpu.memref_slice %arg8[%add3A_7, %dma_wait3A_58] : memref<10240x128xf32, #tpu.memory_space<vmem_shared>> -> memref<80x128xf32, #tpu.memory_space<vmem_shared>>
      tpu.wait_dma2 semaphore(%run_scoped3A : memref<!tpu.dma_semaphore, #tpu.memory_space<semaphore_mem>>) src(%arg13 : memref<80x128xf32, #tpu.memory_space<vmem>>) dst(%dma_wait3A_59 : memref<80x128xf32, #tpu.memory_space<vmem_shared>>)
      tpu.yield
    }) : () -> ()
    %mul3A_8 = arith.constant 640 : i32
    %mul3A_9 = arith.muli %arg1, %mul3A_8 : i32
    %add3A_10 = arith.constant 80 : i32
    %add3A_11 = arith.addi %mul3A_9, %add3A_10 : i32
    "tpu.region"() ({
      %run_scoped3A = tpu.sem_alloc : memref<!tpu.dma_semaphore, #tpu.memory_space<semaphore_mem>>
      %dma_start3A = arith.constant 0 : i32
      %dma_start3A_54 = tpu.memref_slice %arg8[%add3A_11, %dma_start3A] : memref<10240x128xf32, #tpu.memory_space<vmem_shared>> -> memref<80x128xf32, #tpu.memory_space<vmem_shared>>
      %dma_start3A_55 = arith.constant 0 : i32
      %dma_start3A_56 = tpu.memref_slice %arg8[%add3A_11, %dma_start3A_55] : memref<10240x128xf32, #tpu.memory_space<vmem_shared>> -> memref<80x128xf32, #tpu.memory_space<vmem_shared>>
      tpu.enqueue_dma source(%arg13 : memref<80x128xf32, #tpu.memory_space<vmem>>) target(%dma_start3A_56 : memref<80x128xf32, #tpu.memory_space<vmem_shared>>) target_semaphore(%run_scoped3A : memref<!tpu.dma_semaphore, #tpu.memory_space<semaphore_mem>>)
      %dma_wait3A = arith.constant 0 : i32
      %dma_wait3A_57 = tpu.memref_slice %arg8[%add3A_11, %dma_wait3A] : memref<10240x128xf32, #tpu.memory_space<vmem_shared>> -> memref<80x128xf32, #tpu.memory_space<vmem_shared>>
      %dma_wait3A_58 = arith.constant 0 : i32
      %dma_wait3A_59 = tpu.memref_slice %arg8[%add3A_11, %dma_wait3A_58] : memref<10240x128xf32, #tpu.memory_space<vmem_shared>> -> memref<80x128xf32, #tpu.memory_space<vmem_shared>>
      tpu.wait_dma2 semaphore(%run_scoped3A : memref<!tpu.dma_semaphore, #tpu.memory_space<semaphore_mem>>) src(%arg13 : memref<80x128xf32, #tpu.memory_space<vmem>>) dst(%dma_wait3A_59 : memref<80x128xf32, #tpu.memory_space<vmem_shared>>)
      tpu.yield
    }) : () -> ()
    %mul3A_12 = arith.constant 640 : i32
    %mul3A_13 = arith.muli %arg1, %mul3A_12 : i32
    %add3A_14 = arith.constant 160 : i32
    %add3A_15 = arith.addi %mul3A_13, %add3A_14 : i32
    "tpu.region"() ({
      %run_scoped3A = tpu.sem_alloc : memref<!tpu.dma_semaphore, #tpu.memory_space<semaphore_mem>>
      %dma_start3A = arith.constant 0 : i32
      %dma_start3A_54 = tpu.memref_slice %arg8[%add3A_15, %dma_start3A] : memref<10240x128xf32, #tpu.memory_space<vmem_shared>> -> memref<80x128xf32, #tpu.memory_space<vmem_shared>>
      %dma_start3A_55 = arith.constant 0 : i32
      %dma_start3A_56 = tpu.memref_slice %arg8[%add3A_15, %dma_start3A_55] : memref<10240x128xf32, #tpu.memory_space<vmem_shared>> -> memref<80x128xf32, #tpu.memory_space<vmem_shared>>
      tpu.enqueue_dma source(%arg13 : memref<80x128xf32, #tpu.memory_space<vmem>>) target(%dma_start3A_56 : memref<80x128xf32, #tpu.memory_space<vmem_shared>>) target_semaphore(%run_scoped3A : memref<!tpu.dma_semaphore, #tpu.memory_space<semaphore_mem>>)
      %dma_wait3A = arith.constant 0 : i32
      %dma_wait3A_57 = tpu.memref_slice %arg8[%add3A_15, %dma_wait3A] : memref<10240x128xf32, #tpu.memory_space<vmem_shared>> -> memref<80x128xf32, #tpu.memory_space<vmem_shared>>
      %dma_wait3A_58 = arith.constant 0 : i32
      %dma_wait3A_59 = tpu.memref_slice %arg8[%add3A_15, %dma_wait3A_58] : memref<10240x128xf32, #tpu.memory_space<vmem_shared>> -> memref<80x128xf32, #tpu.memory_space<vmem_shared>>
      tpu.wait_dma2 semaphore(%run_scoped3A : memref<!tpu.dma_semaphore, #tpu.memory_space<semaphore_mem>>) src(%arg13 : memref<80x128xf32, #tpu.memory_space<vmem>>) dst(%dma_wait3A_59 : memref<80x128xf32, #tpu.memory_space<vmem_shared>>)
      tpu.yield
    }) : () -> ()
    %mul3A_16 = arith.constant 640 : i32
    %mul3A_17 = arith.muli %arg1, %mul3A_16 : i32
    %add3A_18 = arith.constant 240 : i32
    %add3A_19 = arith.addi %mul3A_17, %add3A_18 : i32
    "tpu.region"() ({
      %run_scoped3A = tpu.sem_alloc : memref<!tpu.dma_semaphore, #tpu.memory_space<semaphore_mem>>
      %dma_start3A = arith.constant 0 : i32
      %dma_start3A_54 = tpu.memref_slice %arg8[%add3A_19, %dma_start3A] : memref<10240x128xf32, #tpu.memory_space<vmem_shared>> -> memref<80x128xf32, #tpu.memory_space<vmem_shared>>
      %dma_start3A_55 = arith.constant 0 : i32
      %dma_start3A_56 = tpu.memref_slice %arg8[%add3A_19, %dma_start3A_55] : memref<10240x128xf32, #tpu.memory_space<vmem_shared>> -> memref<80x128xf32, #tpu.memory_space<vmem_shared>>
      tpu.enqueue_dma source(%arg13 : memref<80x128xf32, #tpu.memory_space<vmem>>) target(%dma_start3A_56 : memref<80x128xf32, #tpu.memory_space<vmem_shared>>) target_semaphore(%run_scoped3A : memref<!tpu.dma_semaphore, #tpu.memory_space<semaphore_mem>>)
      %dma_wait3A = arith.constant 0 : i32
      %dma_wait3A_57 = tpu.memref_slice %arg8[%add3A_19, %dma_wait3A] : memref<10240x128xf32, #tpu.memory_space<vmem_shared>> -> memref<80x128xf32, #tpu.memory_space<vmem_shared>>
      %dma_wait3A_58 = arith.constant 0 : i32
      %dma_wait3A_59 = tpu.memref_slice %arg8[%add3A_19, %dma_wait3A_58] : memref<10240x128xf32, #tpu.memory_space<vmem_shared>> -> memref<80x128xf32, #tpu.memory_space<vmem_shared>>
      tpu.wait_dma2 semaphore(%run_scoped3A : memref<!tpu.dma_semaphore, #tpu.memory_space<semaphore_mem>>) src(%arg13 : memref<80x128xf32, #tpu.memory_space<vmem>>) dst(%dma_wait3A_59 : memref<80x128xf32, #tpu.memory_space<vmem_shared>>)
      tpu.yield
    }) : () -> ()
    %mul3A_20 = arith.constant 640 : i32
    %mul3A_21 = arith.muli %arg1, %mul3A_20 : i32
    %add3A_22 = arith.constant 320 : i32
    %add3A_23 = arith.addi %mul3A_21, %add3A_22 : i32
    "tpu.region"() ({
      %run_scoped3A = tpu.sem_alloc : memref<!tpu.dma_semaphore, #tpu.memory_space<semaphore_mem>>
      %dma_start3A = arith.constant 0 : i32
      %dma_start3A_54 = tpu.memref_slice %arg8[%add3A_23, %dma_start3A] : memref<10240x128xf32, #tpu.memory_space<vmem_shared>> -> memref<80x128xf32, #tpu.memory_space<vmem_shared>>
      %dma_start3A_55 = arith.constant 0 : i32
      %dma_start3A_56 = tpu.memref_slice %arg8[%add3A_23, %dma_start3A_55] : memref<10240x128xf32, #tpu.memory_space<vmem_shared>> -> memref<80x128xf32, #tpu.memory_space<vmem_shared>>
      tpu.enqueue_dma source(%arg13 : memref<80x128xf32, #tpu.memory_space<vmem>>) target(%dma_start3A_56 : memref<80x128xf32, #tpu.memory_space<vmem_shared>>) target_semaphore(%run_scoped3A : memref<!tpu.dma_semaphore, #tpu.memory_space<semaphore_mem>>)
      %dma_wait3A = arith.constant 0 : i32
      %dma_wait3A_57 = tpu.memref_slice %arg8[%add3A_23, %dma_wait3A] : memref<10240x128xf32, #tpu.memory_space<vmem_shared>> -> memref<80x128xf32, #tpu.memory_space<vmem_shared>>
      %dma_wait3A_58 = arith.constant 0 : i32
      %dma_wait3A_59 = tpu.memref_slice %arg8[%add3A_23, %dma_wait3A_58] : memref<10240x128xf32, #tpu.memory_space<vmem_shared>> -> memref<80x128xf32, #tpu.memory_space<vmem_shared>>
      tpu.wait_dma2 semaphore(%run_scoped3A : memref<!tpu.dma_semaphore, #tpu.memory_space<semaphore_mem>>) src(%arg13 : memref<80x128xf32, #tpu.memory_space<vmem>>) dst(%dma_wait3A_59 : memref<80x128xf32, #tpu.memory_space<vmem_shared>>)
      tpu.yield
    }) : () -> ()
    %mul3A_24 = arith.constant 640 : i32
    %mul3A_25 = arith.muli %arg1, %mul3A_24 : i32
    %add3A_26 = arith.constant 400 : i32
    %add3A_27 = arith.addi %mul3A_25, %add3A_26 : i32
    "tpu.region"() ({
      %run_scoped3A = tpu.sem_alloc : memref<!tpu.dma_semaphore, #tpu.memory_space<semaphore_mem>>
      %dma_start3A = arith.constant 0 : i32
      %dma_start3A_54 = tpu.memref_slice %arg8[%add3A_27, %dma_start3A] : memref<10240x128xf32, #tpu.memory_space<vmem_shared>> -> memref<80x128xf32, #tpu.memory_space<vmem_shared>>
      %dma_start3A_55 = arith.constant 0 : i32
      %dma_start3A_56 = tpu.memref_slice %arg8[%add3A_27, %dma_start3A_55] : memref<10240x128xf32, #tpu.memory_space<vmem_shared>> -> memref<80x128xf32, #tpu.memory_space<vmem_shared>>
      tpu.enqueue_dma source(%arg13 : memref<80x128xf32, #tpu.memory_space<vmem>>) target(%dma_start3A_56 : memref<80x128xf32, #tpu.memory_space<vmem_shared>>) target_semaphore(%run_scoped3A : memref<!tpu.dma_semaphore, #tpu.memory_space<semaphore_mem>>)
      %dma_wait3A = arith.constant 0 : i32
      %dma_wait3A_57 = tpu.memref_slice %arg8[%add3A_27, %dma_wait3A] : memref<10240x128xf32, #tpu.memory_space<vmem_shared>> -> memref<80x128xf32, #tpu.memory_space<vmem_shared>>
      %dma_wait3A_58 = arith.constant 0 : i32
      %dma_wait3A_59 = tpu.memref_slice %arg8[%add3A_27, %dma_wait3A_58] : memref<10240x128xf32, #tpu.memory_space<vmem_shared>> -> memref<80x128xf32, #tpu.memory_space<vmem_shared>>
      tpu.wait_dma2 semaphore(%run_scoped3A : memref<!tpu.dma_semaphore, #tpu.memory_space<semaphore_mem>>) src(%arg13 : memref<80x128xf32, #tpu.memory_space<vmem>>) dst(%dma_wait3A_59 : memref<80x128xf32, #tpu.memory_space<vmem_shared>>)
      tpu.yield
    }) : () -> ()
    %mul3A_28 = arith.constant 640 : i32
    %mul3A_29 = arith.muli %arg1, %mul3A_28 : i32
    %add3A_30 = arith.constant 480 : i32
    %add3A_31 = arith.addi %mul3A_29, %add3A_30 : i32
    "tpu.region"() ({
      %run_scoped3A = tpu.sem_alloc : memref<!tpu.dma_semaphore, #tpu.memory_space<semaphore_mem>>
      %dma_start3A = arith.constant 0 : i32
      %dma_start3A_54 = tpu.memref_slice %arg8[%add3A_31, %dma_start3A] : memref<10240x128xf32, #tpu.memory_space<vmem_shared>> -> memref<80x128xf32, #tpu.memory_space<vmem_shared>>
      %dma_start3A_55 = arith.constant 0 : i32
      %dma_start3A_56 = tpu.memref_slice %arg8[%add3A_31, %dma_start3A_55] : memref<10240x128xf32, #tpu.memory_space<vmem_shared>> -> memref<80x128xf32, #tpu.memory_space<vmem_shared>>
      tpu.enqueue_dma source(%arg13 : memref<80x128xf32, #tpu.memory_space<vmem>>) target(%dma_start3A_56 : memref<80x128xf32, #tpu.memory_space<vmem_shared>>) target_semaphore(%run_scoped3A : memref<!tpu.dma_semaphore, #tpu.memory_space<semaphore_mem>>)
      %dma_wait3A = arith.constant 0 : i32
      %dma_wait3A_57 = tpu.memref_slice %arg8[%add3A_31, %dma_wait3A] : memref<10240x128xf32, #tpu.memory_space<vmem_shared>> -> memref<80x128xf32, #tpu.memory_space<vmem_shared>>
      %dma_wait3A_58 = arith.constant 0 : i32
      %dma_wait3A_59 = tpu.memref_slice %arg8[%add3A_31, %dma_wait3A_58] : memref<10240x128xf32, #tpu.memory_space<vmem_shared>> -> memref<80x128xf32, #tpu.memory_space<vmem_shared>>
      tpu.wait_dma2 semaphore(%run_scoped3A : memref<!tpu.dma_semaphore, #tpu.memory_space<semaphore_mem>>) src(%arg13 : memref<80x128xf32, #tpu.memory_space<vmem>>) dst(%dma_wait3A_59 : memref<80x128xf32, #tpu.memory_space<vmem_shared>>)
      tpu.yield
    }) : () -> ()
    %mul3A_32 = arith.constant 640 : i32
    %mul3A_33 = arith.muli %arg1, %mul3A_32 : i32
    %add3A_34 = arith.constant 560 : i32
    %add3A_35 = arith.addi %mul3A_33, %add3A_34 : i32
    "tpu.region"() ({
      %run_scoped3A = tpu.sem_alloc : memref<!tpu.dma_semaphore, #tpu.memory_space<semaphore_mem>>
      %dma_start3A = arith.constant 0 : i32
      %dma_start3A_54 = tpu.memref_slice %arg8[%add3A_35, %dma_start3A] : memref<10240x128xf32, #tpu.memory_space<vmem_shared>> -> memref<80x128xf32, #tpu.memory_space<vmem_shared>>
      %dma_start3A_55 = arith.constant 0 : i32
      %dma_start3A_56 = tpu.memref_slice %arg8[%add3A_35, %dma_start3A_55] : memref<10240x128xf32, #tpu.memory_space<vmem_shared>> -> memref<80x128xf32, #tpu.memory_space<vmem_shared>>
      tpu.enqueue_dma source(%arg13 : memref<80x128xf32, #tpu.memory_space<vmem>>) target(%dma_start3A_56 : memref<80x128xf32, #tpu.memory_space<vmem_shared>>) target_semaphore(%run_scoped3A : memref<!tpu.dma_semaphore, #tpu.memory_space<semaphore_mem>>)
      %dma_wait3A = arith.constant 0 : i32
      %dma_wait3A_57 = tpu.memref_slice %arg8[%add3A_35, %dma_wait3A] : memref<10240x128xf32, #tpu.memory_space<vmem_shared>> -> memref<80x128xf32, #tpu.memory_space<vmem_shared>>
      %dma_wait3A_58 = arith.constant 0 : i32
      %dma_wait3A_59 = tpu.memref_slice %arg8[%add3A_35, %dma_wait3A_58] : memref<10240x128xf32, #tpu.memory_space<vmem_shared>> -> memref<80x128xf32, #tpu.memory_space<vmem_shared>>
      tpu.wait_dma2 semaphore(%run_scoped3A : memref<!tpu.dma_semaphore, #tpu.memory_space<semaphore_mem>>) src(%arg13 : memref<80x128xf32, #tpu.memory_space<vmem>>) dst(%dma_wait3A_59 : memref<80x128xf32, #tpu.memory_space<vmem_shared>>)
      tpu.yield
    }) : () -> ()
    %barrier3A = arith.constant 0 : index
    tpu.barrier barrier_id(%barrier3A)
    %eq3A = arith.constant 0 : i32
    %eq3A_36 = arith.cmpi eq, %arg0, %eq3A : i32
    %convert_element_type3A = arith.extui %eq3A_36 : i1 to i32
    %cond3A = arith.constant 0 : i32
    %cond3A_37 = arith.cmpi ne, %convert_element_type3A, %cond3A : i32
    scf.if %cond3A_37 {
      %dma_start3A = arith.constant 0 : i32
      %dma_start3A_54 = arith.constant 0 : i32
      %dma_start3A_55 = arith.constant 0 : i32
      %dma_start3A_56 = tpu.memref_slice %arg10[%dma_start3A_54, %dma_start3A_55] : memref<125x80xi32, #tpu.memory_space<vmem>> -> memref<1x80xi32, #tpu.memory_space<vmem>>
      %dma_start3A_57 = tpu.memref_squeeze %dma_start3A_56 : memref<1x80xi32, #tpu.memory_space<vmem>> -> memref<80xi32, #tpu.memory_space<vmem>>
      %dma_start3A_58 = arith.constant 0 : i32
      %dma_start3A_59 = arith.constant 0 : i32
      %dma_start3A_60 = tpu.memref_slice %arg2[%dma_start3A, %dma_start3A_58, %dma_start3A_59] : memref<2x10240x128xf32, #tpu.memory_space<hbm>> -> memref<1x10240x128xf32, #tpu.memory_space<hbm>>
      %dma_start3A_61 = tpu.memref_squeeze %dma_start3A_60 : memref<1x10240x128xf32, #tpu.memory_space<hbm>> -> memref<10240x128xf32, #tpu.memory_space<hbm>>
      %dma_start3A_62 = arith.constant 0 : i32
      %dma_start3A_63 = arith.constant 0 : i32
      %dma_start3A_64 = tpu.memref_slice %dma_start3A_61[%dma_start3A_62, %dma_start3A_63] : memref<10240x128xf32, #tpu.memory_space<hbm>> -> memref<10240x128xf32, #tpu.memory_space<hbm>>
      tpu.enqueue_indirect_dma source(%dma_start3A_64 : memref<10240x128xf32, #tpu.memory_space<hbm>>) target(%arg13 : memref<80x128xf32, #tpu.memory_space<vmem>>) offsets(%dma_start3A_57 : memref<80xi32, #tpu.memory_space<vmem>>) semaphore(%arg17 : memref<!tpu.dma_semaphore, #tpu.memory_space<semaphore_mem>>)
      %dma_start3A_65 = arith.constant 0 : i32
      %dma_start3A_66 = arith.constant 0 : i32
      %dma_start3A_67 = tpu.memref_slice %arg4[%arg1, %dma_start3A_65, %dma_start3A_66] : memref<16x125x80xi32, #tpu.memory_space<hbm>> -> memref<1x1x80xi32, #tpu.memory_space<hbm>>
      %dma_start3A_68 = tpu.memref_squeeze %dma_start3A_67 : memref<1x1x80xi32, #tpu.memory_space<hbm>> -> memref<80xi32, #tpu.memory_space<hbm>>
      %dma_start3A_69 = arith.constant 0 : i32
      %dma_start3A_70 = tpu.memref_slice %arg4[%arg1, %dma_start3A_65, %dma_start3A_69] : memref<16x125x80xi32, #tpu.memory_space<hbm>> -> memref<1x1x80xi32, #tpu.memory_space<hbm>>
      %dma_start3A_71 = tpu.memref_squeeze %dma_start3A_70 : memref<1x1x80xi32, #tpu.memory_space<hbm>> -> memref<80xi32, #tpu.memory_space<hbm>>
      tpu.enqueue_dma source(%dma_start3A_71 : memref<80xi32, #tpu.memory_space<hbm>>) target(%arg11 : memref<80xi32, #tpu.memory_space<vmem>>) target_semaphore(%arg19 : memref<!tpu.dma_semaphore, #tpu.memory_space<semaphore_mem>>)
      %dma_start3A_72 = arith.constant 0 : i32
      %dma_start3A_73 = arith.constant 1 : i32
      %dma_start3A_74 = arith.constant 0 : i32
      %dma_start3A_75 = tpu.memref_slice %arg10[%dma_start3A_73, %dma_start3A_74] : memref<125x80xi32, #tpu.memory_space<vmem>> -> memref<1x80xi32, #tpu.memory_space<vmem>>
      %dma_start3A_76 = tpu.memref_squeeze %dma_start3A_75 : memref<1x80xi32, #tpu.memory_space<vmem>> -> memref<80xi32, #tpu.memory_space<vmem>>
      %dma_start3A_77 = arith.constant 0 : i32
      %dma_start3A_78 = arith.constant 0 : i32
      %dma_start3A_79 = tpu.memref_slice %arg2[%dma_start3A_72, %dma_start3A_77, %dma_start3A_78] : memref<2x10240x128xf32, #tpu.memory_space<hbm>> -> memref<1x10240x128xf32, #tpu.memory_space<hbm>>
      %dma_start3A_80 = tpu.memref_squeeze %dma_start3A_79 : memref<1x10240x128xf32, #tpu.memory_space<hbm>> -> memref<10240x128xf32, #tpu.memory_space<hbm>>
      %dma_start3A_81 = arith.constant 0 : i32
      %dma_start3A_82 = arith.constant 0 : i32
      %dma_start3A_83 = tpu.memref_slice %dma_start3A_80[%dma_start3A_81, %dma_start3A_82] : memref<10240x128xf32, #tpu.memory_space<hbm>> -> memref<10240x128xf32, #tpu.memory_space<hbm>>
      tpu.enqueue_indirect_dma source(%dma_start3A_83 : memref<10240x128xf32, #tpu.memory_space<hbm>>) target(%arg14 : memref<80x128xf32, #tpu.memory_space<vmem>>) offsets(%dma_start3A_76 : memref<80xi32, #tpu.memory_space<vmem>>) semaphore(%arg18 : memref<!tpu.dma_semaphore, #tpu.memory_space<semaphore_mem>>)
      %dma_start3A_84 = arith.constant 1 : i32
      %dma_start3A_85 = arith.constant 0 : i32
      %dma_start3A_86 = tpu.memref_slice %arg4[%arg1, %dma_start3A_84, %dma_start3A_85] : memref<16x125x80xi32, #tpu.memory_space<hbm>> -> memref<1x1x80xi32, #tpu.memory_space<hbm>>
      %dma_start3A_87 = tpu.memref_squeeze %dma_start3A_86 : memref<1x1x80xi32, #tpu.memory_space<hbm>> -> memref<80xi32, #tpu.memory_space<hbm>>
      %dma_start3A_88 = arith.constant 0 : i32
      %dma_start3A_89 = tpu.memref_slice %arg4[%arg1, %dma_start3A_84, %dma_start3A_88] : memref<16x125x80xi32, #tpu.memory_space<hbm>> -> memref<1x1x80xi32, #tpu.memory_space<hbm>>
      %dma_start3A_90 = tpu.memref_squeeze %dma_start3A_89 : memref<1x1x80xi32, #tpu.memory_space<hbm>> -> memref<80xi32, #tpu.memory_space<hbm>>
      tpu.enqueue_dma source(%dma_start3A_90 : memref<80xi32, #tpu.memory_space<hbm>>) target(%arg12 : memref<80xi32, #tpu.memory_space<vmem>>) target_semaphore(%arg20 : memref<!tpu.dma_semaphore, #tpu.memory_space<semaphore_mem>>)
      %scan3A_91 = arith.constant 0 : i32
      %scan3A_92 = arith.constant 0 : i32
      %scan3A_93 = arith.constant 0 : i32
      %scan3A_94 = arith.constant 63 : i32
      %scan3A_95 = arith.addi %scan3A_93, %scan3A_94 : i32
      %scan3A_96 = arith.constant 1 : i32
      scf.for %scan3A_98 = %scan3A_93 to %scan3A_95 step %scan3A_96  : i32 {
        %mul3A_99 = arith.constant 2 : i32
        %mul3A_100 = arith.muli %mul3A_99, %scan3A_98 : i32
        %add3A_101 = arith.constant 1 : i32
        %add3A_102 = arith.addi %mul3A_100, %add3A_101 : i32
        %dma_wait3A = arith.constant 0 : i32
        %dma_wait3A_103 = tpu.memref_slice %arg10[%mul3A_100, %dma_wait3A] : memref<125x80xi32, #tpu.memory_space<vmem>> -> memref<1x80xi32, #tpu.memory_space<vmem>>
        %dma_wait3A_104 = tpu.memref_squeeze %dma_wait3A_103 : memref<1x80xi32, #tpu.memory_space<vmem>> -> memref<80xi32, #tpu.memory_space<vmem>>
        %dma_wait3A_105 = arith.constant 0 : i32
        %dma_wait3A_106 = arith.constant 0 : i32
        %dma_wait3A_107 = tpu.memref_slice %arg2[%scan3A_92, %dma_wait3A_105, %dma_wait3A_106] : memref<2x10240x128xf32, #tpu.memory_space<hbm>> -> memref<1x10240x128xf32, #tpu.memory_space<hbm>>
        %dma_wait3A_108 = tpu.memref_squeeze %dma_wait3A_107 : memref<1x10240x128xf32, #tpu.memory_space<hbm>> -> memref<10240x128xf32, #tpu.memory_space<hbm>>
        %dma_wait3A_109 = arith.constant 0 : i32
        %dma_wait3A_110 = arith.constant 0 : i32
        %dma_wait3A_111 = tpu.memref_slice %dma_wait3A_108[%dma_wait3A_109, %dma_wait3A_110] : memref<10240x128xf32, #tpu.memory_space<hbm>> -> memref<10240x128xf32, #tpu.memory_space<hbm>>
        tpu.wait_indirect_dma semaphore(%arg17 : memref<!tpu.dma_semaphore, #tpu.memory_space<semaphore_mem>>) src(%dma_wait3A_111 : memref<10240x128xf32, #tpu.memory_space<hbm>>) dst(%arg13 : memref<80x128xf32, #tpu.memory_space<vmem>>)
        %dma_wait3A_112 = arith.constant 0 : i32
        %dma_wait3A_113 = tpu.memref_slice %arg4[%arg1, %mul3A_100, %dma_wait3A_112] : memref<16x125x80xi32, #tpu.memory_space<hbm>> -> memref<1x1x80xi32, #tpu.memory_space<hbm>>
        %dma_wait3A_114 = tpu.memref_squeeze %dma_wait3A_113 : memref<1x1x80xi32, #tpu.memory_space<hbm>> -> memref<80xi32, #tpu.memory_space<hbm>>
        %dma_wait3A_115 = arith.constant 0 : i32
        %dma_wait3A_116 = tpu.memref_slice %arg4[%arg1, %mul3A_100, %dma_wait3A_115] : memref<16x125x80xi32, #tpu.memory_space<hbm>> -> memref<1x1x80xi32, #tpu.memory_space<hbm>>
        %dma_wait3A_117 = tpu.memref_squeeze %dma_wait3A_116 : memref<1x1x80xi32, #tpu.memory_space<hbm>> -> memref<80xi32, #tpu.memory_space<hbm>>
        tpu.wait_dma2 semaphore(%arg19 : memref<!tpu.dma_semaphore, #tpu.memory_space<semaphore_mem>>) src(%dma_wait3A_117 : memref<80xi32, #tpu.memory_space<hbm>>) dst(%arg11 : memref<80xi32, #tpu.memory_space<vmem>>)
        %dma_start3A_118 = arith.constant 0 : i32
        %dma_start3A_119 = arith.constant 0 : i32
        %dma_start3A_120 = tpu.memref_slice %arg8[%dma_start3A_118, %dma_start3A_119] : memref<10240x128xf32, #tpu.memory_space<vmem_shared>> -> memref<10240x128xf32, #tpu.memory_space<vmem_shared>>
        tpu.enqueue_indirect_dma source(%arg13 : memref<80x128xf32, #tpu.memory_space<vmem>>) target(%dma_start3A_120 : memref<10240x128xf32, #tpu.memory_space<vmem_shared>>) offsets(%arg11 : memref<80xi32, #tpu.memory_space<vmem>>) semaphore(%arg21 : memref<!tpu.dma_semaphore, #tpu.memory_space<semaphore_mem>>) {add = true}
        %lt3A = arith.constant 125 : i32
        %lt3A_121 = arith.cmpi slt, %add3A_102, %lt3A : i32
        %convert_element_type3A_122 = arith.extui %lt3A_121 : i1 to i32
        %cond3A_123 = arith.constant 0 : i32
        %cond3A_124 = arith.cmpi ne, %convert_element_type3A_122, %cond3A_123 : i32
        scf.if %cond3A_124 {
          %dma_wait3A_140 = arith.constant 0 : i32
          %dma_wait3A_141 = tpu.memref_slice %arg10[%add3A_102, %dma_wait3A_140] : memref<125x80xi32, #tpu.memory_space<vmem>> -> memref<1x80xi32, #tpu.memory_space<vmem>>
          %dma_wait3A_142 = tpu.memref_squeeze %dma_wait3A_141 : memref<1x80xi32, #tpu.memory_space<vmem>> -> memref<80xi32, #tpu.memory_space<vmem>>
          %dma_wait3A_143 = arith.constant 0 : i32
          %dma_wait3A_144 = arith.constant 0 : i32
          %dma_wait3A_145 = tpu.memref_slice %arg2[%scan3A_92, %dma_wait3A_143, %dma_wait3A_144] : memref<2x10240x128xf32, #tpu.memory_space<hbm>> -> memref<1x10240x128xf32, #tpu.memory_space<hbm>>
          %dma_wait3A_146 = tpu.memref_squeeze %dma_wait3A_145 : memref<1x10240x128xf32, #tpu.memory_space<hbm>> -> memref<10240x128xf32, #tpu.memory_space<hbm>>
          %dma_wait3A_147 = arith.constant 0 : i32
          %dma_wait3A_148 = arith.constant 0 : i32
          %dma_wait3A_149 = tpu.memref_slice %dma_wait3A_146[%dma_wait3A_147, %dma_wait3A_148] : memref<10240x128xf32, #tpu.memory_space<hbm>> -> memref<10240x128xf32, #tpu.memory_space<hbm>>
          tpu.wait_indirect_dma semaphore(%arg18 : memref<!tpu.dma_semaphore, #tpu.memory_space<semaphore_mem>>) src(%dma_wait3A_149 : memref<10240x128xf32, #tpu.memory_space<hbm>>) dst(%arg14 : memref<80x128xf32, #tpu.memory_space<vmem>>)
          %dma_wait3A_150 = arith.constant 0 : i32
          %dma_wait3A_151 = tpu.memref_slice %arg4[%arg1, %add3A_102, %dma_wait3A_150] : memref<16x125x80xi32, #tpu.memory_space<hbm>> -> memref<1x1x80xi32, #tpu.memory_space<hbm>>
          %dma_wait3A_152 = tpu.memref_squeeze %dma_wait3A_151 : memref<1x1x80xi32, #tpu.memory_space<hbm>> -> memref<80xi32, #tpu.memory_space<hbm>>
          %dma_wait3A_153 = arith.constant 0 : i32
          %dma_wait3A_154 = tpu.memref_slice %arg4[%arg1, %add3A_102, %dma_wait3A_153] : memref<16x125x80xi32, #tpu.memory_space<hbm>> -> memref<1x1x80xi32, #tpu.memory_space<hbm>>
          %dma_wait3A_155 = tpu.memref_squeeze %dma_wait3A_154 : memref<1x1x80xi32, #tpu.memory_space<hbm>> -> memref<80xi32, #tpu.memory_space<hbm>>
          tpu.wait_dma2 semaphore(%arg20 : memref<!tpu.dma_semaphore, #tpu.memory_space<semaphore_mem>>) src(%dma_wait3A_155 : memref<80xi32, #tpu.memory_space<hbm>>) dst(%arg12 : memref<80xi32, #tpu.memory_space<vmem>>)
          %dma_start3A_156 = arith.constant 0 : i32
          %dma_start3A_157 = arith.constant 0 : i32
          %dma_start3A_158 = tpu.memref_slice %arg8[%dma_start3A_156, %dma_start3A_157] : memref<10240x128xf32, #tpu.memory_space<vmem_shared>> -> memref<10240x128xf32, #tpu.memory_space<vmem_shared>>
          tpu.enqueue_indirect_dma source(%arg14 : memref<80x128xf32, #tpu.memory_space<vmem>>) target(%dma_start3A_158 : memref<10240x128xf32, #tpu.memory_space<vmem_shared>>) offsets(%arg12 : memref<80xi32, #tpu.memory_space<vmem>>) semaphore(%arg22 : memref<!tpu.dma_semaphore, #tpu.memory_space<semaphore_mem>>) {add = true}
        } else {
        }
        %dma_wait3A_125 = arith.constant 0 : i32
        %dma_wait3A_126 = arith.constant 0 : i32
        %dma_wait3A_127 = tpu.memref_slice %arg8[%dma_wait3A_125, %dma_wait3A_126] : memref<10240x128xf32, #tpu.memory_space<vmem_shared>> -> memref<10240x128xf32, #tpu.memory_space<vmem_shared>>
        tpu.wait_indirect_dma semaphore(%arg21 : memref<!tpu.dma_semaphore, #tpu.memory_space<semaphore_mem>>) src(%arg13 : memref<80x128xf32, #tpu.memory_space<vmem>>) dst(%dma_wait3A_127 : memref<10240x128xf32, #tpu.memory_space<vmem_shared>>)
        %add3A_128 = arith.constant 2 : i32
        %add3A_129 = arith.addi %mul3A_100, %add3A_128 : i32
        %lt3A_130 = arith.constant 125 : i32
        %lt3A_131 = arith.cmpi slt, %add3A_129, %lt3A_130 : i32
        %convert_element_type3A_132 = arith.extui %lt3A_131 : i1 to i32
        %cond3A_133 = arith.constant 0 : i32
        %cond3A_134 = arith.cmpi ne, %convert_element_type3A_132, %cond3A_133 : i32
        scf.if %cond3A_134 {
          %add3A_140 = arith.constant 2 : i32
          %add3A_141 = arith.addi %mul3A_100, %add3A_140 : i32
          %dma_start3A_142 = arith.constant 0 : i32
          %dma_start3A_143 = tpu.memref_slice %arg10[%add3A_141, %dma_start3A_142] : memref<125x80xi32, #tpu.memory_space<vmem>> -> memref<1x80xi32, #tpu.memory_space<vmem>>
          %dma_start3A_144 = tpu.memref_squeeze %dma_start3A_143 : memref<1x80xi32, #tpu.memory_space<vmem>> -> memref<80xi32, #tpu.memory_space<vmem>>
          %dma_start3A_145 = arith.constant 0 : i32
          %dma_start3A_146 = arith.constant 0 : i32
          %dma_start3A_147 = tpu.memref_slice %arg2[%scan3A_92, %dma_start3A_145, %dma_start3A_146] : memref<2x10240x128xf32, #tpu.memory_space<hbm>> -> memref<1x10240x128xf32, #tpu.memory_space<hbm>>
          %dma_start3A_148 = tpu.memref_squeeze %dma_start3A_147 : memref<1x10240x128xf32, #tpu.memory_space<hbm>> -> memref<10240x128xf32, #tpu.memory_space<hbm>>
          %dma_start3A_149 = arith.constant 0 : i32
          %dma_start3A_150 = arith.constant 0 : i32
          %dma_start3A_151 = tpu.memref_slice %dma_start3A_148[%dma_start3A_149, %dma_start3A_150] : memref<10240x128xf32, #tpu.memory_space<hbm>> -> memref<10240x128xf32, #tpu.memory_space<hbm>>
          tpu.enqueue_indirect_dma source(%dma_start3A_151 : memref<10240x128xf32, #tpu.memory_space<hbm>>) target(%arg13 : memref<80x128xf32, #tpu.memory_space<vmem>>) offsets(%dma_start3A_144 : memref<80xi32, #tpu.memory_space<vmem>>) semaphore(%arg17 : memref<!tpu.dma_semaphore, #tpu.memory_space<semaphore_mem>>)
          %dma_start3A_152 = arith.constant 0 : i32
          %dma_start3A_153 = tpu.memref_slice %arg4[%arg1, %add3A_141, %dma_start3A_152] : memref<16x125x80xi32, #tpu.memory_space<hbm>> -> memref<1x1x80xi32, #tpu.memory_space<hbm>>
          %dma_start3A_154 = tpu.memref_squeeze %dma_start3A_153 : memref<1x1x80xi32, #tpu.memory_space<hbm>> -> memref<80xi32, #tpu.memory_space<hbm>>
          %dma_start3A_155 = arith.constant 0 : i32
          %dma_start3A_156 = tpu.memref_slice %arg4[%arg1, %add3A_141, %dma_start3A_155] : memref<16x125x80xi32, #tpu.memory_space<hbm>> -> memref<1x1x80xi32, #tpu.memory_space<hbm>>
          %dma_start3A_157 = tpu.memref_squeeze %dma_start3A_156 : memref<1x1x80xi32, #tpu.memory_space<hbm>> -> memref<80xi32, #tpu.memory_space<hbm>>
          tpu.enqueue_dma source(%dma_start3A_157 : memref<80xi32, #tpu.memory_space<hbm>>) target(%arg11 : memref<80xi32, #tpu.memory_space<vmem>>) target_semaphore(%arg19 : memref<!tpu.dma_semaphore, #tpu.memory_space<semaphore_mem>>)
        } else {
        }
        %lt3A_135 = arith.constant 125 : i32
        %lt3A_136 = arith.cmpi slt, %add3A_102, %lt3A_135 : i32
        %convert_element_type3A_137 = arith.extui %lt3A_136 : i1 to i32
        %cond3A_138 = arith.constant 0 : i32
        %cond3A_139 = arith.cmpi ne, %convert_element_type3A_137, %cond3A_138 : i32
        scf.if %cond3A_139 {
          %dma_wait3A_140 = arith.constant 0 : i32
          %dma_wait3A_141 = arith.constant 0 : i32
          %dma_wait3A_142 = tpu.memref_slice %arg8[%dma_wait3A_140, %dma_wait3A_141] : memref<10240x128xf32, #tpu.memory_space<vmem_shared>> -> memref<10240x128xf32, #tpu.memory_space<vmem_shared>>
          tpu.wait_indirect_dma semaphore(%arg22 : memref<!tpu.dma_semaphore, #tpu.memory_space<semaphore_mem>>) src(%arg14 : memref<80x128xf32, #tpu.memory_space<vmem>>) dst(%dma_wait3A_142 : memref<10240x128xf32, #tpu.memory_space<vmem_shared>>)
          %add3A_143 = arith.constant 2 : i32
          %add3A_144 = arith.addi %add3A_102, %add3A_143 : i32
          %lt3A_145 = arith.constant 125 : i32
          %lt3A_146 = arith.cmpi slt, %add3A_144, %lt3A_145 : i32
          %convert_element_type3A_147 = arith.extui %lt3A_146 : i1 to i32
          %cond3A_148 = arith.constant 0 : i32
          %cond3A_149 = arith.cmpi ne, %convert_element_type3A_147, %cond3A_148 : i32
          scf.if %cond3A_149 {
            %add3A_150 = arith.constant 2 : i32
            %add3A_151 = arith.addi %add3A_102, %add3A_150 : i32
            %dma_start3A_152 = arith.constant 0 : i32
            %dma_start3A_153 = tpu.memref_slice %arg10[%add3A_151, %dma_start3A_152] : memref<125x80xi32, #tpu.memory_space<vmem>> -> memref<1x80xi32, #tpu.memory_space<vmem>>
            %dma_start3A_154 = tpu.memref_squeeze %dma_start3A_153 : memref<1x80xi32, #tpu.memory_space<vmem>> -> memref<80xi32, #tpu.memory_space<vmem>>
            %dma_start3A_155 = arith.constant 0 : i32
            %dma_start3A_156 = arith.constant 0 : i32
            %dma_start3A_157 = tpu.memref_slice %arg2[%scan3A_92, %dma_start3A_155, %dma_start3A_156] : memref<2x10240x128xf32, #tpu.memory_space<hbm>> -> memref<1x10240x128xf32, #tpu.memory_space<hbm>>
            %dma_start3A_158 = tpu.memref_squeeze %dma_start3A_157 : memref<1x10240x128xf32, #tpu.memory_space<hbm>> -> memref<10240x128xf32, #tpu.memory_space<hbm>>
            %dma_start3A_159 = arith.constant 0 : i32
            %dma_start3A_160 = arith.constant 0 : i32
            %dma_start3A_161 = tpu.memref_slice %dma_start3A_158[%dma_start3A_159, %dma_start3A_160] : memref<10240x128xf32, #tpu.memory_space<hbm>> -> memref<10240x128xf32, #tpu.memory_space<hbm>>
            tpu.enqueue_indirect_dma source(%dma_start3A_161 : memref<10240x128xf32, #tpu.memory_space<hbm>>) target(%arg14 : memref<80x128xf32, #tpu.memory_space<vmem>>) offsets(%dma_start3A_154 : memref<80xi32, #tpu.memory_space<vmem>>) semaphore(%arg18 : memref<!tpu.dma_semaphore, #tpu.memory_space<semaphore_mem>>)
            %dma_start3A_162 = arith.constant 0 : i32
            %dma_start3A_163 = tpu.memref_slice %arg4[%arg1, %add3A_151, %dma_start3A_162] : memref<16x125x80xi32, #tpu.memory_space<hbm>> -> memref<1x1x80xi32, #tpu.memory_space<hbm>>
            %dma_start3A_164 = tpu.memref_squeeze %dma_start3A_163 : memref<1x1x80xi32, #tpu.memory_space<hbm>> -> memref<80xi32, #tpu.memory_space<hbm>>
            %dma_start3A_165 = arith.constant 0 : i32
            %dma_start3A_166 = tpu.memref_slice %arg4[%arg1, %add3A_151, %dma_start3A_165] : memref<16x125x80xi32, #tpu.memory_space<hbm>> -> memref<1x1x80xi32, #tpu.memory_space<hbm>>
            %dma_start3A_167 = tpu.memref_squeeze %dma_start3A_166 : memref<1x1x80xi32, #tpu.memory_space<hbm>> -> memref<80xi32, #tpu.memory_space<hbm>>
            tpu.enqueue_dma source(%dma_start3A_167 : memref<80xi32, #tpu.memory_space<hbm>>) target(%arg12 : memref<80xi32, #tpu.memory_space<vmem>>) target_semaphore(%arg20 : memref<!tpu.dma_semaphore, #tpu.memory_space<semaphore_mem>>)
          } else {
          }
        } else {
        }
      }
      %scan3A_97 = arith.constant 63 : i32
    } else {
    }
    %eq3A_38 = arith.constant 1 : i32
    %eq3A_39 = arith.cmpi eq, %arg0, %eq3A_38 : i32
    %convert_element_type3A_40 = arith.extui %eq3A_39 : i1 to i32
    %cond3A_41 = arith.constant 0 : i32
    %cond3A_42 = arith.cmpi ne, %convert_element_type3A_40, %cond3A_41 : i32
    scf.if %cond3A_42 {
      %dma_start3A = arith.constant 1 : i32
      %dma_start3A_54 = arith.constant 0 : i32
      %dma_start3A_55 = arith.constant 0 : i32
      %dma_start3A_56 = tpu.memref_slice %arg10[%dma_start3A_54, %dma_start3A_55] : memref<125x80xi32, #tpu.memory_space<vmem>> -> memref<1x80xi32, #tpu.memory_space<vmem>>
      %dma_start3A_57 = tpu.memref_squeeze %dma_start3A_56 : memref<1x80xi32, #tpu.memory_space<vmem>> -> memref<80xi32, #tpu.memory_space<vmem>>
      %dma_start3A_58 = arith.constant 0 : i32
      %dma_start3A_59 = arith.constant 0 : i32
      %dma_start3A_60 = tpu.memref_slice %arg2[%dma_start3A, %dma_start3A_58, %dma_start3A_59] : memref<2x10240x128xf32, #tpu.memory_space<hbm>> -> memref<1x10240x128xf32, #tpu.memory_space<hbm>>
      %dma_start3A_61 = tpu.memref_squeeze %dma_start3A_60 : memref<1x10240x128xf32, #tpu.memory_space<hbm>> -> memref<10240x128xf32, #tpu.memory_space<hbm>>
      %dma_start3A_62 = arith.constant 0 : i32
      %dma_start3A_63 = arith.constant 0 : i32
      %dma_start3A_64 = tpu.memref_slice %dma_start3A_61[%dma_start3A_62, %dma_start3A_63] : memref<10240x128xf32, #tpu.memory_space<hbm>> -> memref<10240x128xf32, #tpu.memory_space<hbm>>
      tpu.enqueue_indirect_dma source(%dma_start3A_64 : memref<10240x128xf32, #tpu.memory_space<hbm>>) target(%arg13 : memref<80x128xf32, #tpu.memory_space<vmem>>) offsets(%dma_start3A_57 : memref<80xi32, #tpu.memory_space<vmem>>) semaphore(%arg17 : memref<!tpu.dma_semaphore, #tpu.memory_space<semaphore_mem>>)
      %dma_start3A_65 = arith.constant 0 : i32
      %dma_start3A_66 = arith.constant 0 : i32
      %dma_start3A_67 = tpu.memref_slice %arg4[%arg1, %dma_start3A_65, %dma_start3A_66] : memref<16x125x80xi32, #tpu.memory_space<hbm>> -> memref<1x1x80xi32, #tpu.memory_space<hbm>>
      %dma_start3A_68 = tpu.memref_squeeze %dma_start3A_67 : memref<1x1x80xi32, #tpu.memory_space<hbm>> -> memref<80xi32, #tpu.memory_space<hbm>>
      %dma_start3A_69 = arith.constant 0 : i32
      %dma_start3A_70 = tpu.memref_slice %arg4[%arg1, %dma_start3A_65, %dma_start3A_69] : memref<16x125x80xi32, #tpu.memory_space<hbm>> -> memref<1x1x80xi32, #tpu.memory_space<hbm>>
      %dma_start3A_71 = tpu.memref_squeeze %dma_start3A_70 : memref<1x1x80xi32, #tpu.memory_space<hbm>> -> memref<80xi32, #tpu.memory_space<hbm>>
      tpu.enqueue_dma source(%dma_start3A_71 : memref<80xi32, #tpu.memory_space<hbm>>) target(%arg11 : memref<80xi32, #tpu.memory_space<vmem>>) target_semaphore(%arg19 : memref<!tpu.dma_semaphore, #tpu.memory_space<semaphore_mem>>)
      %dma_start3A_72 = arith.constant 1 : i32
      %dma_start3A_73 = arith.constant 1 : i32
      %dma_start3A_74 = arith.constant 0 : i32
      %dma_start3A_75 = tpu.memref_slice %arg10[%dma_start3A_73, %dma_start3A_74] : memref<125x80xi32, #tpu.memory_space<vmem>> -> memref<1x80xi32, #tpu.memory_space<vmem>>
      %dma_start3A_76 = tpu.memref_squeeze %dma_start3A_75 : memref<1x80xi32, #tpu.memory_space<vmem>> -> memref<80xi32, #tpu.memory_space<vmem>>
      %dma_start3A_77 = arith.constant 0 : i32
      %dma_start3A_78 = arith.constant 0 : i32
      %dma_start3A_79 = tpu.memref_slice %arg2[%dma_start3A_72, %dma_start3A_77, %dma_start3A_78] : memref<2x10240x128xf32, #tpu.memory_space<hbm>> -> memref<1x10240x128xf32, #tpu.memory_space<hbm>>
      %dma_start3A_80 = tpu.memref_squeeze %dma_start3A_79 : memref<1x10240x128xf32, #tpu.memory_space<hbm>> -> memref<10240x128xf32, #tpu.memory_space<hbm>>
      %dma_start3A_81 = arith.constant 0 : i32
      %dma_start3A_82 = arith.constant 0 : i32
      %dma_start3A_83 = tpu.memref_slice %dma_start3A_80[%dma_start3A_81, %dma_start3A_82] : memref<10240x128xf32, #tpu.memory_space<hbm>> -> memref<10240x128xf32, #tpu.memory_space<hbm>>
      tpu.enqueue_indirect_dma source(%dma_start3A_83 : memref<10240x128xf32, #tpu.memory_space<hbm>>) target(%arg14 : memref<80x128xf32, #tpu.memory_space<vmem>>) offsets(%dma_start3A_76 : memref<80xi32, #tpu.memory_space<vmem>>) semaphore(%arg18 : memref<!tpu.dma_semaphore, #tpu.memory_space<semaphore_mem>>)
      %dma_start3A_84 = arith.constant 1 : i32
      %dma_start3A_85 = arith.constant 0 : i32
      %dma_start3A_86 = tpu.memref_slice %arg4[%arg1, %dma_start3A_84, %dma_start3A_85] : memref<16x125x80xi32, #tpu.memory_space<hbm>> -> memref<1x1x80xi32, #tpu.memory_space<hbm>>
      %dma_start3A_87 = tpu.memref_squeeze %dma_start3A_86 : memref<1x1x80xi32, #tpu.memory_space<hbm>> -> memref<80xi32, #tpu.memory_space<hbm>>
      %dma_start3A_88 = arith.constant 0 : i32
      %dma_start3A_89 = tpu.memref_slice %arg4[%arg1, %dma_start3A_84, %dma_start3A_88] : memref<16x125x80xi32, #tpu.memory_space<hbm>> -> memref<1x1x80xi32, #tpu.memory_space<hbm>>
      %dma_start3A_90 = tpu.memref_squeeze %dma_start3A_89 : memref<1x1x80xi32, #tpu.memory_space<hbm>> -> memref<80xi32, #tpu.memory_space<hbm>>
      tpu.enqueue_dma source(%dma_start3A_90 : memref<80xi32, #tpu.memory_space<hbm>>) target(%arg12 : memref<80xi32, #tpu.memory_space<vmem>>) target_semaphore(%arg20 : memref<!tpu.dma_semaphore, #tpu.memory_space<semaphore_mem>>)
      %scan3A_91 = arith.constant 0 : i32
      %scan3A_92 = arith.constant 1 : i32
      %scan3A_93 = arith.constant 0 : i32
      %scan3A_94 = arith.constant 63 : i32
      %scan3A_95 = arith.addi %scan3A_93, %scan3A_94 : i32
      %scan3A_96 = arith.constant 1 : i32
      scf.for %scan3A_98 = %scan3A_93 to %scan3A_95 step %scan3A_96  : i32 {
        %mul3A_99 = arith.constant 2 : i32
        %mul3A_100 = arith.muli %mul3A_99, %scan3A_98 : i32
        %add3A_101 = arith.constant 1 : i32
        %add3A_102 = arith.addi %mul3A_100, %add3A_101 : i32
        %dma_wait3A = arith.constant 0 : i32
        %dma_wait3A_103 = tpu.memref_slice %arg10[%mul3A_100, %dma_wait3A] : memref<125x80xi32, #tpu.memory_space<vmem>> -> memref<1x80xi32, #tpu.memory_space<vmem>>
        %dma_wait3A_104 = tpu.memref_squeeze %dma_wait3A_103 : memref<1x80xi32, #tpu.memory_space<vmem>> -> memref<80xi32, #tpu.memory_space<vmem>>
        %dma_wait3A_105 = arith.constant 0 : i32
        %dma_wait3A_106 = arith.constant 0 : i32
        %dma_wait3A_107 = tpu.memref_slice %arg2[%scan3A_92, %dma_wait3A_105, %dma_wait3A_106] : memref<2x10240x128xf32, #tpu.memory_space<hbm>> -> memref<1x10240x128xf32, #tpu.memory_space<hbm>>
        %dma_wait3A_108 = tpu.memref_squeeze %dma_wait3A_107 : memref<1x10240x128xf32, #tpu.memory_space<hbm>> -> memref<10240x128xf32, #tpu.memory_space<hbm>>
        %dma_wait3A_109 = arith.constant 0 : i32
        %dma_wait3A_110 = arith.constant 0 : i32
        %dma_wait3A_111 = tpu.memref_slice %dma_wait3A_108[%dma_wait3A_109, %dma_wait3A_110] : memref<10240x128xf32, #tpu.memory_space<hbm>> -> memref<10240x128xf32, #tpu.memory_space<hbm>>
        tpu.wait_indirect_dma semaphore(%arg17 : memref<!tpu.dma_semaphore, #tpu.memory_space<semaphore_mem>>) src(%dma_wait3A_111 : memref<10240x128xf32, #tpu.memory_space<hbm>>) dst(%arg13 : memref<80x128xf32, #tpu.memory_space<vmem>>)
        %dma_wait3A_112 = arith.constant 0 : i32
        %dma_wait3A_113 = tpu.memref_slice %arg4[%arg1, %mul3A_100, %dma_wait3A_112] : memref<16x125x80xi32, #tpu.memory_space<hbm>> -> memref<1x1x80xi32, #tpu.memory_space<hbm>>
        %dma_wait3A_114 = tpu.memref_squeeze %dma_wait3A_113 : memref<1x1x80xi32, #tpu.memory_space<hbm>> -> memref<80xi32, #tpu.memory_space<hbm>>
        %dma_wait3A_115 = arith.constant 0 : i32
        %dma_wait3A_116 = tpu.memref_slice %arg4[%arg1, %mul3A_100, %dma_wait3A_115] : memref<16x125x80xi32, #tpu.memory_space<hbm>> -> memref<1x1x80xi32, #tpu.memory_space<hbm>>
        %dma_wait3A_117 = tpu.memref_squeeze %dma_wait3A_116 : memref<1x1x80xi32, #tpu.memory_space<hbm>> -> memref<80xi32, #tpu.memory_space<hbm>>
        tpu.wait_dma2 semaphore(%arg19 : memref<!tpu.dma_semaphore, #tpu.memory_space<semaphore_mem>>) src(%dma_wait3A_117 : memref<80xi32, #tpu.memory_space<hbm>>) dst(%arg11 : memref<80xi32, #tpu.memory_space<vmem>>)
        %dma_start3A_118 = arith.constant 0 : i32
        %dma_start3A_119 = arith.constant 0 : i32
        %dma_start3A_120 = tpu.memref_slice %arg8[%dma_start3A_118, %dma_start3A_119] : memref<10240x128xf32, #tpu.memory_space<vmem_shared>> -> memref<10240x128xf32, #tpu.memory_space<vmem_shared>>
        tpu.enqueue_indirect_dma source(%arg13 : memref<80x128xf32, #tpu.memory_space<vmem>>) target(%dma_start3A_120 : memref<10240x128xf32, #tpu.memory_space<vmem_shared>>) offsets(%arg11 : memref<80xi32, #tpu.memory_space<vmem>>) semaphore(%arg21 : memref<!tpu.dma_semaphore, #tpu.memory_space<semaphore_mem>>) {add = true}
        %lt3A = arith.constant 125 : i32
        %lt3A_121 = arith.cmpi slt, %add3A_102, %lt3A : i32
        %convert_element_type3A_122 = arith.extui %lt3A_121 : i1 to i32
        %cond3A_123 = arith.constant 0 : i32
        %cond3A_124 = arith.cmpi ne, %convert_element_type3A_122, %cond3A_123 : i32
        scf.if %cond3A_124 {
          %dma_wait3A_140 = arith.constant 0 : i32
          %dma_wait3A_141 = tpu.memref_slice %arg10[%add3A_102, %dma_wait3A_140] : memref<125x80xi32, #tpu.memory_space<vmem>> -> memref<1x80xi32, #tpu.memory_space<vmem>>
          %dma_wait3A_142 = tpu.memref_squeeze %dma_wait3A_141 : memref<1x80xi32, #tpu.memory_space<vmem>> -> memref<80xi32, #tpu.memory_space<vmem>>
          %dma_wait3A_143 = arith.constant 0 : i32
          %dma_wait3A_144 = arith.constant 0 : i32
          %dma_wait3A_145 = tpu.memref_slice %arg2[%scan3A_92, %dma_wait3A_143, %dma_wait3A_144] : memref<2x10240x128xf32, #tpu.memory_space<hbm>> -> memref<1x10240x128xf32, #tpu.memory_space<hbm>>
          %dma_wait3A_146 = tpu.memref_squeeze %dma_wait3A_145 : memref<1x10240x128xf32, #tpu.memory_space<hbm>> -> memref<10240x128xf32, #tpu.memory_space<hbm>>
          %dma_wait3A_147 = arith.constant 0 : i32
          %dma_wait3A_148 = arith.constant 0 : i32
          %dma_wait3A_149 = tpu.memref_slice %dma_wait3A_146[%dma_wait3A_147, %dma_wait3A_148] : memref<10240x128xf32, #tpu.memory_space<hbm>> -> memref<10240x128xf32, #tpu.memory_space<hbm>>
          tpu.wait_indirect_dma semaphore(%arg18 : memref<!tpu.dma_semaphore, #tpu.memory_space<semaphore_mem>>) src(%dma_wait3A_149 : memref<10240x128xf32, #tpu.memory_space<hbm>>) dst(%arg14 : memref<80x128xf32, #tpu.memory_space<vmem>>)
          %dma_wait3A_150 = arith.constant 0 : i32
          %dma_wait3A_151 = tpu.memref_slice %arg4[%arg1, %add3A_102, %dma_wait3A_150] : memref<16x125x80xi32, #tpu.memory_space<hbm>> -> memref<1x1x80xi32, #tpu.memory_space<hbm>>
          %dma_wait3A_152 = tpu.memref_squeeze %dma_wait3A_151 : memref<1x1x80xi32, #tpu.memory_space<hbm>> -> memref<80xi32, #tpu.memory_space<hbm>>
          %dma_wait3A_153 = arith.constant 0 : i32
          %dma_wait3A_154 = tpu.memref_slice %arg4[%arg1, %add3A_102, %dma_wait3A_153] : memref<16x125x80xi32, #tpu.memory_space<hbm>> -> memref<1x1x80xi32, #tpu.memory_space<hbm>>
          %dma_wait3A_155 = tpu.memref_squeeze %dma_wait3A_154 : memref<1x1x80xi32, #tpu.memory_space<hbm>> -> memref<80xi32, #tpu.memory_space<hbm>>
          tpu.wait_dma2 semaphore(%arg20 : memref<!tpu.dma_semaphore, #tpu.memory_space<semaphore_mem>>) src(%dma_wait3A_155 : memref<80xi32, #tpu.memory_space<hbm>>) dst(%arg12 : memref<80xi32, #tpu.memory_space<vmem>>)
          %dma_start3A_156 = arith.constant 0 : i32
          %dma_start3A_157 = arith.constant 0 : i32
          %dma_start3A_158 = tpu.memref_slice %arg8[%dma_start3A_156, %dma_start3A_157] : memref<10240x128xf32, #tpu.memory_space<vmem_shared>> -> memref<10240x128xf32, #tpu.memory_space<vmem_shared>>
          tpu.enqueue_indirect_dma source(%arg14 : memref<80x128xf32, #tpu.memory_space<vmem>>) target(%dma_start3A_158 : memref<10240x128xf32, #tpu.memory_space<vmem_shared>>) offsets(%arg12 : memref<80xi32, #tpu.memory_space<vmem>>) semaphore(%arg22 : memref<!tpu.dma_semaphore, #tpu.memory_space<semaphore_mem>>) {add = true}
        } else {
        }
        %dma_wait3A_125 = arith.constant 0 : i32
        %dma_wait3A_126 = arith.constant 0 : i32
        %dma_wait3A_127 = tpu.memref_slice %arg8[%dma_wait3A_125, %dma_wait3A_126] : memref<10240x128xf32, #tpu.memory_space<vmem_shared>> -> memref<10240x128xf32, #tpu.memory_space<vmem_shared>>
        tpu.wait_indirect_dma semaphore(%arg21 : memref<!tpu.dma_semaphore, #tpu.memory_space<semaphore_mem>>) src(%arg13 : memref<80x128xf32, #tpu.memory_space<vmem>>) dst(%dma_wait3A_127 : memref<10240x128xf32, #tpu.memory_space<vmem_shared>>)
        %add3A_128 = arith.constant 2 : i32
        %add3A_129 = arith.addi %mul3A_100, %add3A_128 : i32
        %lt3A_130 = arith.constant 125 : i32
        %lt3A_131 = arith.cmpi slt, %add3A_129, %lt3A_130 : i32
        %convert_element_type3A_132 = arith.extui %lt3A_131 : i1 to i32
        %cond3A_133 = arith.constant 0 : i32
        %cond3A_134 = arith.cmpi ne, %convert_element_type3A_132, %cond3A_133 : i32
        scf.if %cond3A_134 {
          %add3A_140 = arith.constant 2 : i32
          %add3A_141 = arith.addi %mul3A_100, %add3A_140 : i32
          %dma_start3A_142 = arith.constant 0 : i32
          %dma_start3A_143 = tpu.memref_slice %arg10[%add3A_141, %dma_start3A_142] : memref<125x80xi32, #tpu.memory_space<vmem>> -> memref<1x80xi32, #tpu.memory_space<vmem>>
          %dma_start3A_144 = tpu.memref_squeeze %dma_start3A_143 : memref<1x80xi32, #tpu.memory_space<vmem>> -> memref<80xi32, #tpu.memory_space<vmem>>
          %dma_start3A_145 = arith.constant 0 : i32
          %dma_start3A_146 = arith.constant 0 : i32
          %dma_start3A_147 = tpu.memref_slice %arg2[%scan3A_92, %dma_start3A_145, %dma_start3A_146] : memref<2x10240x128xf32, #tpu.memory_space<hbm>> -> memref<1x10240x128xf32, #tpu.memory_space<hbm>>
          %dma_start3A_148 = tpu.memref_squeeze %dma_start3A_147 : memref<1x10240x128xf32, #tpu.memory_space<hbm>> -> memref<10240x128xf32, #tpu.memory_space<hbm>>
          %dma_start3A_149 = arith.constant 0 : i32
          %dma_start3A_150 = arith.constant 0 : i32
          %dma_start3A_151 = tpu.memref_slice %dma_start3A_148[%dma_start3A_149, %dma_start3A_150] : memref<10240x128xf32, #tpu.memory_space<hbm>> -> memref<10240x128xf32, #tpu.memory_space<hbm>>
          tpu.enqueue_indirect_dma source(%dma_start3A_151 : memref<10240x128xf32, #tpu.memory_space<hbm>>) target(%arg13 : memref<80x128xf32, #tpu.memory_space<vmem>>) offsets(%dma_start3A_144 : memref<80xi32, #tpu.memory_space<vmem>>) semaphore(%arg17 : memref<!tpu.dma_semaphore, #tpu.memory_space<semaphore_mem>>)
          %dma_start3A_152 = arith.constant 0 : i32
          %dma_start3A_153 = tpu.memref_slice %arg4[%arg1, %add3A_141, %dma_start3A_152] : memref<16x125x80xi32, #tpu.memory_space<hbm>> -> memref<1x1x80xi32, #tpu.memory_space<hbm>>
          %dma_start3A_154 = tpu.memref_squeeze %dma_start3A_153 : memref<1x1x80xi32, #tpu.memory_space<hbm>> -> memref<80xi32, #tpu.memory_space<hbm>>
          %dma_start3A_155 = arith.constant 0 : i32
          %dma_start3A_156 = tpu.memref_slice %arg4[%arg1, %add3A_141, %dma_start3A_155] : memref<16x125x80xi32, #tpu.memory_space<hbm>> -> memref<1x1x80xi32, #tpu.memory_space<hbm>>
          %dma_start3A_157 = tpu.memref_squeeze %dma_start3A_156 : memref<1x1x80xi32, #tpu.memory_space<hbm>> -> memref<80xi32, #tpu.memory_space<hbm>>
          tpu.enqueue_dma source(%dma_start3A_157 : memref<80xi32, #tpu.memory_space<hbm>>) target(%arg11 : memref<80xi32, #tpu.memory_space<vmem>>) target_semaphore(%arg19 : memref<!tpu.dma_semaphore, #tpu.memory_space<semaphore_mem>>)
        } else {
        }
        %lt3A_135 = arith.constant 125 : i32
        %lt3A_136 = arith.cmpi slt, %add3A_102, %lt3A_135 : i32
        %convert_element_type3A_137 = arith.extui %lt3A_136 : i1 to i32
        %cond3A_138 = arith.constant 0 : i32
        %cond3A_139 = arith.cmpi ne, %convert_element_type3A_137, %cond3A_138 : i32
        scf.if %cond3A_139 {
          %dma_wait3A_140 = arith.constant 0 : i32
          %dma_wait3A_141 = arith.constant 0 : i32
          %dma_wait3A_142 = tpu.memref_slice %arg8[%dma_wait3A_140, %dma_wait3A_141] : memref<10240x128xf32, #tpu.memory_space<vmem_shared>> -> memref<10240x128xf32, #tpu.memory_space<vmem_shared>>
          tpu.wait_indirect_dma semaphore(%arg22 : memref<!tpu.dma_semaphore, #tpu.memory_space<semaphore_mem>>) src(%arg14 : memref<80x128xf32, #tpu.memory_space<vmem>>) dst(%dma_wait3A_142 : memref<10240x128xf32, #tpu.memory_space<vmem_shared>>)
          %add3A_143 = arith.constant 2 : i32
          %add3A_144 = arith.addi %add3A_102, %add3A_143 : i32
          %lt3A_145 = arith.constant 125 : i32
          %lt3A_146 = arith.cmpi slt, %add3A_144, %lt3A_145 : i32
          %convert_element_type3A_147 = arith.extui %lt3A_146 : i1 to i32
          %cond3A_148 = arith.constant 0 : i32
          %cond3A_149 = arith.cmpi ne, %convert_element_type3A_147, %cond3A_148 : i32
          scf.if %cond3A_149 {
            %add3A_150 = arith.constant 2 : i32
            %add3A_151 = arith.addi %add3A_102, %add3A_150 : i32
            %dma_start3A_152 = arith.constant 0 : i32
            %dma_start3A_153 = tpu.memref_slice %arg10[%add3A_151, %dma_start3A_152] : memref<125x80xi32, #tpu.memory_space<vmem>> -> memref<1x80xi32, #tpu.memory_space<vmem>>
            %dma_start3A_154 = tpu.memref_squeeze %dma_start3A_153 : memref<1x80xi32, #tpu.memory_space<vmem>> -> memref<80xi32, #tpu.memory_space<vmem>>
            %dma_start3A_155 = arith.constant 0 : i32
            %dma_start3A_156 = arith.constant 0 : i32
            %dma_start3A_157 = tpu.memref_slice %arg2[%scan3A_92, %dma_start3A_155, %dma_start3A_156] : memref<2x10240x128xf32, #tpu.memory_space<hbm>> -> memref<1x10240x128xf32, #tpu.memory_space<hbm>>
            %dma_start3A_158 = tpu.memref_squeeze %dma_start3A_157 : memref<1x10240x128xf32, #tpu.memory_space<hbm>> -> memref<10240x128xf32, #tpu.memory_space<hbm>>
            %dma_start3A_159 = arith.constant 0 : i32
            %dma_start3A_160 = arith.constant 0 : i32
            %dma_start3A_161 = tpu.memref_slice %dma_start3A_158[%dma_start3A_159, %dma_start3A_160] : memref<10240x128xf32, #tpu.memory_space<hbm>> -> memref<10240x128xf32, #tpu.memory_space<hbm>>
            tpu.enqueue_indirect_dma source(%dma_start3A_161 : memref<10240x128xf32, #tpu.memory_space<hbm>>) target(%arg14 : memref<80x128xf32, #tpu.memory_space<vmem>>) offsets(%dma_start3A_154 : memref<80xi32, #tpu.memory_space<vmem>>) semaphore(%arg18 : memref<!tpu.dma_semaphore, #tpu.memory_space<semaphore_mem>>)
            %dma_start3A_162 = arith.constant 0 : i32
            %dma_start3A_163 = tpu.memref_slice %arg4[%arg1, %add3A_151, %dma_start3A_162] : memref<16x125x80xi32, #tpu.memory_space<hbm>> -> memref<1x1x80xi32, #tpu.memory_space<hbm>>
            %dma_start3A_164 = tpu.memref_squeeze %dma_start3A_163 : memref<1x1x80xi32, #tpu.memory_space<hbm>> -> memref<80xi32, #tpu.memory_space<hbm>>
            %dma_start3A_165 = arith.constant 0 : i32
            %dma_start3A_166 = tpu.memref_slice %arg4[%arg1, %add3A_151, %dma_start3A_165] : memref<16x125x80xi32, #tpu.memory_space<hbm>> -> memref<1x1x80xi32, #tpu.memory_space<hbm>>
            %dma_start3A_167 = tpu.memref_squeeze %dma_start3A_166 : memref<1x1x80xi32, #tpu.memory_space<hbm>> -> memref<80xi32, #tpu.memory_space<hbm>>
            tpu.enqueue_dma source(%dma_start3A_167 : memref<80xi32, #tpu.memory_space<hbm>>) target(%arg12 : memref<80xi32, #tpu.memory_space<vmem>>) target_semaphore(%arg20 : memref<!tpu.dma_semaphore, #tpu.memory_space<semaphore_mem>>)
          } else {
          }
        } else {
        }
      }
      %scan3A_97 = arith.constant 63 : i32
    } else {
    }
    %barrier3A_43 = arith.constant 0 : index
    tpu.barrier barrier_id(%barrier3A_43)
    %eq3A_44 = arith.constant 0 : i32
    %eq3A_45 = arith.cmpi eq, %arg0, %eq3A_44 : i32
    %convert_element_type3A_46 = arith.extui %eq3A_45 : i1 to i32
    %cond3A_47 = arith.constant 0 : i32
    %cond3A_48 = arith.cmpi ne, %convert_element_type3A_46, %cond3A_47 : i32
    scf.if %cond3A_48 {
      %mul3A_54 = arith.constant 640 : i32
      %mul3A_55 = arith.muli %arg1, %mul3A_54 : i32
      %mul3A_56 = arith.constant 640 : i32
      %mul3A_57 = arith.muli %arg1, %mul3A_56 : i32
      %run_scoped3A = arith.constant 0 : i32
      "tpu.region"() ({
        %run_scoped3A_58 = tpu.sem_alloc : memref<!tpu.dma_semaphore, #tpu.memory_space<semaphore_mem>>
        %dma_start3A = arith.constant 0 : i32
        %dma_start3A_59 = tpu.memref_slice %arg7[%run_scoped3A, %mul3A_57, %dma_start3A] : memref<2x10240x128xf32, #tpu.memory_space<hbm>> -> memref<1x640x128xf32, #tpu.memory_space<hbm>>
        %dma_start3A_60 = tpu.memref_squeeze %dma_start3A_59 : memref<1x640x128xf32, #tpu.memory_space<hbm>> -> memref<640x128xf32, #tpu.memory_space<hbm>>
        %dma_start3A_61 = arith.constant 0 : i32
        %dma_start3A_62 = tpu.memref_slice %arg8[%mul3A_55, %dma_start3A_61] : memref<10240x128xf32, #tpu.memory_space<vmem_shared>> -> memref<640x128xf32, #tpu.memory_space<vmem_shared>>
        tpu.enqueue_dma source(%dma_start3A_62 : memref<640x128xf32, #tpu.memory_space<vmem_shared>>) target(%dma_start3A_60 : memref<640x128xf32, #tpu.memory_space<hbm>>) target_semaphore(%run_scoped3A_58 : memref<!tpu.dma_semaphore, #tpu.memory_space<semaphore_mem>>)
        %dma_wait3A = arith.constant 0 : i32
        %dma_wait3A_63 = tpu.memref_slice %arg7[%run_scoped3A, %mul3A_57, %dma_wait3A] : memref<2x10240x128xf32, #tpu.memory_space<hbm>> -> memref<1x640x128xf32, #tpu.memory_space<hbm>>
        %dma_wait3A_64 = tpu.memref_squeeze %dma_wait3A_63 : memref<1x640x128xf32, #tpu.memory_space<hbm>> -> memref<640x128xf32, #tpu.memory_space<hbm>>
        %dma_wait3A_65 = arith.constant 0 : i32
        %dma_wait3A_66 = tpu.memref_slice %arg8[%mul3A_55, %dma_wait3A_65] : memref<10240x128xf32, #tpu.memory_space<vmem_shared>> -> memref<640x128xf32, #tpu.memory_space<vmem_shared>>
        tpu.wait_dma2 semaphore(%run_scoped3A_58 : memref<!tpu.dma_semaphore, #tpu.memory_space<semaphore_mem>>) src(%dma_wait3A_66 : memref<640x128xf32, #tpu.memory_space<vmem_shared>>) dst(%dma_wait3A_64 : memref<640x128xf32, #tpu.memory_space<hbm>>)
        tpu.yield
      }) : () -> ()
    } else {
    }
    %eq3A_49 = arith.constant 1 : i32
    %eq3A_50 = arith.cmpi eq, %arg0, %eq3A_49 : i32
    %convert_element_type3A_51 = arith.extui %eq3A_50 : i1 to i32
    %cond3A_52 = arith.constant 0 : i32
    %cond3A_53 = arith.cmpi ne, %convert_element_type3A_51, %cond3A_52 : i32
    scf.if %cond3A_53 {
      %mul3A_54 = arith.constant 640 : i32
      %mul3A_55 = arith.muli %arg1, %mul3A_54 : i32
      %mul3A_56 = arith.constant 640 : i32
      %mul3A_57 = arith.muli %arg1, %mul3A_56 : i32
      %run_scoped3A = arith.constant 1 : i32
      "tpu.region"() ({
        %run_scoped3A_58 = tpu.sem_alloc : memref<!tpu.dma_semaphore, #tpu.memory_space<semaphore_mem>>
        %dma_start3A = arith.constant 0 : i32
        %dma_start3A_59 = tpu.memref_slice %arg7[%run_scoped3A, %mul3A_57, %dma_start3A] : memref<2x10240x128xf32, #tpu.memory_space<hbm>> -> memref<1x640x128xf32, #tpu.memory_space<hbm>>
        %dma_start3A_60 = tpu.memref_squeeze %dma_start3A_59 : memref<1x640x128xf32, #tpu.memory_space<hbm>> -> memref<640x128xf32, #tpu.memory_space<hbm>>
        %dma_start3A_61 = arith.constant 0 : i32
        %dma_start3A_62 = tpu.memref_slice %arg8[%mul3A_55, %dma_start3A_61] : memref<10240x128xf32, #tpu.memory_space<vmem_shared>> -> memref<640x128xf32, #tpu.memory_space<vmem_shared>>
        tpu.enqueue_dma source(%dma_start3A_62 : memref<640x128xf32, #tpu.memory_space<vmem_shared>>) target(%dma_start3A_60 : memref<640x128xf32, #tpu.memory_space<hbm>>) target_semaphore(%run_scoped3A_58 : memref<!tpu.dma_semaphore, #tpu.memory_space<semaphore_mem>>)
        %dma_wait3A = arith.constant 0 : i32
        %dma_wait3A_63 = tpu.memref_slice %arg7[%run_scoped3A, %mul3A_57, %dma_wait3A] : memref<2x10240x128xf32, #tpu.memory_space<hbm>> -> memref<1x640x128xf32, #tpu.memory_space<hbm>>
        %dma_wait3A_64 = tpu.memref_squeeze %dma_wait3A_63 : memref<1x640x128xf32, #tpu.memory_space<hbm>> -> memref<640x128xf32, #tpu.memory_space<hbm>>
        %dma_wait3A_65 = arith.constant 0 : i32
        %dma_wait3A_66 = tpu.memref_slice %arg8[%mul3A_55, %dma_wait3A_65] : memref<10240x128xf32, #tpu.memory_space<vmem_shared>> -> memref<640x128xf32, #tpu.memory_space<vmem_shared>>
        tpu.wait_dma2 semaphore(%run_scoped3A_58 : memref<!tpu.dma_semaphore, #tpu.memory_space<semaphore_mem>>) src(%dma_wait3A_66 : memref<640x128xf32, #tpu.memory_space<vmem_shared>>) dst(%dma_wait3A_64 : memref<640x128xf32, #tpu.memory_space<hbm>>)
        tpu.yield
      }) : () -> ()
    } else {
    }
    return
  }
}

#map = affine_map<(d0, d1) -> (0, 0, 0)>
#map1 = affine_map<(d0, d1) -> (0)>
module attributes {stable_mosaic.version = 14 : i64} {
  func.func @sc_agg(%arg0: i32, %arg1: i32, %arg2: memref<2x10240x128xf32, #tpu.memory_space<hbm>>, %arg3: memref<16x125x80xi32, #tpu.memory_space<hbm>>, %arg4: memref<16x125x80xi32, #tpu.memory_space<hbm>>, %arg5: memref<640xf32, #tpu.memory_space<hbm>>, %arg6: memref<80xf32, #tpu.memory_space<hbm>>, %arg7: memref<2x10240x128xf32, #tpu.memory_space<hbm>>, %arg8: memref<10240xf32, #tpu.memory_space<hbm>>, %arg9: memref<10240x128xf32, #tpu.memory_space<vmem_shared>>, %arg10: memref<10240xf32, #tpu.memory_space<vmem_shared>>, %arg11: memref<125x80xi32, #tpu.memory_space<vmem>>, %arg12: memref<80xi32, #tpu.memory_space<vmem>>, %arg13: memref<80xi32, #tpu.memory_space<vmem>>, %arg14: memref<80x128xf32, #tpu.memory_space<vmem>>, %arg15: memref<80x128xf32, #tpu.memory_space<vmem>>, %arg16: memref<640xf32, #tpu.memory_space<vmem>>, %arg17: memref<80xf32, #tpu.memory_space<vmem>>, %arg18: memref<!tpu.dma_semaphore, #tpu.memory_space<semaphore_mem>>, %arg19: memref<!tpu.dma_semaphore, #tpu.memory_space<semaphore_mem>>, %arg20: memref<!tpu.dma_semaphore, #tpu.memory_space<semaphore_mem>>, %arg21: memref<!tpu.dma_semaphore, #tpu.memory_space<semaphore_mem>>, %arg22: memref<!tpu.dma_semaphore, #tpu.memory_space<semaphore_mem>>, %arg23: memref<!tpu.dma_semaphore, #tpu.memory_space<semaphore_mem>>, %arg24: memref<!tpu.dma_semaphore, #tpu.memory_space<semaphore_mem>>, %arg25: memref<!tpu.dma_semaphore, #tpu.memory_space<semaphore_mem>>) attributes {dimension_semantics = [#tpu.dimension_semantics<core_parallel>, #tpu.dimension_semantics<subcore_parallel>], iteration_bounds = array<i64: 2, 16>, scalar_prefetch = 0 : i64, scratch_operands = 17 : i64, tpu.core_type = #tpu.core_type<sc_vector_subcore>, window_params = [{transform_indices = #map}, {transform_indices = #map}, {transform_indices = #map}, {transform_indices = #map1}, {transform_indices = #map1}, {transform_indices = #map}, {transform_indices = #map1}]} {
    "tpu.region"() ({
      %run_scoped3A = tpu.sem_alloc : memref<!tpu.dma_semaphore, #tpu.memory_space<semaphore_mem>>
      tpu.enqueue_dma source(%arg5 : memref<640xf32, #tpu.memory_space<hbm>>) target(%arg16 : memref<640xf32, #tpu.memory_space<vmem>>) target_semaphore(%run_scoped3A : memref<!tpu.dma_semaphore, #tpu.memory_space<semaphore_mem>>)
      tpu.wait_dma2 semaphore(%run_scoped3A : memref<!tpu.dma_semaphore, #tpu.memory_space<semaphore_mem>>) src(%arg5 : memref<640xf32, #tpu.memory_space<hbm>>) dst(%arg16 : memref<640xf32, #tpu.memory_space<vmem>>)
      tpu.yield
    }) : () -> ()
    "tpu.region"() ({
      %run_scoped3A = tpu.sem_alloc : memref<!tpu.dma_semaphore, #tpu.memory_space<semaphore_mem>>
      tpu.enqueue_dma source(%arg6 : memref<80xf32, #tpu.memory_space<hbm>>) target(%arg17 : memref<80xf32, #tpu.memory_space<vmem>>) target_semaphore(%run_scoped3A : memref<!tpu.dma_semaphore, #tpu.memory_space<semaphore_mem>>)
      tpu.wait_dma2 semaphore(%run_scoped3A : memref<!tpu.dma_semaphore, #tpu.memory_space<semaphore_mem>>) src(%arg6 : memref<80xf32, #tpu.memory_space<hbm>>) dst(%arg17 : memref<80xf32, #tpu.memory_space<vmem>>)
      tpu.yield
    }) : () -> ()
    "tpu.region"() ({
      %run_scoped3A = tpu.sem_alloc : memref<!tpu.dma_semaphore, #tpu.memory_space<semaphore_mem>>
      %dma_start3A = arith.constant 0 : i32
      %dma_start3A_56 = arith.constant 0 : i32
      %dma_start3A_57 = tpu.memref_slice %arg3[%arg1, %dma_start3A, %dma_start3A_56] : memref<16x125x80xi32, #tpu.memory_space<hbm>> -> memref<1x125x80xi32, #tpu.memory_space<hbm>>
      %dma_start3A_58 = tpu.memref_squeeze %dma_start3A_57 : memref<1x125x80xi32, #tpu.memory_space<hbm>> -> memref<125x80xi32, #tpu.memory_space<hbm>>
      %dma_start3A_59 = arith.constant 0 : i32
      %dma_start3A_60 = arith.constant 0 : i32
      %dma_start3A_61 = tpu.memref_slice %arg3[%arg1, %dma_start3A_59, %dma_start3A_60] : memref<16x125x80xi32, #tpu.memory_space<hbm>> -> memref<1x125x80xi32, #tpu.memory_space<hbm>>
      %dma_start3A_62 = tpu.memref_squeeze %dma_start3A_61 : memref<1x125x80xi32, #tpu.memory_space<hbm>> -> memref<125x80xi32, #tpu.memory_space<hbm>>
      tpu.enqueue_dma source(%dma_start3A_62 : memref<125x80xi32, #tpu.memory_space<hbm>>) target(%arg11 : memref<125x80xi32, #tpu.memory_space<vmem>>) target_semaphore(%run_scoped3A : memref<!tpu.dma_semaphore, #tpu.memory_space<semaphore_mem>>)
      %dma_wait3A = arith.constant 0 : i32
      %dma_wait3A_63 = arith.constant 0 : i32
      %dma_wait3A_64 = tpu.memref_slice %arg3[%arg1, %dma_wait3A, %dma_wait3A_63] : memref<16x125x80xi32, #tpu.memory_space<hbm>> -> memref<1x125x80xi32, #tpu.memory_space<hbm>>
      %dma_wait3A_65 = tpu.memref_squeeze %dma_wait3A_64 : memref<1x125x80xi32, #tpu.memory_space<hbm>> -> memref<125x80xi32, #tpu.memory_space<hbm>>
      %dma_wait3A_66 = arith.constant 0 : i32
      %dma_wait3A_67 = arith.constant 0 : i32
      %dma_wait3A_68 = tpu.memref_slice %arg3[%arg1, %dma_wait3A_66, %dma_wait3A_67] : memref<16x125x80xi32, #tpu.memory_space<hbm>> -> memref<1x125x80xi32, #tpu.memory_space<hbm>>
      %dma_wait3A_69 = tpu.memref_squeeze %dma_wait3A_68 : memref<1x125x80xi32, #tpu.memory_space<hbm>> -> memref<125x80xi32, #tpu.memory_space<hbm>>
      tpu.wait_dma2 semaphore(%run_scoped3A : memref<!tpu.dma_semaphore, #tpu.memory_space<semaphore_mem>>) src(%dma_wait3A_69 : memref<125x80xi32, #tpu.memory_space<hbm>>) dst(%arg11 : memref<125x80xi32, #tpu.memory_space<vmem>>)
      tpu.yield
    }) : () -> ()
    %broadcast_in_dim3A = arith.constant 0.000000e+00 : f32
    %broadcast_in_dim3A_0 = vector.broadcast %broadcast_in_dim3A : f32 to vector<16xf32>
    %scan3A = arith.constant 0 : i32
    %scan3A_1 = arith.constant 0 : i32
    %scan3A_2 = arith.constant 640 : i32
    %scan3A_3 = arith.addi %scan3A_1, %scan3A_2 : i32
    %scan3A_4 = arith.constant 1 : i32
    scf.for %scan3A_56 = %scan3A_1 to %scan3A_3 step %scan3A_4  : i32 {
      %jit3A = arith.constant 8 : i32
      %div3A = arith.divsi %scan3A_56, %jit3A : i32
      %sign3A = arith.constant 0 : i32
      %sign3A_57 = arith.cmpi sgt, %scan3A_56, %sign3A : i32
      %sign3A_58 = arith.extui %sign3A_57 : i1 to i32
      %sign3A_59 = arith.constant 0 : i32
      %sign3A_60 = arith.cmpi slt, %scan3A_56, %sign3A_59 : i32
      %sign3A_61 = arith.extui %sign3A_60 : i1 to i32
      %sign3A_62 = arith.subi %sign3A_58, %sign3A_61 : i32
      %sign3A_63 = arith.constant 0 : i32
      %sign3A_64 = arith.cmpi sgt, %jit3A, %sign3A_63 : i32
      %sign3A_65 = arith.extui %sign3A_64 : i1 to i32
      %sign3A_66 = arith.constant 0 : i32
      %sign3A_67 = arith.cmpi slt, %jit3A, %sign3A_66 : i32
      %sign3A_68 = arith.extui %sign3A_67 : i1 to i32
      %sign3A_69 = arith.subi %sign3A_65, %sign3A_68 : i32
      %ne3A = arith.cmpi ne, %sign3A_62, %sign3A_69 : i32
      %rem3A = arith.remsi %scan3A_56, %jit3A : i32
      %ne3A_70 = arith.constant 0 : i32
      %ne3A_71 = arith.cmpi ne, %rem3A, %ne3A_70 : i32
      %and3A = arith.andi %ne3A, %ne3A_71 : i1
      %sub3A = arith.constant 1 : i32
      %sub3A_72 = arith.subi %div3A, %sub3A : i32
      %select_n3A = arith.select %and3A, %sub3A_72, %div3A : i32
      %jit3A_73 = arith.constant 8 : i32
      %eq3A_74 = arith.constant 0 : i32
      %eq3A_75 = arith.cmpi eq, %jit3A_73, %eq3A_74 : i32
      %jit3A_76 = arith.constant 1 : i32
      %select_n3A_77 = arith.select %eq3A_75, %jit3A_76, %jit3A_73 : i32
      %rem3A_78 = arith.remsi %scan3A_56, %select_n3A_77 : i32
      %ne3A_79 = arith.constant 0 : i32
      %ne3A_80 = arith.cmpi ne, %rem3A_78, %ne3A_79 : i32
      %lt3A = arith.constant 0 : i32
      %lt3A_81 = arith.cmpi slt, %rem3A_78, %lt3A : i32
      %lt3A_82 = arith.constant 0 : i32
      %lt3A_83 = arith.cmpi slt, %select_n3A_77, %lt3A_82 : i32
      %ne3A_84 = arith.xori %lt3A_81, %lt3A_83 : i1
      %and3A_85 = arith.andi %ne3A_84, %ne3A_80 : i1
      %add3A_86 = arith.addi %rem3A_78, %select_n3A_77 : i32
      %select_n3A_87 = arith.select %and3A_85, %add3A_86, %rem3A_78 : i32
      %mul3A_88 = arith.constant 16 : i32
      %mul3A_89 = arith.muli %select_n3A_87, %mul3A_88 : i32
      %swap3A = arith.index_cast %select_n3A : i32 to index
      %swap3A_90 = arith.index_cast %mul3A_89 : i32 to index
      %swap3A_91 = tpu.vector_load %arg14[%swap3A, %swap3A_90] {strides = array<i32>} : memref<80x128xf32, #tpu.memory_space<vmem>>, vector<1x16xf32>,
      %swap3A_92 = vector.shape_cast %swap3A_91 : vector<1x16xf32> to vector<16xf32>
      %swap3A_93 = vector.shape_cast %broadcast_in_dim3A_0 : vector<16xf32> to vector<1x16xf32>
      tpu.vector_store %arg14[%swap3A, %swap3A_90], %swap3A_93 {strides = array<i32>} : memref<80x128xf32, #tpu.memory_space<vmem>>, vector<1x16xf32>,
    }
    %scan3A_5 = arith.constant 640 : i32
    %mul3A = arith.constant 640 : i32
    %mul3A_6 = arith.muli %arg1, %mul3A : i32
    %add3A = arith.constant 0 : i32
    %add3A_7 = arith.addi %mul3A_6, %add3A : i32
    "tpu.region"() ({
      %run_scoped3A = tpu.sem_alloc : memref<!tpu.dma_semaphore, #tpu.memory_space<semaphore_mem>>
      %dma_start3A = arith.constant 0 : i32
      %dma_start3A_56 = tpu.memref_slice %arg9[%add3A_7, %dma_start3A] : memref<10240x128xf32, #tpu.memory_space<vmem_shared>> -> memref<80x128xf32, #tpu.memory_space<vmem_shared>>
      %dma_start3A_57 = arith.constant 0 : i32
      %dma_start3A_58 = tpu.memref_slice %arg9[%add3A_7, %dma_start3A_57] : memref<10240x128xf32, #tpu.memory_space<vmem_shared>> -> memref<80x128xf32, #tpu.memory_space<vmem_shared>>
      tpu.enqueue_dma source(%arg14 : memref<80x128xf32, #tpu.memory_space<vmem>>) target(%dma_start3A_58 : memref<80x128xf32, #tpu.memory_space<vmem_shared>>) target_semaphore(%run_scoped3A : memref<!tpu.dma_semaphore, #tpu.memory_space<semaphore_mem>>)
      %dma_wait3A = arith.constant 0 : i32
      %dma_wait3A_59 = tpu.memref_slice %arg9[%add3A_7, %dma_wait3A] : memref<10240x128xf32, #tpu.memory_space<vmem_shared>> -> memref<80x128xf32, #tpu.memory_space<vmem_shared>>
      %dma_wait3A_60 = arith.constant 0 : i32
      %dma_wait3A_61 = tpu.memref_slice %arg9[%add3A_7, %dma_wait3A_60] : memref<10240x128xf32, #tpu.memory_space<vmem_shared>> -> memref<80x128xf32, #tpu.memory_space<vmem_shared>>
      tpu.wait_dma2 semaphore(%run_scoped3A : memref<!tpu.dma_semaphore, #tpu.memory_space<semaphore_mem>>) src(%arg14 : memref<80x128xf32, #tpu.memory_space<vmem>>) dst(%dma_wait3A_61 : memref<80x128xf32, #tpu.memory_space<vmem_shared>>)
      tpu.yield
    }) : () -> ()
    %mul3A_8 = arith.constant 640 : i32
    %mul3A_9 = arith.muli %arg1, %mul3A_8 : i32
    %add3A_10 = arith.constant 80 : i32
    %add3A_11 = arith.addi %mul3A_9, %add3A_10 : i32
    "tpu.region"() ({
      %run_scoped3A = tpu.sem_alloc : memref<!tpu.dma_semaphore, #tpu.memory_space<semaphore_mem>>
      %dma_start3A = arith.constant 0 : i32
      %dma_start3A_56 = tpu.memref_slice %arg9[%add3A_11, %dma_start3A] : memref<10240x128xf32, #tpu.memory_space<vmem_shared>> -> memref<80x128xf32, #tpu.memory_space<vmem_shared>>
      %dma_start3A_57 = arith.constant 0 : i32
      %dma_start3A_58 = tpu.memref_slice %arg9[%add3A_11, %dma_start3A_57] : memref<10240x128xf32, #tpu.memory_space<vmem_shared>> -> memref<80x128xf32, #tpu.memory_space<vmem_shared>>
      tpu.enqueue_dma source(%arg14 : memref<80x128xf32, #tpu.memory_space<vmem>>) target(%dma_start3A_58 : memref<80x128xf32, #tpu.memory_space<vmem_shared>>) target_semaphore(%run_scoped3A : memref<!tpu.dma_semaphore, #tpu.memory_space<semaphore_mem>>)
      %dma_wait3A = arith.constant 0 : i32
      %dma_wait3A_59 = tpu.memref_slice %arg9[%add3A_11, %dma_wait3A] : memref<10240x128xf32, #tpu.memory_space<vmem_shared>> -> memref<80x128xf32, #tpu.memory_space<vmem_shared>>
      %dma_wait3A_60 = arith.constant 0 : i32
      %dma_wait3A_61 = tpu.memref_slice %arg9[%add3A_11, %dma_wait3A_60] : memref<10240x128xf32, #tpu.memory_space<vmem_shared>> -> memref<80x128xf32, #tpu.memory_space<vmem_shared>>
      tpu.wait_dma2 semaphore(%run_scoped3A : memref<!tpu.dma_semaphore, #tpu.memory_space<semaphore_mem>>) src(%arg14 : memref<80x128xf32, #tpu.memory_space<vmem>>) dst(%dma_wait3A_61 : memref<80x128xf32, #tpu.memory_space<vmem_shared>>)
      tpu.yield
    }) : () -> ()
    %mul3A_12 = arith.constant 640 : i32
    %mul3A_13 = arith.muli %arg1, %mul3A_12 : i32
    %add3A_14 = arith.constant 160 : i32
    %add3A_15 = arith.addi %mul3A_13, %add3A_14 : i32
    "tpu.region"() ({
      %run_scoped3A = tpu.sem_alloc : memref<!tpu.dma_semaphore, #tpu.memory_space<semaphore_mem>>
      %dma_start3A = arith.constant 0 : i32
      %dma_start3A_56 = tpu.memref_slice %arg9[%add3A_15, %dma_start3A] : memref<10240x128xf32, #tpu.memory_space<vmem_shared>> -> memref<80x128xf32, #tpu.memory_space<vmem_shared>>
      %dma_start3A_57 = arith.constant 0 : i32
      %dma_start3A_58 = tpu.memref_slice %arg9[%add3A_15, %dma_start3A_57] : memref<10240x128xf32, #tpu.memory_space<vmem_shared>> -> memref<80x128xf32, #tpu.memory_space<vmem_shared>>
      tpu.enqueue_dma source(%arg14 : memref<80x128xf32, #tpu.memory_space<vmem>>) target(%dma_start3A_58 : memref<80x128xf32, #tpu.memory_space<vmem_shared>>) target_semaphore(%run_scoped3A : memref<!tpu.dma_semaphore, #tpu.memory_space<semaphore_mem>>)
      %dma_wait3A = arith.constant 0 : i32
      %dma_wait3A_59 = tpu.memref_slice %arg9[%add3A_15, %dma_wait3A] : memref<10240x128xf32, #tpu.memory_space<vmem_shared>> -> memref<80x128xf32, #tpu.memory_space<vmem_shared>>
      %dma_wait3A_60 = arith.constant 0 : i32
      %dma_wait3A_61 = tpu.memref_slice %arg9[%add3A_15, %dma_wait3A_60] : memref<10240x128xf32, #tpu.memory_space<vmem_shared>> -> memref<80x128xf32, #tpu.memory_space<vmem_shared>>
      tpu.wait_dma2 semaphore(%run_scoped3A : memref<!tpu.dma_semaphore, #tpu.memory_space<semaphore_mem>>) src(%arg14 : memref<80x128xf32, #tpu.memory_space<vmem>>) dst(%dma_wait3A_61 : memref<80x128xf32, #tpu.memory_space<vmem_shared>>)
      tpu.yield
    }) : () -> ()
    %mul3A_16 = arith.constant 640 : i32
    %mul3A_17 = arith.muli %arg1, %mul3A_16 : i32
    %add3A_18 = arith.constant 240 : i32
    %add3A_19 = arith.addi %mul3A_17, %add3A_18 : i32
    "tpu.region"() ({
      %run_scoped3A = tpu.sem_alloc : memref<!tpu.dma_semaphore, #tpu.memory_space<semaphore_mem>>
      %dma_start3A = arith.constant 0 : i32
      %dma_start3A_56 = tpu.memref_slice %arg9[%add3A_19, %dma_start3A] : memref<10240x128xf32, #tpu.memory_space<vmem_shared>> -> memref<80x128xf32, #tpu.memory_space<vmem_shared>>
      %dma_start3A_57 = arith.constant 0 : i32
      %dma_start3A_58 = tpu.memref_slice %arg9[%add3A_19, %dma_start3A_57] : memref<10240x128xf32, #tpu.memory_space<vmem_shared>> -> memref<80x128xf32, #tpu.memory_space<vmem_shared>>
      tpu.enqueue_dma source(%arg14 : memref<80x128xf32, #tpu.memory_space<vmem>>) target(%dma_start3A_58 : memref<80x128xf32, #tpu.memory_space<vmem_shared>>) target_semaphore(%run_scoped3A : memref<!tpu.dma_semaphore, #tpu.memory_space<semaphore_mem>>)
      %dma_wait3A = arith.constant 0 : i32
      %dma_wait3A_59 = tpu.memref_slice %arg9[%add3A_19, %dma_wait3A] : memref<10240x128xf32, #tpu.memory_space<vmem_shared>> -> memref<80x128xf32, #tpu.memory_space<vmem_shared>>
      %dma_wait3A_60 = arith.constant 0 : i32
      %dma_wait3A_61 = tpu.memref_slice %arg9[%add3A_19, %dma_wait3A_60] : memref<10240x128xf32, #tpu.memory_space<vmem_shared>> -> memref<80x128xf32, #tpu.memory_space<vmem_shared>>
      tpu.wait_dma2 semaphore(%run_scoped3A : memref<!tpu.dma_semaphore, #tpu.memory_space<semaphore_mem>>) src(%arg14 : memref<80x128xf32, #tpu.memory_space<vmem>>) dst(%dma_wait3A_61 : memref<80x128xf32, #tpu.memory_space<vmem_shared>>)
      tpu.yield
    }) : () -> ()
    %mul3A_20 = arith.constant 640 : i32
    %mul3A_21 = arith.muli %arg1, %mul3A_20 : i32
    %add3A_22 = arith.constant 320 : i32
    %add3A_23 = arith.addi %mul3A_21, %add3A_22 : i32
    "tpu.region"() ({
      %run_scoped3A = tpu.sem_alloc : memref<!tpu.dma_semaphore, #tpu.memory_space<semaphore_mem>>
      %dma_start3A = arith.constant 0 : i32
      %dma_start3A_56 = tpu.memref_slice %arg9[%add3A_23, %dma_start3A] : memref<10240x128xf32, #tpu.memory_space<vmem_shared>> -> memref<80x128xf32, #tpu.memory_space<vmem_shared>>
      %dma_start3A_57 = arith.constant 0 : i32
      %dma_start3A_58 = tpu.memref_slice %arg9[%add3A_23, %dma_start3A_57] : memref<10240x128xf32, #tpu.memory_space<vmem_shared>> -> memref<80x128xf32, #tpu.memory_space<vmem_shared>>
      tpu.enqueue_dma source(%arg14 : memref<80x128xf32, #tpu.memory_space<vmem>>) target(%dma_start3A_58 : memref<80x128xf32, #tpu.memory_space<vmem_shared>>) target_semaphore(%run_scoped3A : memref<!tpu.dma_semaphore, #tpu.memory_space<semaphore_mem>>)
      %dma_wait3A = arith.constant 0 : i32
      %dma_wait3A_59 = tpu.memref_slice %arg9[%add3A_23, %dma_wait3A] : memref<10240x128xf32, #tpu.memory_space<vmem_shared>> -> memref<80x128xf32, #tpu.memory_space<vmem_shared>>
      %dma_wait3A_60 = arith.constant 0 : i32
      %dma_wait3A_61 = tpu.memref_slice %arg9[%add3A_23, %dma_wait3A_60] : memref<10240x128xf32, #tpu.memory_space<vmem_shared>> -> memref<80x128xf32, #tpu.memory_space<vmem_shared>>
      tpu.wait_dma2 semaphore(%run_scoped3A : memref<!tpu.dma_semaphore, #tpu.memory_space<semaphore_mem>>) src(%arg14 : memref<80x128xf32, #tpu.memory_space<vmem>>) dst(%dma_wait3A_61 : memref<80x128xf32, #tpu.memory_space<vmem_shared>>)
      tpu.yield
    }) : () -> ()
    %mul3A_24 = arith.constant 640 : i32
    %mul3A_25 = arith.muli %arg1, %mul3A_24 : i32
    %add3A_26 = arith.constant 400 : i32
    %add3A_27 = arith.addi %mul3A_25, %add3A_26 : i32
    "tpu.region"() ({
      %run_scoped3A = tpu.sem_alloc : memref<!tpu.dma_semaphore, #tpu.memory_space<semaphore_mem>>
      %dma_start3A = arith.constant 0 : i32
      %dma_start3A_56 = tpu.memref_slice %arg9[%add3A_27, %dma_start3A] : memref<10240x128xf32, #tpu.memory_space<vmem_shared>> -> memref<80x128xf32, #tpu.memory_space<vmem_shared>>
      %dma_start3A_57 = arith.constant 0 : i32
      %dma_start3A_58 = tpu.memref_slice %arg9[%add3A_27, %dma_start3A_57] : memref<10240x128xf32, #tpu.memory_space<vmem_shared>> -> memref<80x128xf32, #tpu.memory_space<vmem_shared>>
      tpu.enqueue_dma source(%arg14 : memref<80x128xf32, #tpu.memory_space<vmem>>) target(%dma_start3A_58 : memref<80x128xf32, #tpu.memory_space<vmem_shared>>) target_semaphore(%run_scoped3A : memref<!tpu.dma_semaphore, #tpu.memory_space<semaphore_mem>>)
      %dma_wait3A = arith.constant 0 : i32
      %dma_wait3A_59 = tpu.memref_slice %arg9[%add3A_27, %dma_wait3A] : memref<10240x128xf32, #tpu.memory_space<vmem_shared>> -> memref<80x128xf32, #tpu.memory_space<vmem_shared>>
      %dma_wait3A_60 = arith.constant 0 : i32
      %dma_wait3A_61 = tpu.memref_slice %arg9[%add3A_27, %dma_wait3A_60] : memref<10240x128xf32, #tpu.memory_space<vmem_shared>> -> memref<80x128xf32, #tpu.memory_space<vmem_shared>>
      tpu.wait_dma2 semaphore(%run_scoped3A : memref<!tpu.dma_semaphore, #tpu.memory_space<semaphore_mem>>) src(%arg14 : memref<80x128xf32, #tpu.memory_space<vmem>>) dst(%dma_wait3A_61 : memref<80x128xf32, #tpu.memory_space<vmem_shared>>)
      tpu.yield
    }) : () -> ()
    %mul3A_28 = arith.constant 640 : i32
    %mul3A_29 = arith.muli %arg1, %mul3A_28 : i32
    %add3A_30 = arith.constant 480 : i32
    %add3A_31 = arith.addi %mul3A_29, %add3A_30 : i32
    "tpu.region"() ({
      %run_scoped3A = tpu.sem_alloc : memref<!tpu.dma_semaphore, #tpu.memory_space<semaphore_mem>>
      %dma_start3A = arith.constant 0 : i32
      %dma_start3A_56 = tpu.memref_slice %arg9[%add3A_31, %dma_start3A] : memref<10240x128xf32, #tpu.memory_space<vmem_shared>> -> memref<80x128xf32, #tpu.memory_space<vmem_shared>>
      %dma_start3A_57 = arith.constant 0 : i32
      %dma_start3A_58 = tpu.memref_slice %arg9[%add3A_31, %dma_start3A_57] : memref<10240x128xf32, #tpu.memory_space<vmem_shared>> -> memref<80x128xf32, #tpu.memory_space<vmem_shared>>
      tpu.enqueue_dma source(%arg14 : memref<80x128xf32, #tpu.memory_space<vmem>>) target(%dma_start3A_58 : memref<80x128xf32, #tpu.memory_space<vmem_shared>>) target_semaphore(%run_scoped3A : memref<!tpu.dma_semaphore, #tpu.memory_space<semaphore_mem>>)
      %dma_wait3A = arith.constant 0 : i32
      %dma_wait3A_59 = tpu.memref_slice %arg9[%add3A_31, %dma_wait3A] : memref<10240x128xf32, #tpu.memory_space<vmem_shared>> -> memref<80x128xf32, #tpu.memory_space<vmem_shared>>
      %dma_wait3A_60 = arith.constant 0 : i32
      %dma_wait3A_61 = tpu.memref_slice %arg9[%add3A_31, %dma_wait3A_60] : memref<10240x128xf32, #tpu.memory_space<vmem_shared>> -> memref<80x128xf32, #tpu.memory_space<vmem_shared>>
      tpu.wait_dma2 semaphore(%run_scoped3A : memref<!tpu.dma_semaphore, #tpu.memory_space<semaphore_mem>>) src(%arg14 : memref<80x128xf32, #tpu.memory_space<vmem>>) dst(%dma_wait3A_61 : memref<80x128xf32, #tpu.memory_space<vmem_shared>>)
      tpu.yield
    }) : () -> ()
    %mul3A_32 = arith.constant 640 : i32
    %mul3A_33 = arith.muli %arg1, %mul3A_32 : i32
    %add3A_34 = arith.constant 560 : i32
    %add3A_35 = arith.addi %mul3A_33, %add3A_34 : i32
    "tpu.region"() ({
      %run_scoped3A = tpu.sem_alloc : memref<!tpu.dma_semaphore, #tpu.memory_space<semaphore_mem>>
      %dma_start3A = arith.constant 0 : i32
      %dma_start3A_56 = tpu.memref_slice %arg9[%add3A_35, %dma_start3A] : memref<10240x128xf32, #tpu.memory_space<vmem_shared>> -> memref<80x128xf32, #tpu.memory_space<vmem_shared>>
      %dma_start3A_57 = arith.constant 0 : i32
      %dma_start3A_58 = tpu.memref_slice %arg9[%add3A_35, %dma_start3A_57] : memref<10240x128xf32, #tpu.memory_space<vmem_shared>> -> memref<80x128xf32, #tpu.memory_space<vmem_shared>>
      tpu.enqueue_dma source(%arg14 : memref<80x128xf32, #tpu.memory_space<vmem>>) target(%dma_start3A_58 : memref<80x128xf32, #tpu.memory_space<vmem_shared>>) target_semaphore(%run_scoped3A : memref<!tpu.dma_semaphore, #tpu.memory_space<semaphore_mem>>)
      %dma_wait3A = arith.constant 0 : i32
      %dma_wait3A_59 = tpu.memref_slice %arg9[%add3A_35, %dma_wait3A] : memref<10240x128xf32, #tpu.memory_space<vmem_shared>> -> memref<80x128xf32, #tpu.memory_space<vmem_shared>>
      %dma_wait3A_60 = arith.constant 0 : i32
      %dma_wait3A_61 = tpu.memref_slice %arg9[%add3A_35, %dma_wait3A_60] : memref<10240x128xf32, #tpu.memory_space<vmem_shared>> -> memref<80x128xf32, #tpu.memory_space<vmem_shared>>
      tpu.wait_dma2 semaphore(%run_scoped3A : memref<!tpu.dma_semaphore, #tpu.memory_space<semaphore_mem>>) src(%arg14 : memref<80x128xf32, #tpu.memory_space<vmem>>) dst(%dma_wait3A_61 : memref<80x128xf32, #tpu.memory_space<vmem_shared>>)
      tpu.yield
    }) : () -> ()
    %mul3A_36 = arith.constant 640 : i32
    %mul3A_37 = arith.muli %arg1, %mul3A_36 : i32
    "tpu.region"() ({
      %run_scoped3A = tpu.sem_alloc : memref<!tpu.dma_semaphore, #tpu.memory_space<semaphore_mem>>
      %dma_start3A = tpu.memref_slice %arg10[%mul3A_37] : memref<10240xf32, #tpu.memory_space<vmem_shared>> -> memref<640xf32, #tpu.memory_space<vmem_shared>>
      %dma_start3A_56 = tpu.memref_slice %arg10[%mul3A_37] : memref<10240xf32, #tpu.memory_space<vmem_shared>> -> memref<640xf32, #tpu.memory_space<vmem_shared>>
      tpu.enqueue_dma source(%arg16 : memref<640xf32, #tpu.memory_space<vmem>>) target(%dma_start3A_56 : memref<640xf32, #tpu.memory_space<vmem_shared>>) target_semaphore(%run_scoped3A : memref<!tpu.dma_semaphore, #tpu.memory_space<semaphore_mem>>)
      %dma_wait3A = tpu.memref_slice %arg10[%mul3A_37] : memref<10240xf32, #tpu.memory_space<vmem_shared>> -> memref<640xf32, #tpu.memory_space<vmem_shared>>
      %dma_wait3A_57 = tpu.memref_slice %arg10[%mul3A_37] : memref<10240xf32, #tpu.memory_space<vmem_shared>> -> memref<640xf32, #tpu.memory_space<vmem_shared>>
      tpu.wait_dma2 semaphore(%run_scoped3A : memref<!tpu.dma_semaphore, #tpu.memory_space<semaphore_mem>>) src(%arg16 : memref<640xf32, #tpu.memory_space<vmem>>) dst(%dma_wait3A_57 : memref<640xf32, #tpu.memory_space<vmem_shared>>)
      tpu.yield
    }) : () -> ()
    %barrier3A = arith.constant 0 : index
    tpu.barrier barrier_id(%barrier3A)
    %eq3A = arith.constant 0 : i32
    %eq3A_38 = arith.cmpi eq, %arg0, %eq3A : i32
    %convert_element_type3A = arith.extui %eq3A_38 : i1 to i32
    %cond3A = arith.constant 0 : i32
    %cond3A_39 = arith.cmpi ne, %convert_element_type3A, %cond3A : i32
    scf.if %cond3A_39 {
      %dma_start3A = arith.constant 0 : i32
      %dma_start3A_56 = arith.constant 0 : i32
      %dma_start3A_57 = arith.constant 0 : i32
      %dma_start3A_58 = tpu.memref_slice %arg11[%dma_start3A_56, %dma_start3A_57] : memref<125x80xi32, #tpu.memory_space<vmem>> -> memref<1x80xi32, #tpu.memory_space<vmem>>
      %dma_start3A_59 = tpu.memref_squeeze %dma_start3A_58 : memref<1x80xi32, #tpu.memory_space<vmem>> -> memref<80xi32, #tpu.memory_space<vmem>>
      %dma_start3A_60 = arith.constant 0 : i32
      %dma_start3A_61 = arith.constant 0 : i32
      %dma_start3A_62 = tpu.memref_slice %arg2[%dma_start3A, %dma_start3A_60, %dma_start3A_61] : memref<2x10240x128xf32, #tpu.memory_space<hbm>> -> memref<1x10240x128xf32, #tpu.memory_space<hbm>>
      %dma_start3A_63 = tpu.memref_squeeze %dma_start3A_62 : memref<1x10240x128xf32, #tpu.memory_space<hbm>> -> memref<10240x128xf32, #tpu.memory_space<hbm>>
      %dma_start3A_64 = arith.constant 0 : i32
      %dma_start3A_65 = arith.constant 0 : i32
      %dma_start3A_66 = tpu.memref_slice %dma_start3A_63[%dma_start3A_64, %dma_start3A_65] : memref<10240x128xf32, #tpu.memory_space<hbm>> -> memref<10240x128xf32, #tpu.memory_space<hbm>>
      tpu.enqueue_indirect_dma source(%dma_start3A_66 : memref<10240x128xf32, #tpu.memory_space<hbm>>) target(%arg14 : memref<80x128xf32, #tpu.memory_space<vmem>>) offsets(%dma_start3A_59 : memref<80xi32, #tpu.memory_space<vmem>>) semaphore(%arg18 : memref<!tpu.dma_semaphore, #tpu.memory_space<semaphore_mem>>)
      %dma_start3A_67 = arith.constant 0 : i32
      %dma_start3A_68 = arith.constant 0 : i32
      %dma_start3A_69 = tpu.memref_slice %arg4[%arg1, %dma_start3A_67, %dma_start3A_68] : memref<16x125x80xi32, #tpu.memory_space<hbm>> -> memref<1x1x80xi32, #tpu.memory_space<hbm>>
      %dma_start3A_70 = tpu.memref_squeeze %dma_start3A_69 : memref<1x1x80xi32, #tpu.memory_space<hbm>> -> memref<80xi32, #tpu.memory_space<hbm>>
      %dma_start3A_71 = arith.constant 0 : i32
      %dma_start3A_72 = tpu.memref_slice %arg4[%arg1, %dma_start3A_67, %dma_start3A_71] : memref<16x125x80xi32, #tpu.memory_space<hbm>> -> memref<1x1x80xi32, #tpu.memory_space<hbm>>
      %dma_start3A_73 = tpu.memref_squeeze %dma_start3A_72 : memref<1x1x80xi32, #tpu.memory_space<hbm>> -> memref<80xi32, #tpu.memory_space<hbm>>
      tpu.enqueue_dma source(%dma_start3A_73 : memref<80xi32, #tpu.memory_space<hbm>>) target(%arg12 : memref<80xi32, #tpu.memory_space<vmem>>) target_semaphore(%arg20 : memref<!tpu.dma_semaphore, #tpu.memory_space<semaphore_mem>>)
      %dma_start3A_74 = arith.constant 0 : i32
      %dma_start3A_75 = arith.constant 1 : i32
      %dma_start3A_76 = arith.constant 0 : i32
      %dma_start3A_77 = tpu.memref_slice %arg11[%dma_start3A_75, %dma_start3A_76] : memref<125x80xi32, #tpu.memory_space<vmem>> -> memref<1x80xi32, #tpu.memory_space<vmem>>
      %dma_start3A_78 = tpu.memref_squeeze %dma_start3A_77 : memref<1x80xi32, #tpu.memory_space<vmem>> -> memref<80xi32, #tpu.memory_space<vmem>>
      %dma_start3A_79 = arith.constant 0 : i32
      %dma_start3A_80 = arith.constant 0 : i32
      %dma_start3A_81 = tpu.memref_slice %arg2[%dma_start3A_74, %dma_start3A_79, %dma_start3A_80] : memref<2x10240x128xf32, #tpu.memory_space<hbm>> -> memref<1x10240x128xf32, #tpu.memory_space<hbm>>
      %dma_start3A_82 = tpu.memref_squeeze %dma_start3A_81 : memref<1x10240x128xf32, #tpu.memory_space<hbm>> -> memref<10240x128xf32, #tpu.memory_space<hbm>>
      %dma_start3A_83 = arith.constant 0 : i32
      %dma_start3A_84 = arith.constant 0 : i32
      %dma_start3A_85 = tpu.memref_slice %dma_start3A_82[%dma_start3A_83, %dma_start3A_84] : memref<10240x128xf32, #tpu.memory_space<hbm>> -> memref<10240x128xf32, #tpu.memory_space<hbm>>
      tpu.enqueue_indirect_dma source(%dma_start3A_85 : memref<10240x128xf32, #tpu.memory_space<hbm>>) target(%arg15 : memref<80x128xf32, #tpu.memory_space<vmem>>) offsets(%dma_start3A_78 : memref<80xi32, #tpu.memory_space<vmem>>) semaphore(%arg19 : memref<!tpu.dma_semaphore, #tpu.memory_space<semaphore_mem>>)
      %dma_start3A_86 = arith.constant 1 : i32
      %dma_start3A_87 = arith.constant 0 : i32
      %dma_start3A_88 = tpu.memref_slice %arg4[%arg1, %dma_start3A_86, %dma_start3A_87] : memref<16x125x80xi32, #tpu.memory_space<hbm>> -> memref<1x1x80xi32, #tpu.memory_space<hbm>>
      %dma_start3A_89 = tpu.memref_squeeze %dma_start3A_88 : memref<1x1x80xi32, #tpu.memory_space<hbm>> -> memref<80xi32, #tpu.memory_space<hbm>>
      %dma_start3A_90 = arith.constant 0 : i32
      %dma_start3A_91 = tpu.memref_slice %arg4[%arg1, %dma_start3A_86, %dma_start3A_90] : memref<16x125x80xi32, #tpu.memory_space<hbm>> -> memref<1x1x80xi32, #tpu.memory_space<hbm>>
      %dma_start3A_92 = tpu.memref_squeeze %dma_start3A_91 : memref<1x1x80xi32, #tpu.memory_space<hbm>> -> memref<80xi32, #tpu.memory_space<hbm>>
      tpu.enqueue_dma source(%dma_start3A_92 : memref<80xi32, #tpu.memory_space<hbm>>) target(%arg13 : memref<80xi32, #tpu.memory_space<vmem>>) target_semaphore(%arg21 : memref<!tpu.dma_semaphore, #tpu.memory_space<semaphore_mem>>)
      %scan3A_93 = arith.constant 0 : i32
      %scan3A_94 = arith.constant 0 : i32
      %scan3A_95 = arith.constant 0 : i32
      %scan3A_96 = arith.constant 63 : i32
      %scan3A_97 = arith.addi %scan3A_95, %scan3A_96 : i32
      %scan3A_98 = arith.constant 1 : i32
      scf.for %scan3A_100 = %scan3A_95 to %scan3A_97 step %scan3A_98  : i32 {
        %mul3A_101 = arith.constant 2 : i32
        %mul3A_102 = arith.muli %mul3A_101, %scan3A_100 : i32
        %add3A_103 = arith.constant 1 : i32
        %add3A_104 = arith.addi %mul3A_102, %add3A_103 : i32
        %dma_wait3A = arith.constant 0 : i32
        %dma_wait3A_105 = tpu.memref_slice %arg11[%mul3A_102, %dma_wait3A] : memref<125x80xi32, #tpu.memory_space<vmem>> -> memref<1x80xi32, #tpu.memory_space<vmem>>
        %dma_wait3A_106 = tpu.memref_squeeze %dma_wait3A_105 : memref<1x80xi32, #tpu.memory_space<vmem>> -> memref<80xi32, #tpu.memory_space<vmem>>
        %dma_wait3A_107 = arith.constant 0 : i32
        %dma_wait3A_108 = arith.constant 0 : i32
        %dma_wait3A_109 = tpu.memref_slice %arg2[%scan3A_94, %dma_wait3A_107, %dma_wait3A_108] : memref<2x10240x128xf32, #tpu.memory_space<hbm>> -> memref<1x10240x128xf32, #tpu.memory_space<hbm>>
        %dma_wait3A_110 = tpu.memref_squeeze %dma_wait3A_109 : memref<1x10240x128xf32, #tpu.memory_space<hbm>> -> memref<10240x128xf32, #tpu.memory_space<hbm>>
        %dma_wait3A_111 = arith.constant 0 : i32
        %dma_wait3A_112 = arith.constant 0 : i32
        %dma_wait3A_113 = tpu.memref_slice %dma_wait3A_110[%dma_wait3A_111, %dma_wait3A_112] : memref<10240x128xf32, #tpu.memory_space<hbm>> -> memref<10240x128xf32, #tpu.memory_space<hbm>>
        tpu.wait_indirect_dma semaphore(%arg18 : memref<!tpu.dma_semaphore, #tpu.memory_space<semaphore_mem>>) src(%dma_wait3A_113 : memref<10240x128xf32, #tpu.memory_space<hbm>>) dst(%arg14 : memref<80x128xf32, #tpu.memory_space<vmem>>)
        %dma_wait3A_114 = arith.constant 0 : i32
        %dma_wait3A_115 = tpu.memref_slice %arg4[%arg1, %mul3A_102, %dma_wait3A_114] : memref<16x125x80xi32, #tpu.memory_space<hbm>> -> memref<1x1x80xi32, #tpu.memory_space<hbm>>
        %dma_wait3A_116 = tpu.memref_squeeze %dma_wait3A_115 : memref<1x1x80xi32, #tpu.memory_space<hbm>> -> memref<80xi32, #tpu.memory_space<hbm>>
        %dma_wait3A_117 = arith.constant 0 : i32
        %dma_wait3A_118 = tpu.memref_slice %arg4[%arg1, %mul3A_102, %dma_wait3A_117] : memref<16x125x80xi32, #tpu.memory_space<hbm>> -> memref<1x1x80xi32, #tpu.memory_space<hbm>>
        %dma_wait3A_119 = tpu.memref_squeeze %dma_wait3A_118 : memref<1x1x80xi32, #tpu.memory_space<hbm>> -> memref<80xi32, #tpu.memory_space<hbm>>
        tpu.wait_dma2 semaphore(%arg20 : memref<!tpu.dma_semaphore, #tpu.memory_space<semaphore_mem>>) src(%dma_wait3A_119 : memref<80xi32, #tpu.memory_space<hbm>>) dst(%arg12 : memref<80xi32, #tpu.memory_space<vmem>>)
        %dma_start3A_120 = arith.constant 0 : i32
        %dma_start3A_121 = arith.constant 0 : i32
        %dma_start3A_122 = tpu.memref_slice %arg9[%dma_start3A_120, %dma_start3A_121] : memref<10240x128xf32, #tpu.memory_space<vmem_shared>> -> memref<10240x128xf32, #tpu.memory_space<vmem_shared>>
        tpu.enqueue_indirect_dma source(%arg14 : memref<80x128xf32, #tpu.memory_space<vmem>>) target(%dma_start3A_122 : memref<10240x128xf32, #tpu.memory_space<vmem_shared>>) offsets(%arg12 : memref<80xi32, #tpu.memory_space<vmem>>) semaphore(%arg22 : memref<!tpu.dma_semaphore, #tpu.memory_space<semaphore_mem>>) {add = true}
        %eq3A_123 = arith.constant 0 : i32
        %eq3A_124 = arith.cmpi eq, %arg0, %eq3A_123 : i32
        %convert_element_type3A_125 = arith.extui %eq3A_124 : i1 to i32
        %cond3A_126 = arith.constant 0 : i32
        %cond3A_127 = arith.cmpi ne, %convert_element_type3A_125, %cond3A_126 : i32
        scf.if %cond3A_127 {
          %dma_start3A_152 = arith.constant 0 : i32
          %dma_start3A_153 = tpu.memref_slice %arg10[%dma_start3A_152] : memref<10240xf32, #tpu.memory_space<vmem_shared>> -> memref<10240xf32, #tpu.memory_space<vmem_shared>>
          tpu.enqueue_indirect_dma source(%arg17 : memref<80xf32, #tpu.memory_space<vmem>>) target(%dma_start3A_153 : memref<10240xf32, #tpu.memory_space<vmem_shared>>) offsets(%arg12 : memref<80xi32, #tpu.memory_space<vmem>>) semaphore(%arg24 : memref<!tpu.dma_semaphore, #tpu.memory_space<semaphore_mem>>) {add = true}
        } else {
        }
        %lt3A = arith.constant 125 : i32
        %lt3A_128 = arith.cmpi slt, %add3A_104, %lt3A : i32
        %convert_element_type3A_129 = arith.extui %lt3A_128 : i1 to i32
        %cond3A_130 = arith.constant 0 : i32
        %cond3A_131 = arith.cmpi ne, %convert_element_type3A_129, %cond3A_130 : i32
        scf.if %cond3A_131 {
          %dma_wait3A_152 = arith.constant 0 : i32
          %dma_wait3A_153 = tpu.memref_slice %arg11[%add3A_104, %dma_wait3A_152] : memref<125x80xi32, #tpu.memory_space<vmem>> -> memref<1x80xi32, #tpu.memory_space<vmem>>
          %dma_wait3A_154 = tpu.memref_squeeze %dma_wait3A_153 : memref<1x80xi32, #tpu.memory_space<vmem>> -> memref<80xi32, #tpu.memory_space<vmem>>
          %dma_wait3A_155 = arith.constant 0 : i32
          %dma_wait3A_156 = arith.constant 0 : i32
          %dma_wait3A_157 = tpu.memref_slice %arg2[%scan3A_94, %dma_wait3A_155, %dma_wait3A_156] : memref<2x10240x128xf32, #tpu.memory_space<hbm>> -> memref<1x10240x128xf32, #tpu.memory_space<hbm>>
          %dma_wait3A_158 = tpu.memref_squeeze %dma_wait3A_157 : memref<1x10240x128xf32, #tpu.memory_space<hbm>> -> memref<10240x128xf32, #tpu.memory_space<hbm>>
          %dma_wait3A_159 = arith.constant 0 : i32
          %dma_wait3A_160 = arith.constant 0 : i32
          %dma_wait3A_161 = tpu.memref_slice %dma_wait3A_158[%dma_wait3A_159, %dma_wait3A_160] : memref<10240x128xf32, #tpu.memory_space<hbm>> -> memref<10240x128xf32, #tpu.memory_space<hbm>>
          tpu.wait_indirect_dma semaphore(%arg19 : memref<!tpu.dma_semaphore, #tpu.memory_space<semaphore_mem>>) src(%dma_wait3A_161 : memref<10240x128xf32, #tpu.memory_space<hbm>>) dst(%arg15 : memref<80x128xf32, #tpu.memory_space<vmem>>)
          %dma_wait3A_162 = arith.constant 0 : i32
          %dma_wait3A_163 = tpu.memref_slice %arg4[%arg1, %add3A_104, %dma_wait3A_162] : memref<16x125x80xi32, #tpu.memory_space<hbm>> -> memref<1x1x80xi32, #tpu.memory_space<hbm>>
          %dma_wait3A_164 = tpu.memref_squeeze %dma_wait3A_163 : memref<1x1x80xi32, #tpu.memory_space<hbm>> -> memref<80xi32, #tpu.memory_space<hbm>>
          %dma_wait3A_165 = arith.constant 0 : i32
          %dma_wait3A_166 = tpu.memref_slice %arg4[%arg1, %add3A_104, %dma_wait3A_165] : memref<16x125x80xi32, #tpu.memory_space<hbm>> -> memref<1x1x80xi32, #tpu.memory_space<hbm>>
          %dma_wait3A_167 = tpu.memref_squeeze %dma_wait3A_166 : memref<1x1x80xi32, #tpu.memory_space<hbm>> -> memref<80xi32, #tpu.memory_space<hbm>>
          tpu.wait_dma2 semaphore(%arg21 : memref<!tpu.dma_semaphore, #tpu.memory_space<semaphore_mem>>) src(%dma_wait3A_167 : memref<80xi32, #tpu.memory_space<hbm>>) dst(%arg13 : memref<80xi32, #tpu.memory_space<vmem>>)
          %dma_start3A_168 = arith.constant 0 : i32
          %dma_start3A_169 = arith.constant 0 : i32
          %dma_start3A_170 = tpu.memref_slice %arg9[%dma_start3A_168, %dma_start3A_169] : memref<10240x128xf32, #tpu.memory_space<vmem_shared>> -> memref<10240x128xf32, #tpu.memory_space<vmem_shared>>
          tpu.enqueue_indirect_dma source(%arg15 : memref<80x128xf32, #tpu.memory_space<vmem>>) target(%dma_start3A_170 : memref<10240x128xf32, #tpu.memory_space<vmem_shared>>) offsets(%arg13 : memref<80xi32, #tpu.memory_space<vmem>>) semaphore(%arg23 : memref<!tpu.dma_semaphore, #tpu.memory_space<semaphore_mem>>) {add = true}
          %eq3A_171 = arith.constant 0 : i32
          %eq3A_172 = arith.cmpi eq, %arg0, %eq3A_171 : i32
          %convert_element_type3A_173 = arith.extui %eq3A_172 : i1 to i32
          %cond3A_174 = arith.constant 0 : i32
          %cond3A_175 = arith.cmpi ne, %convert_element_type3A_173, %cond3A_174 : i32
          scf.if %cond3A_175 {
            %dma_start3A_176 = arith.constant 0 : i32
            %dma_start3A_177 = tpu.memref_slice %arg10[%dma_start3A_176] : memref<10240xf32, #tpu.memory_space<vmem_shared>> -> memref<10240xf32, #tpu.memory_space<vmem_shared>>
            tpu.enqueue_indirect_dma source(%arg17 : memref<80xf32, #tpu.memory_space<vmem>>) target(%dma_start3A_177 : memref<10240xf32, #tpu.memory_space<vmem_shared>>) offsets(%arg13 : memref<80xi32, #tpu.memory_space<vmem>>) semaphore(%arg25 : memref<!tpu.dma_semaphore, #tpu.memory_space<semaphore_mem>>) {add = true}
          } else {
          }
        } else {
        }
        %dma_wait3A_132 = arith.constant 0 : i32
        %dma_wait3A_133 = arith.constant 0 : i32
        %dma_wait3A_134 = tpu.memref_slice %arg9[%dma_wait3A_132, %dma_wait3A_133] : memref<10240x128xf32, #tpu.memory_space<vmem_shared>> -> memref<10240x128xf32, #tpu.memory_space<vmem_shared>>
        tpu.wait_indirect_dma semaphore(%arg22 : memref<!tpu.dma_semaphore, #tpu.memory_space<semaphore_mem>>) src(%arg14 : memref<80x128xf32, #tpu.memory_space<vmem>>) dst(%dma_wait3A_134 : memref<10240x128xf32, #tpu.memory_space<vmem_shared>>)
        %eq3A_135 = arith.constant 0 : i32
        %eq3A_136 = arith.cmpi eq, %arg0, %eq3A_135 : i32
        %convert_element_type3A_137 = arith.extui %eq3A_136 : i1 to i32
        %cond3A_138 = arith.constant 0 : i32
        %cond3A_139 = arith.cmpi ne, %convert_element_type3A_137, %cond3A_138 : i32
        scf.if %cond3A_139 {
          %dma_wait3A_152 = arith.constant 0 : i32
          %dma_wait3A_153 = tpu.memref_slice %arg10[%dma_wait3A_152] : memref<10240xf32, #tpu.memory_space<vmem_shared>> -> memref<10240xf32, #tpu.memory_space<vmem_shared>>
          tpu.wait_indirect_dma semaphore(%arg24 : memref<!tpu.dma_semaphore, #tpu.memory_space<semaphore_mem>>) src(%arg17 : memref<80xf32, #tpu.memory_space<vmem>>) dst(%dma_wait3A_153 : memref<10240xf32, #tpu.memory_space<vmem_shared>>)
        } else {
        }
        %add3A_140 = arith.constant 2 : i32
        %add3A_141 = arith.addi %mul3A_102, %add3A_140 : i32
        %lt3A_142 = arith.constant 125 : i32
        %lt3A_143 = arith.cmpi slt, %add3A_141, %lt3A_142 : i32
        %convert_element_type3A_144 = arith.extui %lt3A_143 : i1 to i32
        %cond3A_145 = arith.constant 0 : i32
        %cond3A_146 = arith.cmpi ne, %convert_element_type3A_144, %cond3A_145 : i32
        scf.if %cond3A_146 {
          %add3A_152 = arith.constant 2 : i32
          %add3A_153 = arith.addi %mul3A_102, %add3A_152 : i32
          %dma_start3A_154 = arith.constant 0 : i32
          %dma_start3A_155 = tpu.memref_slice %arg11[%add3A_153, %dma_start3A_154] : memref<125x80xi32, #tpu.memory_space<vmem>> -> memref<1x80xi32, #tpu.memory_space<vmem>>
          %dma_start3A_156 = tpu.memref_squeeze %dma_start3A_155 : memref<1x80xi32, #tpu.memory_space<vmem>> -> memref<80xi32, #tpu.memory_space<vmem>>
          %dma_start3A_157 = arith.constant 0 : i32
          %dma_start3A_158 = arith.constant 0 : i32
          %dma_start3A_159 = tpu.memref_slice %arg2[%scan3A_94, %dma_start3A_157, %dma_start3A_158] : memref<2x10240x128xf32, #tpu.memory_space<hbm>> -> memref<1x10240x128xf32, #tpu.memory_space<hbm>>
          %dma_start3A_160 = tpu.memref_squeeze %dma_start3A_159 : memref<1x10240x128xf32, #tpu.memory_space<hbm>> -> memref<10240x128xf32, #tpu.memory_space<hbm>>
          %dma_start3A_161 = arith.constant 0 : i32
          %dma_start3A_162 = arith.constant 0 : i32
          %dma_start3A_163 = tpu.memref_slice %dma_start3A_160[%dma_start3A_161, %dma_start3A_162] : memref<10240x128xf32, #tpu.memory_space<hbm>> -> memref<10240x128xf32, #tpu.memory_space<hbm>>
          tpu.enqueue_indirect_dma source(%dma_start3A_163 : memref<10240x128xf32, #tpu.memory_space<hbm>>) target(%arg14 : memref<80x128xf32, #tpu.memory_space<vmem>>) offsets(%dma_start3A_156 : memref<80xi32, #tpu.memory_space<vmem>>) semaphore(%arg18 : memref<!tpu.dma_semaphore, #tpu.memory_space<semaphore_mem>>)
          %dma_start3A_164 = arith.constant 0 : i32
          %dma_start3A_165 = tpu.memref_slice %arg4[%arg1, %add3A_153, %dma_start3A_164] : memref<16x125x80xi32, #tpu.memory_space<hbm>> -> memref<1x1x80xi32, #tpu.memory_space<hbm>>
          %dma_start3A_166 = tpu.memref_squeeze %dma_start3A_165 : memref<1x1x80xi32, #tpu.memory_space<hbm>> -> memref<80xi32, #tpu.memory_space<hbm>>
          %dma_start3A_167 = arith.constant 0 : i32
          %dma_start3A_168 = tpu.memref_slice %arg4[%arg1, %add3A_153, %dma_start3A_167] : memref<16x125x80xi32, #tpu.memory_space<hbm>> -> memref<1x1x80xi32, #tpu.memory_space<hbm>>
          %dma_start3A_169 = tpu.memref_squeeze %dma_start3A_168 : memref<1x1x80xi32, #tpu.memory_space<hbm>> -> memref<80xi32, #tpu.memory_space<hbm>>
          tpu.enqueue_dma source(%dma_start3A_169 : memref<80xi32, #tpu.memory_space<hbm>>) target(%arg12 : memref<80xi32, #tpu.memory_space<vmem>>) target_semaphore(%arg20 : memref<!tpu.dma_semaphore, #tpu.memory_space<semaphore_mem>>)
        } else {
        }
        %lt3A_147 = arith.constant 125 : i32
        %lt3A_148 = arith.cmpi slt, %add3A_104, %lt3A_147 : i32
        %convert_element_type3A_149 = arith.extui %lt3A_148 : i1 to i32
        %cond3A_150 = arith.constant 0 : i32
        %cond3A_151 = arith.cmpi ne, %convert_element_type3A_149, %cond3A_150 : i32
        scf.if %cond3A_151 {
          %dma_wait3A_152 = arith.constant 0 : i32
          %dma_wait3A_153 = arith.constant 0 : i32
          %dma_wait3A_154 = tpu.memref_slice %arg9[%dma_wait3A_152, %dma_wait3A_153] : memref<10240x128xf32, #tpu.memory_space<vmem_shared>> -> memref<10240x128xf32, #tpu.memory_space<vmem_shared>>
          tpu.wait_indirect_dma semaphore(%arg23 : memref<!tpu.dma_semaphore, #tpu.memory_space<semaphore_mem>>) src(%arg15 : memref<80x128xf32, #tpu.memory_space<vmem>>) dst(%dma_wait3A_154 : memref<10240x128xf32, #tpu.memory_space<vmem_shared>>)
          %eq3A_155 = arith.constant 0 : i32
          %eq3A_156 = arith.cmpi eq, %arg0, %eq3A_155 : i32
          %convert_element_type3A_157 = arith.extui %eq3A_156 : i1 to i32
          %cond3A_158 = arith.constant 0 : i32
          %cond3A_159 = arith.cmpi ne, %convert_element_type3A_157, %cond3A_158 : i32
          scf.if %cond3A_159 {
            %dma_wait3A_167 = arith.constant 0 : i32
            %dma_wait3A_168 = tpu.memref_slice %arg10[%dma_wait3A_167] : memref<10240xf32, #tpu.memory_space<vmem_shared>> -> memref<10240xf32, #tpu.memory_space<vmem_shared>>
            tpu.wait_indirect_dma semaphore(%arg25 : memref<!tpu.dma_semaphore, #tpu.memory_space<semaphore_mem>>) src(%arg17 : memref<80xf32, #tpu.memory_space<vmem>>) dst(%dma_wait3A_168 : memref<10240xf32, #tpu.memory_space<vmem_shared>>)
          } else {
          }
          %add3A_160 = arith.constant 2 : i32
          %add3A_161 = arith.addi %add3A_104, %add3A_160 : i32
          %lt3A_162 = arith.constant 125 : i32
          %lt3A_163 = arith.cmpi slt, %add3A_161, %lt3A_162 : i32
          %convert_element_type3A_164 = arith.extui %lt3A_163 : i1 to i32
          %cond3A_165 = arith.constant 0 : i32
          %cond3A_166 = arith.cmpi ne, %convert_element_type3A_164, %cond3A_165 : i32
          scf.if %cond3A_166 {
            %add3A_167 = arith.constant 2 : i32
            %add3A_168 = arith.addi %add3A_104, %add3A_167 : i32
            %dma_start3A_169 = arith.constant 0 : i32
            %dma_start3A_170 = tpu.memref_slice %arg11[%add3A_168, %dma_start3A_169] : memref<125x80xi32, #tpu.memory_space<vmem>> -> memref<1x80xi32, #tpu.memory_space<vmem>>
            %dma_start3A_171 = tpu.memref_squeeze %dma_start3A_170 : memref<1x80xi32, #tpu.memory_space<vmem>> -> memref<80xi32, #tpu.memory_space<vmem>>
            %dma_start3A_172 = arith.constant 0 : i32
            %dma_start3A_173 = arith.constant 0 : i32
            %dma_start3A_174 = tpu.memref_slice %arg2[%scan3A_94, %dma_start3A_172, %dma_start3A_173] : memref<2x10240x128xf32, #tpu.memory_space<hbm>> -> memref<1x10240x128xf32, #tpu.memory_space<hbm>>
            %dma_start3A_175 = tpu.memref_squeeze %dma_start3A_174 : memref<1x10240x128xf32, #tpu.memory_space<hbm>> -> memref<10240x128xf32, #tpu.memory_space<hbm>>
            %dma_start3A_176 = arith.constant 0 : i32
            %dma_start3A_177 = arith.constant 0 : i32
            %dma_start3A_178 = tpu.memref_slice %dma_start3A_175[%dma_start3A_176, %dma_start3A_177] : memref<10240x128xf32, #tpu.memory_space<hbm>> -> memref<10240x128xf32, #tpu.memory_space<hbm>>
            tpu.enqueue_indirect_dma source(%dma_start3A_178 : memref<10240x128xf32, #tpu.memory_space<hbm>>) target(%arg15 : memref<80x128xf32, #tpu.memory_space<vmem>>) offsets(%dma_start3A_171 : memref<80xi32, #tpu.memory_space<vmem>>) semaphore(%arg19 : memref<!tpu.dma_semaphore, #tpu.memory_space<semaphore_mem>>)
            %dma_start3A_179 = arith.constant 0 : i32
            %dma_start3A_180 = tpu.memref_slice %arg4[%arg1, %add3A_168, %dma_start3A_179] : memref<16x125x80xi32, #tpu.memory_space<hbm>> -> memref<1x1x80xi32, #tpu.memory_space<hbm>>
            %dma_start3A_181 = tpu.memref_squeeze %dma_start3A_180 : memref<1x1x80xi32, #tpu.memory_space<hbm>> -> memref<80xi32, #tpu.memory_space<hbm>>
            %dma_start3A_182 = arith.constant 0 : i32
            %dma_start3A_183 = tpu.memref_slice %arg4[%arg1, %add3A_168, %dma_start3A_182] : memref<16x125x80xi32, #tpu.memory_space<hbm>> -> memref<1x1x80xi32, #tpu.memory_space<hbm>>
            %dma_start3A_184 = tpu.memref_squeeze %dma_start3A_183 : memref<1x1x80xi32, #tpu.memory_space<hbm>> -> memref<80xi32, #tpu.memory_space<hbm>>
            tpu.enqueue_dma source(%dma_start3A_184 : memref<80xi32, #tpu.memory_space<hbm>>) target(%arg13 : memref<80xi32, #tpu.memory_space<vmem>>) target_semaphore(%arg21 : memref<!tpu.dma_semaphore, #tpu.memory_space<semaphore_mem>>)
          } else {
          }
        } else {
        }
      }
      %scan3A_99 = arith.constant 63 : i32
    } else {
    }
    %eq3A_40 = arith.constant 1 : i32
    %eq3A_41 = arith.cmpi eq, %arg0, %eq3A_40 : i32
    %convert_element_type3A_42 = arith.extui %eq3A_41 : i1 to i32
    %cond3A_43 = arith.constant 0 : i32
    %cond3A_44 = arith.cmpi ne, %convert_element_type3A_42, %cond3A_43 : i32
    scf.if %cond3A_44 {
      %dma_start3A = arith.constant 1 : i32
      %dma_start3A_56 = arith.constant 0 : i32
      %dma_start3A_57 = arith.constant 0 : i32
      %dma_start3A_58 = tpu.memref_slice %arg11[%dma_start3A_56, %dma_start3A_57] : memref<125x80xi32, #tpu.memory_space<vmem>> -> memref<1x80xi32, #tpu.memory_space<vmem>>
      %dma_start3A_59 = tpu.memref_squeeze %dma_start3A_58 : memref<1x80xi32, #tpu.memory_space<vmem>> -> memref<80xi32, #tpu.memory_space<vmem>>
      %dma_start3A_60 = arith.constant 0 : i32
      %dma_start3A_61 = arith.constant 0 : i32
      %dma_start3A_62 = tpu.memref_slice %arg2[%dma_start3A, %dma_start3A_60, %dma_start3A_61] : memref<2x10240x128xf32, #tpu.memory_space<hbm>> -> memref<1x10240x128xf32, #tpu.memory_space<hbm>>
      %dma_start3A_63 = tpu.memref_squeeze %dma_start3A_62 : memref<1x10240x128xf32, #tpu.memory_space<hbm>> -> memref<10240x128xf32, #tpu.memory_space<hbm>>
      %dma_start3A_64 = arith.constant 0 : i32
      %dma_start3A_65 = arith.constant 0 : i32
      %dma_start3A_66 = tpu.memref_slice %dma_start3A_63[%dma_start3A_64, %dma_start3A_65] : memref<10240x128xf32, #tpu.memory_space<hbm>> -> memref<10240x128xf32, #tpu.memory_space<hbm>>
      tpu.enqueue_indirect_dma source(%dma_start3A_66 : memref<10240x128xf32, #tpu.memory_space<hbm>>) target(%arg14 : memref<80x128xf32, #tpu.memory_space<vmem>>) offsets(%dma_start3A_59 : memref<80xi32, #tpu.memory_space<vmem>>) semaphore(%arg18 : memref<!tpu.dma_semaphore, #tpu.memory_space<semaphore_mem>>)
      %dma_start3A_67 = arith.constant 0 : i32
      %dma_start3A_68 = arith.constant 0 : i32
      %dma_start3A_69 = tpu.memref_slice %arg4[%arg1, %dma_start3A_67, %dma_start3A_68] : memref<16x125x80xi32, #tpu.memory_space<hbm>> -> memref<1x1x80xi32, #tpu.memory_space<hbm>>
      %dma_start3A_70 = tpu.memref_squeeze %dma_start3A_69 : memref<1x1x80xi32, #tpu.memory_space<hbm>> -> memref<80xi32, #tpu.memory_space<hbm>>
      %dma_start3A_71 = arith.constant 0 : i32
      %dma_start3A_72 = tpu.memref_slice %arg4[%arg1, %dma_start3A_67, %dma_start3A_71] : memref<16x125x80xi32, #tpu.memory_space<hbm>> -> memref<1x1x80xi32, #tpu.memory_space<hbm>>
      %dma_start3A_73 = tpu.memref_squeeze %dma_start3A_72 : memref<1x1x80xi32, #tpu.memory_space<hbm>> -> memref<80xi32, #tpu.memory_space<hbm>>
      tpu.enqueue_dma source(%dma_start3A_73 : memref<80xi32, #tpu.memory_space<hbm>>) target(%arg12 : memref<80xi32, #tpu.memory_space<vmem>>) target_semaphore(%arg20 : memref<!tpu.dma_semaphore, #tpu.memory_space<semaphore_mem>>)
      %dma_start3A_74 = arith.constant 1 : i32
      %dma_start3A_75 = arith.constant 1 : i32
      %dma_start3A_76 = arith.constant 0 : i32
      %dma_start3A_77 = tpu.memref_slice %arg11[%dma_start3A_75, %dma_start3A_76] : memref<125x80xi32, #tpu.memory_space<vmem>> -> memref<1x80xi32, #tpu.memory_space<vmem>>
      %dma_start3A_78 = tpu.memref_squeeze %dma_start3A_77 : memref<1x80xi32, #tpu.memory_space<vmem>> -> memref<80xi32, #tpu.memory_space<vmem>>
      %dma_start3A_79 = arith.constant 0 : i32
      %dma_start3A_80 = arith.constant 0 : i32
      %dma_start3A_81 = tpu.memref_slice %arg2[%dma_start3A_74, %dma_start3A_79, %dma_start3A_80] : memref<2x10240x128xf32, #tpu.memory_space<hbm>> -> memref<1x10240x128xf32, #tpu.memory_space<hbm>>
      %dma_start3A_82 = tpu.memref_squeeze %dma_start3A_81 : memref<1x10240x128xf32, #tpu.memory_space<hbm>> -> memref<10240x128xf32, #tpu.memory_space<hbm>>
      %dma_start3A_83 = arith.constant 0 : i32
      %dma_start3A_84 = arith.constant 0 : i32
      %dma_start3A_85 = tpu.memref_slice %dma_start3A_82[%dma_start3A_83, %dma_start3A_84] : memref<10240x128xf32, #tpu.memory_space<hbm>> -> memref<10240x128xf32, #tpu.memory_space<hbm>>
      tpu.enqueue_indirect_dma source(%dma_start3A_85 : memref<10240x128xf32, #tpu.memory_space<hbm>>) target(%arg15 : memref<80x128xf32, #tpu.memory_space<vmem>>) offsets(%dma_start3A_78 : memref<80xi32, #tpu.memory_space<vmem>>) semaphore(%arg19 : memref<!tpu.dma_semaphore, #tpu.memory_space<semaphore_mem>>)
      %dma_start3A_86 = arith.constant 1 : i32
      %dma_start3A_87 = arith.constant 0 : i32
      %dma_start3A_88 = tpu.memref_slice %arg4[%arg1, %dma_start3A_86, %dma_start3A_87] : memref<16x125x80xi32, #tpu.memory_space<hbm>> -> memref<1x1x80xi32, #tpu.memory_space<hbm>>
      %dma_start3A_89 = tpu.memref_squeeze %dma_start3A_88 : memref<1x1x80xi32, #tpu.memory_space<hbm>> -> memref<80xi32, #tpu.memory_space<hbm>>
      %dma_start3A_90 = arith.constant 0 : i32
      %dma_start3A_91 = tpu.memref_slice %arg4[%arg1, %dma_start3A_86, %dma_start3A_90] : memref<16x125x80xi32, #tpu.memory_space<hbm>> -> memref<1x1x80xi32, #tpu.memory_space<hbm>>
      %dma_start3A_92 = tpu.memref_squeeze %dma_start3A_91 : memref<1x1x80xi32, #tpu.memory_space<hbm>> -> memref<80xi32, #tpu.memory_space<hbm>>
      tpu.enqueue_dma source(%dma_start3A_92 : memref<80xi32, #tpu.memory_space<hbm>>) target(%arg13 : memref<80xi32, #tpu.memory_space<vmem>>) target_semaphore(%arg21 : memref<!tpu.dma_semaphore, #tpu.memory_space<semaphore_mem>>)
      %scan3A_93 = arith.constant 0 : i32
      %scan3A_94 = arith.constant 1 : i32
      %scan3A_95 = arith.constant 0 : i32
      %scan3A_96 = arith.constant 63 : i32
      %scan3A_97 = arith.addi %scan3A_95, %scan3A_96 : i32
      %scan3A_98 = arith.constant 1 : i32
      scf.for %scan3A_100 = %scan3A_95 to %scan3A_97 step %scan3A_98  : i32 {
        %mul3A_101 = arith.constant 2 : i32
        %mul3A_102 = arith.muli %mul3A_101, %scan3A_100 : i32
        %add3A_103 = arith.constant 1 : i32
        %add3A_104 = arith.addi %mul3A_102, %add3A_103 : i32
        %dma_wait3A = arith.constant 0 : i32
        %dma_wait3A_105 = tpu.memref_slice %arg11[%mul3A_102, %dma_wait3A] : memref<125x80xi32, #tpu.memory_space<vmem>> -> memref<1x80xi32, #tpu.memory_space<vmem>>
        %dma_wait3A_106 = tpu.memref_squeeze %dma_wait3A_105 : memref<1x80xi32, #tpu.memory_space<vmem>> -> memref<80xi32, #tpu.memory_space<vmem>>
        %dma_wait3A_107 = arith.constant 0 : i32
        %dma_wait3A_108 = arith.constant 0 : i32
        %dma_wait3A_109 = tpu.memref_slice %arg2[%scan3A_94, %dma_wait3A_107, %dma_wait3A_108] : memref<2x10240x128xf32, #tpu.memory_space<hbm>> -> memref<1x10240x128xf32, #tpu.memory_space<hbm>>
        %dma_wait3A_110 = tpu.memref_squeeze %dma_wait3A_109 : memref<1x10240x128xf32, #tpu.memory_space<hbm>> -> memref<10240x128xf32, #tpu.memory_space<hbm>>
        %dma_wait3A_111 = arith.constant 0 : i32
        %dma_wait3A_112 = arith.constant 0 : i32
        %dma_wait3A_113 = tpu.memref_slice %dma_wait3A_110[%dma_wait3A_111, %dma_wait3A_112] : memref<10240x128xf32, #tpu.memory_space<hbm>> -> memref<10240x128xf32, #tpu.memory_space<hbm>>
        tpu.wait_indirect_dma semaphore(%arg18 : memref<!tpu.dma_semaphore, #tpu.memory_space<semaphore_mem>>) src(%dma_wait3A_113 : memref<10240x128xf32, #tpu.memory_space<hbm>>) dst(%arg14 : memref<80x128xf32, #tpu.memory_space<vmem>>)
        %dma_wait3A_114 = arith.constant 0 : i32
        %dma_wait3A_115 = tpu.memref_slice %arg4[%arg1, %mul3A_102, %dma_wait3A_114] : memref<16x125x80xi32, #tpu.memory_space<hbm>> -> memref<1x1x80xi32, #tpu.memory_space<hbm>>
        %dma_wait3A_116 = tpu.memref_squeeze %dma_wait3A_115 : memref<1x1x80xi32, #tpu.memory_space<hbm>> -> memref<80xi32, #tpu.memory_space<hbm>>
        %dma_wait3A_117 = arith.constant 0 : i32
        %dma_wait3A_118 = tpu.memref_slice %arg4[%arg1, %mul3A_102, %dma_wait3A_117] : memref<16x125x80xi32, #tpu.memory_space<hbm>> -> memref<1x1x80xi32, #tpu.memory_space<hbm>>
        %dma_wait3A_119 = tpu.memref_squeeze %dma_wait3A_118 : memref<1x1x80xi32, #tpu.memory_space<hbm>> -> memref<80xi32, #tpu.memory_space<hbm>>
        tpu.wait_dma2 semaphore(%arg20 : memref<!tpu.dma_semaphore, #tpu.memory_space<semaphore_mem>>) src(%dma_wait3A_119 : memref<80xi32, #tpu.memory_space<hbm>>) dst(%arg12 : memref<80xi32, #tpu.memory_space<vmem>>)
        %dma_start3A_120 = arith.constant 0 : i32
        %dma_start3A_121 = arith.constant 0 : i32
        %dma_start3A_122 = tpu.memref_slice %arg9[%dma_start3A_120, %dma_start3A_121] : memref<10240x128xf32, #tpu.memory_space<vmem_shared>> -> memref<10240x128xf32, #tpu.memory_space<vmem_shared>>
        tpu.enqueue_indirect_dma source(%arg14 : memref<80x128xf32, #tpu.memory_space<vmem>>) target(%dma_start3A_122 : memref<10240x128xf32, #tpu.memory_space<vmem_shared>>) offsets(%arg12 : memref<80xi32, #tpu.memory_space<vmem>>) semaphore(%arg22 : memref<!tpu.dma_semaphore, #tpu.memory_space<semaphore_mem>>) {add = true}
        %eq3A_123 = arith.constant 0 : i32
        %eq3A_124 = arith.cmpi eq, %arg0, %eq3A_123 : i32
        %convert_element_type3A_125 = arith.extui %eq3A_124 : i1 to i32
        %cond3A_126 = arith.constant 0 : i32
        %cond3A_127 = arith.cmpi ne, %convert_element_type3A_125, %cond3A_126 : i32
        scf.if %cond3A_127 {
          %dma_start3A_152 = arith.constant 0 : i32
          %dma_start3A_153 = tpu.memref_slice %arg10[%dma_start3A_152] : memref<10240xf32, #tpu.memory_space<vmem_shared>> -> memref<10240xf32, #tpu.memory_space<vmem_shared>>
          tpu.enqueue_indirect_dma source(%arg17 : memref<80xf32, #tpu.memory_space<vmem>>) target(%dma_start3A_153 : memref<10240xf32, #tpu.memory_space<vmem_shared>>) offsets(%arg12 : memref<80xi32, #tpu.memory_space<vmem>>) semaphore(%arg24 : memref<!tpu.dma_semaphore, #tpu.memory_space<semaphore_mem>>) {add = true}
        } else {
        }
        %lt3A = arith.constant 125 : i32
        %lt3A_128 = arith.cmpi slt, %add3A_104, %lt3A : i32
        %convert_element_type3A_129 = arith.extui %lt3A_128 : i1 to i32
        %cond3A_130 = arith.constant 0 : i32
        %cond3A_131 = arith.cmpi ne, %convert_element_type3A_129, %cond3A_130 : i32
        scf.if %cond3A_131 {
          %dma_wait3A_152 = arith.constant 0 : i32
          %dma_wait3A_153 = tpu.memref_slice %arg11[%add3A_104, %dma_wait3A_152] : memref<125x80xi32, #tpu.memory_space<vmem>> -> memref<1x80xi32, #tpu.memory_space<vmem>>
          %dma_wait3A_154 = tpu.memref_squeeze %dma_wait3A_153 : memref<1x80xi32, #tpu.memory_space<vmem>> -> memref<80xi32, #tpu.memory_space<vmem>>
          %dma_wait3A_155 = arith.constant 0 : i32
          %dma_wait3A_156 = arith.constant 0 : i32
          %dma_wait3A_157 = tpu.memref_slice %arg2[%scan3A_94, %dma_wait3A_155, %dma_wait3A_156] : memref<2x10240x128xf32, #tpu.memory_space<hbm>> -> memref<1x10240x128xf32, #tpu.memory_space<hbm>>
          %dma_wait3A_158 = tpu.memref_squeeze %dma_wait3A_157 : memref<1x10240x128xf32, #tpu.memory_space<hbm>> -> memref<10240x128xf32, #tpu.memory_space<hbm>>
          %dma_wait3A_159 = arith.constant 0 : i32
          %dma_wait3A_160 = arith.constant 0 : i32
          %dma_wait3A_161 = tpu.memref_slice %dma_wait3A_158[%dma_wait3A_159, %dma_wait3A_160] : memref<10240x128xf32, #tpu.memory_space<hbm>> -> memref<10240x128xf32, #tpu.memory_space<hbm>>
          tpu.wait_indirect_dma semaphore(%arg19 : memref<!tpu.dma_semaphore, #tpu.memory_space<semaphore_mem>>) src(%dma_wait3A_161 : memref<10240x128xf32, #tpu.memory_space<hbm>>) dst(%arg15 : memref<80x128xf32, #tpu.memory_space<vmem>>)
          %dma_wait3A_162 = arith.constant 0 : i32
          %dma_wait3A_163 = tpu.memref_slice %arg4[%arg1, %add3A_104, %dma_wait3A_162] : memref<16x125x80xi32, #tpu.memory_space<hbm>> -> memref<1x1x80xi32, #tpu.memory_space<hbm>>
          %dma_wait3A_164 = tpu.memref_squeeze %dma_wait3A_163 : memref<1x1x80xi32, #tpu.memory_space<hbm>> -> memref<80xi32, #tpu.memory_space<hbm>>
          %dma_wait3A_165 = arith.constant 0 : i32
          %dma_wait3A_166 = tpu.memref_slice %arg4[%arg1, %add3A_104, %dma_wait3A_165] : memref<16x125x80xi32, #tpu.memory_space<hbm>> -> memref<1x1x80xi32, #tpu.memory_space<hbm>>
          %dma_wait3A_167 = tpu.memref_squeeze %dma_wait3A_166 : memref<1x1x80xi32, #tpu.memory_space<hbm>> -> memref<80xi32, #tpu.memory_space<hbm>>
          tpu.wait_dma2 semaphore(%arg21 : memref<!tpu.dma_semaphore, #tpu.memory_space<semaphore_mem>>) src(%dma_wait3A_167 : memref<80xi32, #tpu.memory_space<hbm>>) dst(%arg13 : memref<80xi32, #tpu.memory_space<vmem>>)
          %dma_start3A_168 = arith.constant 0 : i32
          %dma_start3A_169 = arith.constant 0 : i32
          %dma_start3A_170 = tpu.memref_slice %arg9[%dma_start3A_168, %dma_start3A_169] : memref<10240x128xf32, #tpu.memory_space<vmem_shared>> -> memref<10240x128xf32, #tpu.memory_space<vmem_shared>>
          tpu.enqueue_indirect_dma source(%arg15 : memref<80x128xf32, #tpu.memory_space<vmem>>) target(%dma_start3A_170 : memref<10240x128xf32, #tpu.memory_space<vmem_shared>>) offsets(%arg13 : memref<80xi32, #tpu.memory_space<vmem>>) semaphore(%arg23 : memref<!tpu.dma_semaphore, #tpu.memory_space<semaphore_mem>>) {add = true}
          %eq3A_171 = arith.constant 0 : i32
          %eq3A_172 = arith.cmpi eq, %arg0, %eq3A_171 : i32
          %convert_element_type3A_173 = arith.extui %eq3A_172 : i1 to i32
          %cond3A_174 = arith.constant 0 : i32
          %cond3A_175 = arith.cmpi ne, %convert_element_type3A_173, %cond3A_174 : i32
          scf.if %cond3A_175 {
            %dma_start3A_176 = arith.constant 0 : i32
            %dma_start3A_177 = tpu.memref_slice %arg10[%dma_start3A_176] : memref<10240xf32, #tpu.memory_space<vmem_shared>> -> memref<10240xf32, #tpu.memory_space<vmem_shared>>
            tpu.enqueue_indirect_dma source(%arg17 : memref<80xf32, #tpu.memory_space<vmem>>) target(%dma_start3A_177 : memref<10240xf32, #tpu.memory_space<vmem_shared>>) offsets(%arg13 : memref<80xi32, #tpu.memory_space<vmem>>) semaphore(%arg25 : memref<!tpu.dma_semaphore, #tpu.memory_space<semaphore_mem>>) {add = true}
          } else {
          }
        } else {
        }
        %dma_wait3A_132 = arith.constant 0 : i32
        %dma_wait3A_133 = arith.constant 0 : i32
        %dma_wait3A_134 = tpu.memref_slice %arg9[%dma_wait3A_132, %dma_wait3A_133] : memref<10240x128xf32, #tpu.memory_space<vmem_shared>> -> memref<10240x128xf32, #tpu.memory_space<vmem_shared>>
        tpu.wait_indirect_dma semaphore(%arg22 : memref<!tpu.dma_semaphore, #tpu.memory_space<semaphore_mem>>) src(%arg14 : memref<80x128xf32, #tpu.memory_space<vmem>>) dst(%dma_wait3A_134 : memref<10240x128xf32, #tpu.memory_space<vmem_shared>>)
        %eq3A_135 = arith.constant 0 : i32
        %eq3A_136 = arith.cmpi eq, %arg0, %eq3A_135 : i32
        %convert_element_type3A_137 = arith.extui %eq3A_136 : i1 to i32
        %cond3A_138 = arith.constant 0 : i32
        %cond3A_139 = arith.cmpi ne, %convert_element_type3A_137, %cond3A_138 : i32
        scf.if %cond3A_139 {
          %dma_wait3A_152 = arith.constant 0 : i32
          %dma_wait3A_153 = tpu.memref_slice %arg10[%dma_wait3A_152] : memref<10240xf32, #tpu.memory_space<vmem_shared>> -> memref<10240xf32, #tpu.memory_space<vmem_shared>>
          tpu.wait_indirect_dma semaphore(%arg24 : memref<!tpu.dma_semaphore, #tpu.memory_space<semaphore_mem>>) src(%arg17 : memref<80xf32, #tpu.memory_space<vmem>>) dst(%dma_wait3A_153 : memref<10240xf32, #tpu.memory_space<vmem_shared>>)
        } else {
        }
        %add3A_140 = arith.constant 2 : i32
        %add3A_141 = arith.addi %mul3A_102, %add3A_140 : i32
        %lt3A_142 = arith.constant 125 : i32
        %lt3A_143 = arith.cmpi slt, %add3A_141, %lt3A_142 : i32
        %convert_element_type3A_144 = arith.extui %lt3A_143 : i1 to i32
        %cond3A_145 = arith.constant 0 : i32
        %cond3A_146 = arith.cmpi ne, %convert_element_type3A_144, %cond3A_145 : i32
        scf.if %cond3A_146 {
          %add3A_152 = arith.constant 2 : i32
          %add3A_153 = arith.addi %mul3A_102, %add3A_152 : i32
          %dma_start3A_154 = arith.constant 0 : i32
          %dma_start3A_155 = tpu.memref_slice %arg11[%add3A_153, %dma_start3A_154] : memref<125x80xi32, #tpu.memory_space<vmem>> -> memref<1x80xi32, #tpu.memory_space<vmem>>
          %dma_start3A_156 = tpu.memref_squeeze %dma_start3A_155 : memref<1x80xi32, #tpu.memory_space<vmem>> -> memref<80xi32, #tpu.memory_space<vmem>>
          %dma_start3A_157 = arith.constant 0 : i32
          %dma_start3A_158 = arith.constant 0 : i32
          %dma_start3A_159 = tpu.memref_slice %arg2[%scan3A_94, %dma_start3A_157, %dma_start3A_158] : memref<2x10240x128xf32, #tpu.memory_space<hbm>> -> memref<1x10240x128xf32, #tpu.memory_space<hbm>>
          %dma_start3A_160 = tpu.memref_squeeze %dma_start3A_159 : memref<1x10240x128xf32, #tpu.memory_space<hbm>> -> memref<10240x128xf32, #tpu.memory_space<hbm>>
          %dma_start3A_161 = arith.constant 0 : i32
          %dma_start3A_162 = arith.constant 0 : i32
          %dma_start3A_163 = tpu.memref_slice %dma_start3A_160[%dma_start3A_161, %dma_start3A_162] : memref<10240x128xf32, #tpu.memory_space<hbm>> -> memref<10240x128xf32, #tpu.memory_space<hbm>>
          tpu.enqueue_indirect_dma source(%dma_start3A_163 : memref<10240x128xf32, #tpu.memory_space<hbm>>) target(%arg14 : memref<80x128xf32, #tpu.memory_space<vmem>>) offsets(%dma_start3A_156 : memref<80xi32, #tpu.memory_space<vmem>>) semaphore(%arg18 : memref<!tpu.dma_semaphore, #tpu.memory_space<semaphore_mem>>)
          %dma_start3A_164 = arith.constant 0 : i32
          %dma_start3A_165 = tpu.memref_slice %arg4[%arg1, %add3A_153, %dma_start3A_164] : memref<16x125x80xi32, #tpu.memory_space<hbm>> -> memref<1x1x80xi32, #tpu.memory_space<hbm>>
          %dma_start3A_166 = tpu.memref_squeeze %dma_start3A_165 : memref<1x1x80xi32, #tpu.memory_space<hbm>> -> memref<80xi32, #tpu.memory_space<hbm>>
          %dma_start3A_167 = arith.constant 0 : i32
          %dma_start3A_168 = tpu.memref_slice %arg4[%arg1, %add3A_153, %dma_start3A_167] : memref<16x125x80xi32, #tpu.memory_space<hbm>> -> memref<1x1x80xi32, #tpu.memory_space<hbm>>
          %dma_start3A_169 = tpu.memref_squeeze %dma_start3A_168 : memref<1x1x80xi32, #tpu.memory_space<hbm>> -> memref<80xi32, #tpu.memory_space<hbm>>
          tpu.enqueue_dma source(%dma_start3A_169 : memref<80xi32, #tpu.memory_space<hbm>>) target(%arg12 : memref<80xi32, #tpu.memory_space<vmem>>) target_semaphore(%arg20 : memref<!tpu.dma_semaphore, #tpu.memory_space<semaphore_mem>>)
        } else {
        }
        %lt3A_147 = arith.constant 125 : i32
        %lt3A_148 = arith.cmpi slt, %add3A_104, %lt3A_147 : i32
        %convert_element_type3A_149 = arith.extui %lt3A_148 : i1 to i32
        %cond3A_150 = arith.constant 0 : i32
        %cond3A_151 = arith.cmpi ne, %convert_element_type3A_149, %cond3A_150 : i32
        scf.if %cond3A_151 {
          %dma_wait3A_152 = arith.constant 0 : i32
          %dma_wait3A_153 = arith.constant 0 : i32
          %dma_wait3A_154 = tpu.memref_slice %arg9[%dma_wait3A_152, %dma_wait3A_153] : memref<10240x128xf32, #tpu.memory_space<vmem_shared>> -> memref<10240x128xf32, #tpu.memory_space<vmem_shared>>
          tpu.wait_indirect_dma semaphore(%arg23 : memref<!tpu.dma_semaphore, #tpu.memory_space<semaphore_mem>>) src(%arg15 : memref<80x128xf32, #tpu.memory_space<vmem>>) dst(%dma_wait3A_154 : memref<10240x128xf32, #tpu.memory_space<vmem_shared>>)
          %eq3A_155 = arith.constant 0 : i32
          %eq3A_156 = arith.cmpi eq, %arg0, %eq3A_155 : i32
          %convert_element_type3A_157 = arith.extui %eq3A_156 : i1 to i32
          %cond3A_158 = arith.constant 0 : i32
          %cond3A_159 = arith.cmpi ne, %convert_element_type3A_157, %cond3A_158 : i32
          scf.if %cond3A_159 {
            %dma_wait3A_167 = arith.constant 0 : i32
            %dma_wait3A_168 = tpu.memref_slice %arg10[%dma_wait3A_167] : memref<10240xf32, #tpu.memory_space<vmem_shared>> -> memref<10240xf32, #tpu.memory_space<vmem_shared>>
            tpu.wait_indirect_dma semaphore(%arg25 : memref<!tpu.dma_semaphore, #tpu.memory_space<semaphore_mem>>) src(%arg17 : memref<80xf32, #tpu.memory_space<vmem>>) dst(%dma_wait3A_168 : memref<10240xf32, #tpu.memory_space<vmem_shared>>)
          } else {
          }
          %add3A_160 = arith.constant 2 : i32
          %add3A_161 = arith.addi %add3A_104, %add3A_160 : i32
          %lt3A_162 = arith.constant 125 : i32
          %lt3A_163 = arith.cmpi slt, %add3A_161, %lt3A_162 : i32
          %convert_element_type3A_164 = arith.extui %lt3A_163 : i1 to i32
          %cond3A_165 = arith.constant 0 : i32
          %cond3A_166 = arith.cmpi ne, %convert_element_type3A_164, %cond3A_165 : i32
          scf.if %cond3A_166 {
            %add3A_167 = arith.constant 2 : i32
            %add3A_168 = arith.addi %add3A_104, %add3A_167 : i32
            %dma_start3A_169 = arith.constant 0 : i32
            %dma_start3A_170 = tpu.memref_slice %arg11[%add3A_168, %dma_start3A_169] : memref<125x80xi32, #tpu.memory_space<vmem>> -> memref<1x80xi32, #tpu.memory_space<vmem>>
            %dma_start3A_171 = tpu.memref_squeeze %dma_start3A_170 : memref<1x80xi32, #tpu.memory_space<vmem>> -> memref<80xi32, #tpu.memory_space<vmem>>
            %dma_start3A_172 = arith.constant 0 : i32
            %dma_start3A_173 = arith.constant 0 : i32
            %dma_start3A_174 = tpu.memref_slice %arg2[%scan3A_94, %dma_start3A_172, %dma_start3A_173] : memref<2x10240x128xf32, #tpu.memory_space<hbm>> -> memref<1x10240x128xf32, #tpu.memory_space<hbm>>
            %dma_start3A_175 = tpu.memref_squeeze %dma_start3A_174 : memref<1x10240x128xf32, #tpu.memory_space<hbm>> -> memref<10240x128xf32, #tpu.memory_space<hbm>>
            %dma_start3A_176 = arith.constant 0 : i32
            %dma_start3A_177 = arith.constant 0 : i32
            %dma_start3A_178 = tpu.memref_slice %dma_start3A_175[%dma_start3A_176, %dma_start3A_177] : memref<10240x128xf32, #tpu.memory_space<hbm>> -> memref<10240x128xf32, #tpu.memory_space<hbm>>
            tpu.enqueue_indirect_dma source(%dma_start3A_178 : memref<10240x128xf32, #tpu.memory_space<hbm>>) target(%arg15 : memref<80x128xf32, #tpu.memory_space<vmem>>) offsets(%dma_start3A_171 : memref<80xi32, #tpu.memory_space<vmem>>) semaphore(%arg19 : memref<!tpu.dma_semaphore, #tpu.memory_space<semaphore_mem>>)
            %dma_start3A_179 = arith.constant 0 : i32
            %dma_start3A_180 = tpu.memref_slice %arg4[%arg1, %add3A_168, %dma_start3A_179] : memref<16x125x80xi32, #tpu.memory_space<hbm>> -> memref<1x1x80xi32, #tpu.memory_space<hbm>>
            %dma_start3A_181 = tpu.memref_squeeze %dma_start3A_180 : memref<1x1x80xi32, #tpu.memory_space<hbm>> -> memref<80xi32, #tpu.memory_space<hbm>>
            %dma_start3A_182 = arith.constant 0 : i32
            %dma_start3A_183 = tpu.memref_slice %arg4[%arg1, %add3A_168, %dma_start3A_182] : memref<16x125x80xi32, #tpu.memory_space<hbm>> -> memref<1x1x80xi32, #tpu.memory_space<hbm>>
            %dma_start3A_184 = tpu.memref_squeeze %dma_start3A_183 : memref<1x1x80xi32, #tpu.memory_space<hbm>> -> memref<80xi32, #tpu.memory_space<hbm>>
            tpu.enqueue_dma source(%dma_start3A_184 : memref<80xi32, #tpu.memory_space<hbm>>) target(%arg13 : memref<80xi32, #tpu.memory_space<vmem>>) target_semaphore(%arg21 : memref<!tpu.dma_semaphore, #tpu.memory_space<semaphore_mem>>)
          } else {
          }
        } else {
        }
      }
      %scan3A_99 = arith.constant 63 : i32
    } else {
    }
    %barrier3A_45 = arith.constant 0 : index
    tpu.barrier barrier_id(%barrier3A_45)
    %eq3A_46 = arith.constant 0 : i32
    %eq3A_47 = arith.cmpi eq, %arg0, %eq3A_46 : i32
    %convert_element_type3A_48 = arith.extui %eq3A_47 : i1 to i32
    %cond3A_49 = arith.constant 0 : i32
    %cond3A_50 = arith.cmpi ne, %convert_element_type3A_48, %cond3A_49 : i32
    scf.if %cond3A_50 {
      %mul3A_56 = arith.constant 640 : i32
      %mul3A_57 = arith.muli %arg1, %mul3A_56 : i32
      %mul3A_58 = arith.constant 640 : i32
      %mul3A_59 = arith.muli %arg1, %mul3A_58 : i32
      %run_scoped3A = arith.constant 0 : i32
      "tpu.region"() ({
        %run_scoped3A_64 = tpu.sem_alloc : memref<!tpu.dma_semaphore, #tpu.memory_space<semaphore_mem>>
        %dma_start3A = arith.constant 0 : i32
        %dma_start3A_65 = tpu.memref_slice %arg7[%run_scoped3A, %mul3A_59, %dma_start3A] : memref<2x10240x128xf32, #tpu.memory_space<hbm>> -> memref<1x640x128xf32, #tpu.memory_space<hbm>>
        %dma_start3A_66 = tpu.memref_squeeze %dma_start3A_65 : memref<1x640x128xf32, #tpu.memory_space<hbm>> -> memref<640x128xf32, #tpu.memory_space<hbm>>
        %dma_start3A_67 = arith.constant 0 : i32
        %dma_start3A_68 = tpu.memref_slice %arg9[%mul3A_57, %dma_start3A_67] : memref<10240x128xf32, #tpu.memory_space<vmem_shared>> -> memref<640x128xf32, #tpu.memory_space<vmem_shared>>
        tpu.enqueue_dma source(%dma_start3A_68 : memref<640x128xf32, #tpu.memory_space<vmem_shared>>) target(%dma_start3A_66 : memref<640x128xf32, #tpu.memory_space<hbm>>) target_semaphore(%run_scoped3A_64 : memref<!tpu.dma_semaphore, #tpu.memory_space<semaphore_mem>>)
        %dma_wait3A = arith.constant 0 : i32
        %dma_wait3A_69 = tpu.memref_slice %arg7[%run_scoped3A, %mul3A_59, %dma_wait3A] : memref<2x10240x128xf32, #tpu.memory_space<hbm>> -> memref<1x640x128xf32, #tpu.memory_space<hbm>>
        %dma_wait3A_70 = tpu.memref_squeeze %dma_wait3A_69 : memref<1x640x128xf32, #tpu.memory_space<hbm>> -> memref<640x128xf32, #tpu.memory_space<hbm>>
        %dma_wait3A_71 = arith.constant 0 : i32
        %dma_wait3A_72 = tpu.memref_slice %arg9[%mul3A_57, %dma_wait3A_71] : memref<10240x128xf32, #tpu.memory_space<vmem_shared>> -> memref<640x128xf32, #tpu.memory_space<vmem_shared>>
        tpu.wait_dma2 semaphore(%run_scoped3A_64 : memref<!tpu.dma_semaphore, #tpu.memory_space<semaphore_mem>>) src(%dma_wait3A_72 : memref<640x128xf32, #tpu.memory_space<vmem_shared>>) dst(%dma_wait3A_70 : memref<640x128xf32, #tpu.memory_space<hbm>>)
        tpu.yield
      }) : () -> ()
      %mul3A_60 = arith.constant 640 : i32
      %mul3A_61 = arith.muli %arg1, %mul3A_60 : i32
      %mul3A_62 = arith.constant 640 : i32
      %mul3A_63 = arith.muli %arg1, %mul3A_62 : i32
      "tpu.region"() ({
        %run_scoped3A_64 = tpu.sem_alloc : memref<!tpu.dma_semaphore, #tpu.memory_space<semaphore_mem>>
        %dma_start3A = tpu.memref_slice %arg8[%mul3A_63] : memref<10240xf32, #tpu.memory_space<hbm>> -> memref<640xf32, #tpu.memory_space<hbm>>
        %dma_start3A_65 = tpu.memref_slice %arg10[%mul3A_61] : memref<10240xf32, #tpu.memory_space<vmem_shared>> -> memref<640xf32, #tpu.memory_space<vmem_shared>>
        tpu.enqueue_dma source(%dma_start3A_65 : memref<640xf32, #tpu.memory_space<vmem_shared>>) target(%dma_start3A : memref<640xf32, #tpu.memory_space<hbm>>) target_semaphore(%run_scoped3A_64 : memref<!tpu.dma_semaphore, #tpu.memory_space<semaphore_mem>>)
        %dma_wait3A = tpu.memref_slice %arg8[%mul3A_63] : memref<10240xf32, #tpu.memory_space<hbm>> -> memref<640xf32, #tpu.memory_space<hbm>>
        %dma_wait3A_66 = tpu.memref_slice %arg10[%mul3A_61] : memref<10240xf32, #tpu.memory_space<vmem_shared>> -> memref<640xf32, #tpu.memory_space<vmem_shared>>
        tpu.wait_dma2 semaphore(%run_scoped3A_64 : memref<!tpu.dma_semaphore, #tpu.memory_space<semaphore_mem>>) src(%dma_wait3A_66 : memref<640xf32, #tpu.memory_space<vmem_shared>>) dst(%dma_wait3A : memref<640xf32, #tpu.memory_space<hbm>>)
        tpu.yield
      }) : () -> ()
    } else {
    }
    %eq3A_51 = arith.constant 1 : i32
    %eq3A_52 = arith.cmpi eq, %arg0, %eq3A_51 : i32
    %convert_element_type3A_53 = arith.extui %eq3A_52 : i1 to i32
    %cond3A_54 = arith.constant 0 : i32
    %cond3A_55 = arith.cmpi ne, %convert_element_type3A_53, %cond3A_54 : i32
    scf.if %cond3A_55 {
      %mul3A_56 = arith.constant 640 : i32
      %mul3A_57 = arith.muli %arg1, %mul3A_56 : i32
      %mul3A_58 = arith.constant 640 : i32
      %mul3A_59 = arith.muli %arg1, %mul3A_58 : i32
      %run_scoped3A = arith.constant 1 : i32
      "tpu.region"() ({
        %run_scoped3A_60 = tpu.sem_alloc : memref<!tpu.dma_semaphore, #tpu.memory_space<semaphore_mem>>
        %dma_start3A = arith.constant 0 : i32
        %dma_start3A_61 = tpu.memref_slice %arg7[%run_scoped3A, %mul3A_59, %dma_start3A] : memref<2x10240x128xf32, #tpu.memory_space<hbm>> -> memref<1x640x128xf32, #tpu.memory_space<hbm>>
        %dma_start3A_62 = tpu.memref_squeeze %dma_start3A_61 : memref<1x640x128xf32, #tpu.memory_space<hbm>> -> memref<640x128xf32, #tpu.memory_space<hbm>>
        %dma_start3A_63 = arith.constant 0 : i32
        %dma_start3A_64 = tpu.memref_slice %arg9[%mul3A_57, %dma_start3A_63] : memref<10240x128xf32, #tpu.memory_space<vmem_shared>> -> memref<640x128xf32, #tpu.memory_space<vmem_shared>>
        tpu.enqueue_dma source(%dma_start3A_64 : memref<640x128xf32, #tpu.memory_space<vmem_shared>>) target(%dma_start3A_62 : memref<640x128xf32, #tpu.memory_space<hbm>>) target_semaphore(%run_scoped3A_60 : memref<!tpu.dma_semaphore, #tpu.memory_space<semaphore_mem>>)
        %dma_wait3A = arith.constant 0 : i32
        %dma_wait3A_65 = tpu.memref_slice %arg7[%run_scoped3A, %mul3A_59, %dma_wait3A] : memref<2x10240x128xf32, #tpu.memory_space<hbm>> -> memref<1x640x128xf32, #tpu.memory_space<hbm>>
        %dma_wait3A_66 = tpu.memref_squeeze %dma_wait3A_65 : memref<1x640x128xf32, #tpu.memory_space<hbm>> -> memref<640x128xf32, #tpu.memory_space<hbm>>
        %dma_wait3A_67 = arith.constant 0 : i32
        %dma_wait3A_68 = tpu.memref_slice %arg9[%mul3A_57, %dma_wait3A_67] : memref<10240x128xf32, #tpu.memory_space<vmem_shared>> -> memref<640x128xf32, #tpu.memory_space<vmem_shared>>
        tpu.wait_dma2 semaphore(%run_scoped3A_60 : memref<!tpu.dma_semaphore, #tpu.memory_space<semaphore_mem>>) src(%dma_wait3A_68 : memref<640x128xf32, #tpu.memory_space<vmem_shared>>) dst(%dma_wait3A_66 : memref<640x128xf32, #tpu.memory_space<hbm>>)
        tpu.yield
      }) : () -> ()
    } else {
    }
    return
  }
}

module attributes {stable_mosaic.version = 14 : i64} {
  func.func @_tc_layer_body(%arg0: i32, %arg1: memref<2x400x128xf32, #tpu.memory_space<vmem>>, %arg2: memref<2x400x128xf32, #tpu.memory_space<vmem>>, %arg3: memref<400x1xf32, #tpu.memory_space<vmem>>, %arg4: memref<512x256xf32, #tpu.memory_space<vmem>>, %arg5: memref<1x256xf32, #tpu.memory_space<vmem>>, %arg6: memref<2x400x128xf32, #tpu.memory_space<vmem>>) attributes {dimension_semantics = [#tpu.dimension_semantics<arbitrary>], iteration_bounds = array<i64: 25>, scalar_prefetch = 0 : i64, scratch_operands = 0 : i64, tpu.core_type = #tpu.core_type<tc>, window_params = [{transform_indices = @transform_0, window_bounds = array<i64: 2, 400, 128>}, {transform_indices = @transform_1, window_bounds = array<i64: 2, 400, 128>}, {transform_indices = @transform_2, window_bounds = array<i64: 400, 1>}, {pipeline_mode = #tpu.pipeline_mode<synchronous>, transform_indices = @transform_3, window_bounds = array<i64: 512, 256>}, {pipeline_mode = #tpu.pipeline_mode<synchronous>, transform_indices = @transform_4, window_bounds = array<i64: 1, 256>}, {transform_indices = @transform_5, window_bounds = array<i64: 2, 400, 128>}]} {
    %get3A = arith.constant 0 : index
    %get3A_0 = arith.constant 0 : index
    %get3A_1 = vector.load %arg3[%get3A, %get3A_0] : memref<400x1xf32, #tpu.memory_space<vmem>>, vector<400x1xf32>
    %max3A = arith.constant 1.000000e+00 : f32
    %max3A_2 = vector.broadcast %max3A : f32 to vector<400x1xf32>
    %max3A_3 = arith.maximumf %get3A_1, %max3A_2 : vector<400x1xf32>
    %div3A = arith.constant 1.000000e+00 : f32
    %div3A_4 = vector.broadcast %div3A : f32 to vector<400x1xf32>
    %div3A_5 = arith.divf %div3A_4, %max3A_3 : vector<400x1xf32>
    %get3A_6 = arith.constant 0 : index
    %get3A_7 = arith.constant 0 : index
    %get3A_8 = arith.constant 0 : index
    %get3A_9 = vector.load %arg1[%get3A_6, %get3A_7, %get3A_8] : memref<2x400x128xf32, #tpu.memory_space<vmem>>, vector<1x400x128xf32>
    %get3A_10 = vector.shape_cast %get3A_9 : vector<1x400x128xf32> to vector<400x128xf32>
    %get3A_11 = arith.constant 1 : index
    %get3A_12 = arith.constant 0 : index
    %get3A_13 = arith.constant 0 : index
    %get3A_14 = vector.load %arg1[%get3A_11, %get3A_12, %get3A_13] : memref<2x400x128xf32, #tpu.memory_space<vmem>>, vector<1x400x128xf32>
    %get3A_15 = vector.shape_cast %get3A_14 : vector<1x400x128xf32> to vector<400x128xf32>
    %get3A_16 = arith.constant 0 : index
    %get3A_17 = arith.constant 0 : index
    %get3A_18 = arith.constant 0 : index
    %get3A_19 = vector.load %arg2[%get3A_16, %get3A_17, %get3A_18] : memref<2x400x128xf32, #tpu.memory_space<vmem>>, vector<1x400x128xf32>
    %get3A_20 = vector.shape_cast %get3A_19 : vector<1x400x128xf32> to vector<400x128xf32>
    %mul3A = vector.broadcast %div3A_5 : vector<400x1xf32> to vector<400x128xf32>
    %mul3A_21 = arith.mulf %get3A_20, %mul3A : vector<400x128xf32>
    %get3A_22 = arith.constant 1 : index
    %get3A_23 = arith.constant 0 : index
    %get3A_24 = arith.constant 0 : index
    %get3A_25 = vector.load %arg2[%get3A_22, %get3A_23, %get3A_24] : memref<2x400x128xf32, #tpu.memory_space<vmem>>, vector<1x400x128xf32>
    %get3A_26 = vector.shape_cast %get3A_25 : vector<1x400x128xf32> to vector<400x128xf32>
    %mul3A_27 = vector.broadcast %div3A_5 : vector<400x1xf32> to vector<400x128xf32>
    %mul3A_28 = arith.mulf %get3A_26, %mul3A_27 : vector<400x128xf32>
    %concatenate3A = tpu.concatenate %get3A_10, %get3A_15, %mul3A_21, %mul3A_28 in 1 : vector<400x128xf32>, vector<400x128xf32>, vector<400x128xf32>, vector<400x128xf32> -> vector<400x512xf32>
    %get3A_29 = arith.constant 0 : index
    %get3A_30 = arith.constant 0 : index
    %get3A_31 = vector.load %arg4[%get3A_29, %get3A_30] : memref<512x256xf32, #tpu.memory_space<vmem>>, vector<512x256xf32>
    %dot_general3A = arith.constant dense<0.000000e+00> : vector<400x256xf32>
    %dot_general3A_32 = tpu.matmul %concatenate3A, %get3A_31, %dot_general3A {dimension_numbers = #tpu.dot_dimension_numbers<[1], [0], [0], [1], [0, 0, 1, 1], [], []>, transpose_lhs_hint = false} : vector<400x512xf32>, vector<512x256xf32>, vector<400x256xf32> -> vector<400x256xf32>
    %get3A_33 = arith.constant 0 : index
    %get3A_34 = arith.constant 0 : index
    %get3A_35 = vector.load %arg5[%get3A_33, %get3A_34] : memref<1x256xf32, #tpu.memory_space<vmem>>, vector<1x256xf32>
    %add3A = vector.broadcast %get3A_35 : vector<1x256xf32> to vector<400x256xf32>
    %add3A_36 = arith.addf %dot_general3A_32, %add3A : vector<400x256xf32>
    %max3A_37 = arith.constant 0.000000e+00 : f32
    %max3A_38 = vector.broadcast %max3A_37 : f32 to vector<400x256xf32>
    %max3A_39 = arith.maximumf %add3A_36, %max3A_38 : vector<400x256xf32>
    %slice3A = vector.extract_strided_slice %max3A_39 {offsets = [0, 0], sizes = [400, 128], strides = [1, 1]} : vector<400x256xf32> to vector<400x128xf32>
    %swap3A = arith.constant 0 : index
    %swap3A_40 = arith.constant 0 : index
    %swap3A_41 = arith.constant 0 : index
    %swap3A_42 = vector.load %arg6[%swap3A, %swap3A_40, %swap3A_41] : memref<2x400x128xf32, #tpu.memory_space<vmem>>, vector<1x400x128xf32>
    %swap3A_43 = vector.shape_cast %swap3A_42 : vector<1x400x128xf32> to vector<400x128xf32>
    %swap3A_44 = vector.shape_cast %slice3A : vector<400x128xf32> to vector<1x400x128xf32>
    tpu.vector_store %arg6[%swap3A, %swap3A_40, %swap3A_41], %swap3A_44 {strides = array<i32>} : memref<2x400x128xf32, #tpu.memory_space<vmem>>, vector<1x400x128xf32>,
    %slice3A_45 = vector.extract_strided_slice %max3A_39 {offsets = [0, 128], sizes = [400, 128], strides = [1, 1]} : vector<400x256xf32> to vector<400x128xf32>
    %swap3A_46 = arith.constant 1 : index
    %swap3A_47 = arith.constant 0 : index
    %swap3A_48 = arith.constant 0 : index
    %swap3A_49 = vector.load %arg6[%swap3A_46, %swap3A_47, %swap3A_48] : memref<2x400x128xf32, #tpu.memory_space<vmem>>, vector<1x400x128xf32>
    %swap3A_50 = vector.shape_cast %swap3A_49 : vector<1x400x128xf32> to vector<400x128xf32>
    %swap3A_51 = vector.shape_cast %slice3A_45 : vector<400x128xf32> to vector<1x400x128xf32>
    tpu.vector_store %arg6[%swap3A_46, %swap3A_47, %swap3A_48], %swap3A_51 {strides = array<i32>} : memref<2x400x128xf32, #tpu.memory_space<vmem>>, vector<1x400x128xf32>,
    return
  }
  func.func @transform_0(%arg0: i32) -> (i32, i32, i32) {
    %c0_i32 = arith.constant 0 : i32
    %c0_i32_0 = arith.constant 0 : i32
    %c0_i32_1 = arith.constant 0 : i32
    return %c0_i32, %arg0, %c0_i32_0 : i32, i32, i32
  }
  func.func @transform_1(%arg0: i32) -> (i32, i32, i32) {
    %c0_i32 = arith.constant 0 : i32
    %c0_i32_0 = arith.constant 0 : i32
    %c0_i32_1 = arith.constant 0 : i32
    return %c0_i32, %arg0, %c0_i32_0 : i32, i32, i32
  }
  func.func @transform_2(%arg0: i32) -> (i32, i32) {
    %c0_i32 = arith.constant 0 : i32
    %c0_i32_0 = arith.constant 0 : i32
    return %arg0, %c0_i32 : i32, i32
  }
  func.func @transform_3(%arg0: i32) -> (i32, i32) {
    %c0_i32 = arith.constant 0 : i32
    %c0_i32_0 = arith.constant 0 : i32
    %c0_i32_1 = arith.constant 0 : i32
    return %c0_i32, %c0_i32_0 : i32, i32
  }
  func.func @transform_4(%arg0: i32) -> (i32, i32) {
    %c0_i32 = arith.constant 0 : i32
    %c0_i32_0 = arith.constant 0 : i32
    %c0_i32_1 = arith.constant 0 : i32
    return %c0_i32, %c0_i32_0 : i32, i32
  }
  func.func @transform_5(%arg0: i32) -> (i32, i32, i32) {
    %c0_i32 = arith.constant 0 : i32
    %c0_i32_0 = arith.constant 0 : i32
    %c0_i32_1 = arith.constant 0 : i32
    return %c0_i32, %arg0, %c0_i32_0 : i32, i32, i32
  }
}

module attributes {stable_mosaic.version = 14 : i64} {
  func.func @_tc_layer_body(%arg0: i32, %arg1: memref<2x400x128xf32, #tpu.memory_space<vmem>>, %arg2: memref<2x400x128xf32, #tpu.memory_space<vmem>>, %arg3: memref<400x1xf32, #tpu.memory_space<vmem>>, %arg4: memref<512x256xf32, #tpu.memory_space<vmem>>, %arg5: memref<1x256xf32, #tpu.memory_space<vmem>>, %arg6: memref<400x256xf32, #tpu.memory_space<vmem>>) attributes {dimension_semantics = [#tpu.dimension_semantics<arbitrary>], iteration_bounds = array<i64: 25>, scalar_prefetch = 0 : i64, scratch_operands = 0 : i64, tpu.core_type = #tpu.core_type<tc>, window_params = [{transform_indices = @transform_0, window_bounds = array<i64: 2, 400, 128>}, {transform_indices = @transform_1, window_bounds = array<i64: 2, 400, 128>}, {transform_indices = @transform_2, window_bounds = array<i64: 400, 1>}, {pipeline_mode = #tpu.pipeline_mode<synchronous>, transform_indices = @transform_3, window_bounds = array<i64: 512, 256>}, {pipeline_mode = #tpu.pipeline_mode<synchronous>, transform_indices = @transform_4, window_bounds = array<i64: 1, 256>}, {transform_indices = @transform_5, window_bounds = array<i64: 400, 256>}]} {
    %get3A = arith.constant 0 : index
    %get3A_0 = arith.constant 0 : index
    %get3A_1 = vector.load %arg3[%get3A, %get3A_0] : memref<400x1xf32, #tpu.memory_space<vmem>>, vector<400x1xf32>
    %max3A = arith.constant 1.000000e+00 : f32
    %max3A_2 = vector.broadcast %max3A : f32 to vector<400x1xf32>
    %max3A_3 = arith.maximumf %get3A_1, %max3A_2 : vector<400x1xf32>
    %div3A = arith.constant 1.000000e+00 : f32
    %div3A_4 = vector.broadcast %div3A : f32 to vector<400x1xf32>
    %div3A_5 = arith.divf %div3A_4, %max3A_3 : vector<400x1xf32>
    %get3A_6 = arith.constant 0 : index
    %get3A_7 = arith.constant 0 : index
    %get3A_8 = arith.constant 0 : index
    %get3A_9 = vector.load %arg1[%get3A_6, %get3A_7, %get3A_8] : memref<2x400x128xf32, #tpu.memory_space<vmem>>, vector<1x400x128xf32>
    %get3A_10 = vector.shape_cast %get3A_9 : vector<1x400x128xf32> to vector<400x128xf32>
    %get3A_11 = arith.constant 1 : index
    %get3A_12 = arith.constant 0 : index
    %get3A_13 = arith.constant 0 : index
    %get3A_14 = vector.load %arg1[%get3A_11, %get3A_12, %get3A_13] : memref<2x400x128xf32, #tpu.memory_space<vmem>>, vector<1x400x128xf32>
    %get3A_15 = vector.shape_cast %get3A_14 : vector<1x400x128xf32> to vector<400x128xf32>
    %get3A_16 = arith.constant 0 : index
    %get3A_17 = arith.constant 0 : index
    %get3A_18 = arith.constant 0 : index
    %get3A_19 = vector.load %arg2[%get3A_16, %get3A_17, %get3A_18] : memref<2x400x128xf32, #tpu.memory_space<vmem>>, vector<1x400x128xf32>
    %get3A_20 = vector.shape_cast %get3A_19 : vector<1x400x128xf32> to vector<400x128xf32>
    %mul3A = vector.broadcast %div3A_5 : vector<400x1xf32> to vector<400x128xf32>
    %mul3A_21 = arith.mulf %get3A_20, %mul3A : vector<400x128xf32>
    %get3A_22 = arith.constant 1 : index
    %get3A_23 = arith.constant 0 : index
    %get3A_24 = arith.constant 0 : index
    %get3A_25 = vector.load %arg2[%get3A_22, %get3A_23, %get3A_24] : memref<2x400x128xf32, #tpu.memory_space<vmem>>, vector<1x400x128xf32>
    %get3A_26 = vector.shape_cast %get3A_25 : vector<1x400x128xf32> to vector<400x128xf32>
    %mul3A_27 = vector.broadcast %div3A_5 : vector<400x1xf32> to vector<400x128xf32>
    %mul3A_28 = arith.mulf %get3A_26, %mul3A_27 : vector<400x128xf32>
    %concatenate3A = tpu.concatenate %get3A_10, %get3A_15, %mul3A_21, %mul3A_28 in 1 : vector<400x128xf32>, vector<400x128xf32>, vector<400x128xf32>, vector<400x128xf32> -> vector<400x512xf32>
    %get3A_29 = arith.constant 0 : index
    %get3A_30 = arith.constant 0 : index
    %get3A_31 = vector.load %arg4[%get3A_29, %get3A_30] : memref<512x256xf32, #tpu.memory_space<vmem>>, vector<512x256xf32>
    %dot_general3A = arith.constant dense<0.000000e+00> : vector<400x256xf32>
    %dot_general3A_32 = tpu.matmul %concatenate3A, %get3A_31, %dot_general3A {dimension_numbers = #tpu.dot_dimension_numbers<[1], [0], [0], [1], [0, 0, 1, 1], [], []>, transpose_lhs_hint = false} : vector<400x512xf32>, vector<512x256xf32>, vector<400x256xf32> -> vector<400x256xf32>
    %get3A_33 = arith.constant 0 : index
    %get3A_34 = arith.constant 0 : index
    %get3A_35 = vector.load %arg5[%get3A_33, %get3A_34] : memref<1x256xf32, #tpu.memory_space<vmem>>, vector<1x256xf32>
    %add3A = vector.broadcast %get3A_35 : vector<1x256xf32> to vector<400x256xf32>
    %add3A_36 = arith.addf %dot_general3A_32, %add3A : vector<400x256xf32>
    %swap3A = arith.constant 0 : index
    %swap3A_37 = arith.constant 0 : index
    %swap3A_38 = vector.load %arg6[%swap3A, %swap3A_37] : memref<400x256xf32, #tpu.memory_space<vmem>>, vector<400x256xf32>
    tpu.vector_store %arg6[%swap3A, %swap3A_37], %add3A_36 {strides = array<i32>} : memref<400x256xf32, #tpu.memory_space<vmem>>, vector<400x256xf32>,
    return
  }
  func.func @transform_0(%arg0: i32) -> (i32, i32, i32) {
    %c0_i32 = arith.constant 0 : i32
    %c0_i32_0 = arith.constant 0 : i32
    %c0_i32_1 = arith.constant 0 : i32
    return %c0_i32, %arg0, %c0_i32_0 : i32, i32, i32
  }
  func.func @transform_1(%arg0: i32) -> (i32, i32, i32) {
    %c0_i32 = arith.constant 0 : i32
    %c0_i32_0 = arith.constant 0 : i32
    %c0_i32_1 = arith.constant 0 : i32
    return %c0_i32, %arg0, %c0_i32_0 : i32, i32, i32
  }
  func.func @transform_2(%arg0: i32) -> (i32, i32) {
    %c0_i32 = arith.constant 0 : i32
    %c0_i32_0 = arith.constant 0 : i32
    return %arg0, %c0_i32 : i32, i32
  }
  func.func @transform_3(%arg0: i32) -> (i32, i32) {
    %c0_i32 = arith.constant 0 : i32
    %c0_i32_0 = arith.constant 0 : i32
    %c0_i32_1 = arith.constant 0 : i32
    return %c0_i32, %c0_i32_0 : i32, i32
  }
  func.func @transform_4(%arg0: i32) -> (i32, i32) {
    %c0_i32 = arith.constant 0 : i32
    %c0_i32_0 = arith.constant 0 : i32
    %c0_i32_1 = arith.constant 0 : i32
    return %c0_i32, %c0_i32_0 : i32, i32
  }
  func.func @transform_5(%arg0: i32) -> (i32, i32) {
    %c0_i32 = arith.constant 0 : i32
    %c0_i32_0 = arith.constant 0 : i32
    return %arg0, %c0_i32 : i32, i32
  }
}

</mosaic_0001>

<sc_bundles>
// kernel: _run.6.cloned.1.call-start
scs
__scs_entry_jumppad:
0x0: {  	(pc) =	sbr.rel $0x88, $3  }
0x1: {  	(tag) =	ssettag $0x0;
	lr =	simm.s32 $0x1  }
0x2: {  	[smem:$0x3F9B] =	sst lr;
	_ =	strace $0xD0000000  }
0x3: {  	_ = 	snop  }
0x4: {  	_ = 	snop  }
0x5: {  	_ = 	snop  }
0x6: {  	_ = 	snop  }
0x7: {  	_ = 	snop  }
__scs_overlays_trampoline_lowered:
0x8: {  	[smem:$0x3FAA] =	sst s0  }
0x9: {  	[smem:$0x3FAB] =	sst s1  }
0xa: {  	[smem:$0x3FAC] =	sst s2  }
0xb: {  	[smem:$0x3FAD] =	sst s3  }
0xc: {  	[smem:$0x3FAE] =	sst s4  }
0xd: {  	[smem:$0x3FAF] =	sst s5  }
0xe: {  	[smem:$0x3FB0] =	sst s6  }
0xf: {  	[smem:$0x3FB1] =	sst s7  }
0x10: {  	[smem:$0x3FB2] =	sst s8  }
0x11: {  	[smem:$0x3FB3] =	sst s9;
	s0 =	simm.s32 @!p0 $0x0  }
0x12: {  	s1 =	sld [smem:$0x3F99];
	s0 =	simm.s32 @p0 $0x1  }
0x13: {  	[smem:$0x3FB4] =	sst s0;
	s0 =	simm.s32 @!p1 $0x0  }
0x14: {  	s2 =	sld [smem:$0x3F98];
	s0 =	simm.s32 @p1 $0x1  }
0x15: {  	[smem:$0x3FB5] =	sst s0;
	s0 =	simm.s32 @!p2 $0x0  }
0x16: {  	s3 =	sld [smem:$0x3FDB];
	s0 =	simm.s32 @p2 $0x1  }
0x17: {  	s4 =	simm.s32 $0x1BF5;
	[smem:$0x3FB7] =	sst s0  }
0x18: {  	s0 =	sld [smem:$0x3F9A];
	_ =	swait.ge [sflag:s4], $0x0  }
0x19: {  	s7 =	sld [smem:$0x3F9B]  }
0x1a: {  	s8 =	sadd.s32 $0xFFFFE003, lr  }
0x1b: {  	s9 =	sadd.s32 $0xFFFFFEF7, lr;
	s5 =	simm.s32 $0xFFFFFFFF;
	p2 =	slt.u32 s8, $0xFFFFF086  }
0x1c: {  	p1 =	slt.u32 s9, $0xF7A;
	s5 =	simm.s32 @!p2 $0x0  }
0x1d: {  	s5 =	simm.s32 @p1 $0x1;
	p0 =	seq.s32 s7, s2  }
0x1e: {  	s7 =	smul.u32 @!p0 $0xF7A, s2;
	p2 =	seq.s32 @!p0 s5, $0x0  }
0x1f: {  	s9 =	smul.u32 $0xF7A, s1;
	s8 =	simm.s32 @!p0 $0x1BF5;
	p2 =	por !p2, p0  }
0x20: {  	[sflag:s8] =	ssyncset.s32 @!p0 $0xFFFFF086;
	s6 =	sadd.s32 @!p0 s3, s7;
	s7 =	simm.s32 @!p0 $0x108  }
0x21: {  	s3 =	sadd.s32 s3, s9;
	s6 =	sadd.s32 @!p0 $0x88, s6;
	s7 =	simm.s32 @p2 $0x1082  }
0x22: {  	[simem:s7], [sflag:s8] =	dma.local @!p0 [hbm:s6], $0xF7A  }
0x23: {  	s9 =	sor.u32 $0xD0000000, s2;
	s6 =	simm.s32 $0x108;
	_ =	swait.ge @!p0 [sflag:s8], $0x0  }
0x24: {  	s3 =	sadd.s32 $0x88, s3;
	s6 =	simm.s32 @!p1 $0x1082;
	[sflag:s4] =	ssyncset.s32 $0xFFFFF086  }
0x25: {  	[simem:s6], [sflag:s4] =	dma.local [hbm:s3], $0xF7A  }
0x26: {  	[smem:$0x3F9B] =	sst s1;
	(tag) =	ssettag s2;
	_ =	strace s9  }
0x27: {  	s1 =	sld [smem:$0x3FAB]  }
0x28: {  	s2 =	sld [smem:$0x3FAC]  }
0x29: {  	s4 =	sld [smem:$0x3FAE]  }
0x2a: {  	p0 =	seq.s32 s5, $0x0;
	s5 =	sld [smem:$0x3FAF]  }
0x2b: {  	s6 =	sld [smem:$0x3FB0]  }
0x2c: {  	s7 =	sld [smem:$0x3FB1]  }
0x2d: {  	s3 =	simm.s32 $0x108;
	s8 =	sld [smem:$0x3FB2]  }
0x2e: {  	s3 =	simm.s32 @!p0 $0x1082;
	s9 =	sld [smem:$0x3FB3]  }
0x2f: {  	lr =	sadd.s32 s0, s3;
	s0 =	sld [smem:$0x3FAA]  }
0x30: {  	s3 =	sld [smem:$0x3FAD]  }
0x31: {  	[smem:$0x3FB6] =	sst s10  }
0x32: {  	s10 =	sld [smem:$0x3FB4];
	_ =	sdelay $0x3  }
0x33: {  	p0 =	seq.s32 s10, $0x1;
	s10 =	sld [smem:$0x3FB6];
	_ =	sdelay $0x3  }
0x34: {  	[smem:$0x3FB6] =	sst s10  }
0x35: {  	s10 =	sld [smem:$0x3FB5];
	_ =	sdelay $0x3  }
0x36: {  	p1 =	seq.s32 s10, $0x1;
	s10 =	sld [smem:$0x3FB6];
	_ =	sdelay $0x3  }
0x37: {  	[smem:$0x3FB6] =	sst s10  }
0x38: {  	s10 =	sld [smem:$0x3FB7]  }
0x39: {  	_ = 	snop;
	(pc) =	sbr.ind lr, $3  }
0x3a: {  	_ = 	snop  }
0x3b: {  	_ = 	snop  }
0x3c: {  	p2 =	seq.s32 s10, $0x1;
	s10 =	sld [smem:$0x3FB6]  }
0x3d: {  	_ =	shalt  }
0x3e: {  	_ =	shalt  }
0x3f: {  	_ =	shalt  }
0x40: {  	_ =	shalt  }
0x41: {  	_ =	shalt  }
0x42: {  	_ =	shalt  }
0x43: {  	_ =	shalt  }
0x44: {  	_ =	shalt  }
0x45: {  	_ =	shalt  }
0x46: {  	_ =	shalt  }
0x47: {  	_ =	shalt  }
0x48: {  	_ =	shalt  }
0x49: {  	_ =	shalt  }
0x4a: {  	_ =	shalt  }
0x4b: {  	_ =	shalt  }
0x4c: {  	_ =	shalt  }
0x4d: {  	_ =	shalt  }
0x4e: {  	_ =	shalt  }
0x4f: {  	_ =	shalt  }
0x50: {  	_ =	shalt  }
0x51: {  	_ =	shalt  }
0x52: {  	_ =	shalt  }
0x53: {  	_ =	shalt  }
0x54: {  	_ =	shalt  }
0x55: {  	_ =	shalt  }
0x56: {  	_ =	shalt  }
0x57: {  	_ =	shalt  }
0x58: {  	_ =	shalt  }
0x59: {  	_ =	shalt  }
0x5a: {  	_ =	shalt  }
0x5b: {  	_ =	shalt  }
0x5c: {  	_ =	shalt  }
0x5d: {  	_ =	shalt  }
0x5e: {  	_ =	shalt  }
0x5f: {  	_ =	shalt  }
0x60: {  	_ =	shalt  }
0x61: {  	_ =	shalt  }
0x62: {  	_ =	shalt  }
0x63: {  	_ =	shalt  }
0x64: {  	_ =	shalt  }
0x65: {  	_ =	shalt  }
0x66: {  	_ =	shalt  }
0x67: {  	_ =	shalt  }
0x68: {  	_ =	shalt  }
0x69: {  	_ =	shalt  }
0x6a: {  	_ =	shalt  }
0x6b: {  	_ =	shalt  }
0x6c: {  	_ =	shalt  }
0x6d: {  	_ =	shalt  }
0x6e: {  	_ =	shalt  }
0x6f: {  	_ =	shalt  }
0x70: {  	_ =	shalt  }
0x71: {  	_ =	shalt  }
0x72: {  	_ =	shalt  }
0x73: {  	_ =	shalt  }
0x74: {  	_ =	shalt  }
0x75: {  	_ =	shalt  }
0x76: {  	_ =	shalt  }
0x77: {  	_ =	shalt  }
0x78: {  	_ =	shalt  }
0x79: {  	_ =	shalt  }
0x7a: {  	_ =	shalt  }
0x7b: {  	_ =	shalt  }
0x7c: {  	_ =	shalt  }
0x7d: {  	_ =	shalt  }
0x7e: {  	_ =	shalt  }
0x7f: {  	_ =	shalt  }
0x80: {  	_ =	shalt  }
0x81: {  	_ =	shalt  }
0x82: {  	_ =	shalt  }
0x83: {  	_ =	shalt  }
0x84: {  	_ =	shalt  }
0x85: {  	_ =	shalt  }
0x86: {  	_ =	shalt  }
0x87: {  	_ =	shalt  }
.Lfunc_end0:
.L_simem_size_0:
called_computation_lowered:
.L_overlay_start_0:
0x88: {  	s2 =	sld [smem:$0x3FD9]  }
0x89: {  	s3 =	sld [smem:$0x3FFE];
	_ =	sdelay $0x1  }
0x8a: {  	s1 =	srdreg.scid  }
0x8b: {  	s0 =	sand.u32 $0x1, s1  }
0x8c: {  	s17 =	sshll.u32 s0, $0xA;
	s2 =	sadd.s32 s3, s2  }
0x8d: {  	s2 =	sadd.s32 s2, s17  }
0x8e: {  	[smem:$0x3FC2] =	sst s2  }
0x8f: {  	_ = 	snop  }
0x90: {  	s2 =	sld [smem:$0x3FD0];
	(tm) =	ssettm $0x1  }
0x91: {  	s18 =	sld [smem:$0x3FFB];
	_ =	sdelay $0x3  }
0x92: {  	_ =	strace s18  }
0x93: {  	s3 =	sld [smem:$0x3FFC];
	_ =	sdelay $0x3  }
0x94: {  	_ =	strace s3  }
0x95: {  	s3 =	sld [smem:$0x3FFD];
	_ =	sdelay $0x3  }
0x96: {  	_ =	strace s3  }
0x97: {  	_ =	strace $0x8FFFFFFF  }
0x98: {  	s19 =	sld [smem:$0x3FDB];
	_ =	sdelay $0x1  }
0x99: {  	s4 =	simm.s32 $_scs_section_size  }
0x9a: {  	s5 =	simm.s32 $_size__tile_overlayer_lowered;
	s6 =	simm.s32 $_tile_overlayer_lowered  }
0x9b: {  	s22 =	simm.s32 $0x1BFF;
	s21 =	sshll.u32 s6, $0x1;
	s3 =	sadd.s32 s4, s19  }
0x9c: {  	s7 =	simm.s32 $0x0;
	s20 =	sshll.u32 s5, $0x1;
	s5 =	sadd.s32 s21, s3  }
0x9d: {  	[timem:s7], [sflag:s22] =	dma.local [hbm:s5], s20  }
0x9e: {  	_ =	swait.ge [sflag:s22], s20  }
0x9f: {  	s4 =	ssub.s32 $0x0, s20;
	[sflag:s22] =	ssyncset.done $0x0  }
0xa0: {  	[sflag:s22] =	ssyncadd.s32 s4;
	_ =	sdelay $0x1  }
0xa1: {  	s23 =	simm.s32 $0x1B8B  }
0xa2: {  	_ =	swait.ge [sflag:s23], $0x1  }
0xa3: {  	[sflag:s23] =	ssyncset.done $0x0  }
0xa4: {  	s25 =	simm.s32 $0x1B8E;
	s24 =	sld [smem:$0x3FFE];
	[sflag:s23] =	ssyncadd.s32 $0xFFFFFFFF  }
0xa5: {  	s26 =	simm.s32 $execute0_lowered;
	[smem:$0x3FD2] =	sst s25  }
0xa6: {  	s5 =	sshll.u32 s26, $0x1;
	_ =	strace $0x80000046;
	[dreg:$0x1] =	wrdreg $0xFFFFFFFF  }
0xa7: {  	s28 =	simm.s32 $_size_execute0_lowered;
	s3 =	sadd.s32 s3, s5;
	[dreg:$0x0] =	wrdreg $0x0  }
0xa8: {  	s5 =	sshll.u32 s28, $0x1;
	[dreg:$0x2] =	wrdreg s3  }
0xa9: {  	[dreg:$0x3] =	wrdreg s5  }
0xaa: {  	[dreg:$0x4] =	wrdreg $0xC0  }
0xab: {  	_ =	task [dreg:s7], $0x5FFFF  }
0xac: {  	[dreg:$0x1] =	wrdreg $0xFFFFFFFF  }
0xad: {  	[dreg:$0x0] =	wrdreg $0x60  }
0xae: {  	[dreg:$0x2] =	wrdreg s24  }
0xaf: {  	[dreg:$0x3] =	wrdreg s2  }
0xb0: {  	[dreg:$0x4] =	wrdreg $0x0  }
0xb1: {  	[dreg:$0x5] =	wrdreg $0x140000  }
0xb2: {  	[dreg:$0x6] =	wrdreg $0x9  }
0xb3: {  	_ =	task.clear_ibuf [dreg:s7], $0x7FFFF;
	_ =	strace $0x90000046  }
0xb4: {  	s29 =	simm.s32 $0x9;
	_ =	strace $0x80000048  }
0xb5: {  	_ =	swait.ge [sflag:s29], $0x1  }
0xb6: {  	[sflag:s29] =	ssyncadd.s32 $0xFFFFFFFF  }
0xb7: {  	_ =	strace $0x90000048  }
0xb8: {  	_ =	sfence  }
0xb9: {  	s30 =	sld [smem:$0x0];
	_ =	sdelay $0x2  }
0xba: {  	s31 =	sshll.u32 s1, $0xD;
	s1 =	sshrl.u32 s1, $0x2  }
0xbb: {  	s3 =	sand.u32 $0x4000, s31;
	s1 =	sadd.s32 s1, s30  }
0xbc: {  	s0 =	sor.u32 s3, s0;
	s1 =	sshll.u32 s1, $0x11  }
0xbd: {  	s0 =	sor.u32 s1, s0  }
0xbe: {  	s0 =	sadd.s32 $0x8F2B, s0  }
0xbf: {  	[sflag:s0] =	ssyncadd.remote.s32 $0x1  }
0xc0: {  	_ =	sfence.sel $0xFFFF  }
0xc1: {  	[dreg:$0x0] =	wrdreg $0xFFFFFFFF;
	(pc) =	sbr.abs _section_cstart, $3  }
0xc2: {  	[dreg:$0x1] =	wrdreg $0xFFFFFFFF  }
0xc3: {  	_ =	task.clear_ibuf [dreg:s7], $0x2FFFF;
	_ =	strace $0x9FFFFFFF  }
0xc4: {  	(tm) =	ssettm $0x7FFFFFFF  }
0xc5: {  	_ =	shalt  }
tec
execute0_lowered:
.L_overlay_start_1:
0x0: {  	(tag) =	ssettag $0x1  }
0x1: {  	s0 =	rddreg [dreg:$0x0]  }
0x2: {  	s3 =	rddreg [dreg:$0x1]  }
0x3: {  	s1 =	rddreg [dreg:$0x2]  }
0x4: {  	s2 =	rddreg [dreg:$0x3];
	s4 =	simm.s32 $0x0;
	s16 =	stileid.u32  }
0x5: {  	s8 =	srdreg.scid;
	s29 =	simm.s32 $0x9;
	s30 =	simm.s32 $0x1D600  }
0x6: {  	[smem:$0x7FF] =	sst s4;
	s5 =	sadd.s32 $0x9000, s0;
	s6 =	sadd.s32 $0x1000, s0  }
0x7: {  	s7 =	smul.u32 $0x280, s16;
	s9 =	sadd.s32 $0x59200, s0;
	s24 =	sadd.s32 $0x59000, s0  }
0x8: {  	s8 =	sand.u32 $0x1, s8;
	s11 =	smul.u32 $0x50000, s16;
	s12 =	sadd.s32 $0x59A00, s0  }
0x9: {  	s15 =	smul.u32 $0x14000, s16;
	_ =	strace $0x80000047;
	[dreg:$0x5] =	wrdreg s9  }
0xa: {  	s31 =	sshll.u32 s16, $0xB;
	s21 =	smul.u32 $0x2800, s16;
	[dreg:$0x6] =	wrdreg s24  }
0xb: {  	s10 =	ssub.s32 $0x2, s8;
	s9 =	sshll.u32 s16, $0xE;
	s3 =	sadd.s32 s3, s31  }
0xc: {  	p0 =	sne.s32 s8, $0x0;
	s8 =	simm.s32 $0x3;
	s16 =	simm.s32 $0x8  }
0xd: {  	s25 =	sshrl.u32 s7, $0x3;
	s26 =	sshrl.u32 s10, $0x1;
	s28 =	sshrl.u32 s11, $0x2  }
0xe: {  	[dreg:$0x7] =	wrdreg s3;
	s20 =	sshrl.u32 s15, $0x3;
	s11 =	simm.s32 $0x2  }
0xf: {  	s15 =	simm.s32 $0x6;
	s13 =	sadd.s32 s25, s0;
	s14 =	ssub.s32 s10, s26  }
0x10: {  	s10 =	sadd.s32 s28, s1;
	s3 =	sadd.s32 s12, s20;
	s12 =	sadd.s32 s12, s21  }
0x11: {  	s20 =	sadd.s32 s7, s2;
	s17 =	sadd.s32 $0x2800, s10;
	[dreg:$0xd] =	wrdreg s12  }
0x12: {  	s21 =	sadd.s32 $0x31000, s0;
	s18 =	sadd.s32 $0x5000, s10;
	[dreg:$0x8] =	wrdreg s17  }
0x13: {  	s0 =	simm.s32 $0x18380;
	s19 =	sadd.s32 $0x7800, s10;
	[dreg:$0x9] =	wrdreg s18  }
0x14: {  	s7 =	simm.s32 $0x1;
	s22 =	sadd.s32 $0xA000, s10;
	[dreg:$0xa] =	wrdreg s19  }
0x15: {  	s23 =	sadd.s32 $0xC800, s10;
	s24 =	sadd.s32 $0xF000, s10;
	[dreg:$0xb] =	wrdreg s22  }
0x16: {  	s25 =	sadd.s32 $0x11800, s10;
	s26 =	sadd.s32 $0x28000, s3;
	[dreg:$0xc] =	wrdreg s23  }
0x17: {  	s28 =	sadd.s32 $0x59400, s13;
	s3 =	simm.s32 $0x18300;
	[dreg:$0xe] =	wrdreg s24  }
.Ltmp0:
0x18: {  	s12 =	simm.s32 $0x4;
	[dreg:$0xf] =	wrdreg s25;
	(pc) =	sbr.rel .LBB2_1-.Ltmp0, $4  }
0x19: {  	s13 =	simm.s32 $0x5;
	s22 =	sadd.s32 s6, s31;
	[dreg:$0x10] =	wrdreg s26  }
0x1a: {  	[dreg:$0x11] =	wrdreg s28;
	s31 =	smax.u32 s14, $0x1;
	s17 =	simm.s32 $0x50  }
0x1b: {  	s23 =	simm.s32 $0x18280;
	s24 =	simm.s32 $0x1AB80;
	s14 =	simm.s32 $0x7  }
0x1c: {  	v0 =	vimm.f32 $0.0e+00;
	s18 =	simm.s32 $0x0;
	[dreg:$0x12] =	wrdreg s31;
	s26 =	sadd.s32 $0x10, s22  }
.LBB2_11:
0x1d: {  	_ =	swait.ge [sflag:s7], $0x2800  }
0x1e: {  	[sflag:s7] =	ssyncset.done $0x0  }
0x1f: {  	[sflag:s7] =	ssyncadd.s32 $0xFFFFD800  }
0x20: {  	_ =	swait.ge [sflag:s8], $0x80  }
0x21: {  	[sflag:s8] =	ssyncset.done $0x0  }
0x22: {  	[sflag:s8] =	ssyncadd.s32 $0xFFFFFF80  }
0x23: {  	[spmem:s1] =	stream.indirect.scatter.add.f32 [tilespmem:s0], [sflag:$0x5], $0x80, s23, s17, $0xb8;
	[tilespmem:$0x1D680] =	vst v63  }
0x24: {  	_ =	swait.ge [sflag:s13], $0x2800  }
0x25: {  	[sflag:s13] =	ssyncset.done $0x0  }
0x26: {  	s19 =	stileid.u32;
	[sflag:s13] =	ssyncadd.s32 $0xFFFFD800  }
0x27: {  	s19 =	sshll.u32 s19, $0x6;
	[bflag:$0x0] =	sbarrier.arrive $0xFFFF  }
0x28: {  	s25 =	sshrl.u32 s10, $0x3;
	s19 =	sor.u32 $0x1C09, s19;
	s28 =	rddreg [dreg:$0x10]  }
0x29: {  	[hbm:s28], [sflag:s19] =	dma.local [spmem:s25], $0x2800  }
0x2a: {  	_ =	swait.ge [sflag:s29], $0x2800  }
0x2b: {  	[sflag:s29] =	ssyncset.done $0x0  }
0x2c: {  	[sflag:s29] =	ssyncadd.s32 $0xFFFFD800  }
.LBB2_12:
0x2d: {  	s18 =	sadd.s32 $0x1, s18;
	s19 =	rddreg [dreg:$0x12]  }
0x2e: {  	p1 =	sne.s32 s18, s19  }
.Ltmp1:
0x2f: {  	_ = 	snop;
	(pc) =	sbr.rel @!p1 .LBB2_13-.Ltmp1, $1  }
0x30: {  	_ =	sdelay $0x3  }
.LBB2_1:
0x31: {  	s19 =	rddreg [dreg:$0x5];
	s25 =	simm.s32 $0x1D380  }
0x32: {  	[tilespmem:s25], [sflag:$0x9] =	stream.linear.gather [hbm4b:s19+s4], $0x280, $0x38;
	[tilespmem:$0x1D680] =	vst v63  }
0x33: {  	_ =	swait.ge [sflag:s29], $0x280  }
0x34: {  	[sflag:s29] =	ssyncset.done $0x0  }
0x35: {  	s31 =	rddreg [dreg:$0x6];
	[sflag:s29] =	ssyncadd.s32 $0xFFFFFD80  }
0x36: {  	[tilespmem:s30], [sflag:$0x9] =	stream.linear.gather [hbm4b:s31+s4], $0x80, $0x38;
	[tilespmem:$0x1D680] =	vst v63  }
0x37: {  	_ =	swait.ge [sflag:s29], $0x80  }
0x38: {  	[sflag:s29] =	ssyncset.done $0x0  }
0x39: {  	s31 =	simm.s32 $0x14280;
	s25 =	rddreg [dreg:$0x7];
	[sflag:s29] =	ssyncadd.s32 $0xFFFFFF80  }
0x3a: {  	[tilespmem:s31], [sflag:$0x9] =	stream.linear.gather [hbm4b:s25+s4], $0x3E80, $0x38;
	[tilespmem:$0x1D680] =	vst v63  }
0x3b: {  	s19 =	simm.s32 $0x40;
	s25 =	sand.u32 $0xFE00, s4;
	_ =	swait.ge [sflag:s29], $0x3E80  }
0x3c: {  	s31 =	sand.u32 $0x70, s4;
	s28 =	sshrl.u32 s25, $0x2;
	[sflag:s29] =	ssyncset.done $0x0  }
0x3d: {  	s25 =	sor.u32 s31, s28;
	s28 =	simm.s32 $0x0;
	[sflag:s29] =	ssyncadd.s32 $0xFFFFC180  }
.LBB2_2:
0x3e: {  	p1 =	sne.s32 s19, $0x9FC0  }
0x3f: {  	[tilespmem:s25+$0x18380] =	vst v0;
	s28 =	sadd.s32 $0x10, s28;
	s25 =	smov.u32 s19;
	s19 =	sadd.s32 $0x40, s19  }
.Ltmp2:
0x40: {  	(pc) =	sbr.rel @p1 .LBB2_2-.Ltmp2, $4  }
0x41: {  	_ = 	snop  }
0x42: {  	s25 =	sand.u32 $0xFE00, s25  }
0x43: {  	s31 =	sand.u32 $0x70, s28;
	s25 =	sshrl.u32 s25, $0x2  }
0x44: {  	s25 =	sor.u32 s31, s25  }
0x45: {  	[tilespmem:s25+$0x18380] =	vst v0  }
0x46: {  	[spmem:s10] =	stream.linear.scatter [tilespmem:s0], [sflag:$0x9], $0x2800, $0x38;
	[tilespmem:$0x1D680] =	vst v63  }
0x47: {  	_ =	swait.ge [sflag:s29], $0x2800  }
0x48: {  	[sflag:s29] =	ssyncset.done $0x0  }
0x49: {  	s19 =	rddreg [dreg:$0x8];
	[sflag:s29] =	ssyncadd.s32 $0xFFFFD800  }
0x4a: {  	[spmem:s19] =	stream.linear.scatter [tilespmem:s0], [sflag:$0x9], $0x2800, $0x38;
	[tilespmem:$0x1D680] =	vst v63  }
0x4b: {  	_ =	swait.ge [sflag:s29], $0x2800  }
0x4c: {  	[sflag:s29] =	ssyncset.done $0x0  }
0x4d: {  	s31 =	rddreg [dreg:$0x9];
	[sflag:s29] =	ssyncadd.s32 $0xFFFFD800  }
0x4e: {  	[spmem:s31] =	stream.linear.scatter [tilespmem:s0], [sflag:$0x9], $0x2800, $0x38;
	[tilespmem:$0x1D680] =	vst v63  }
0x4f: {  	_ =	swait.ge [sflag:s29], $0x2800  }
0x50: {  	[sflag:s29] =	ssyncset.done $0x0  }
0x51: {  	s25 =	rddreg [dreg:$0xa];
	[sflag:s29] =	ssyncadd.s32 $0xFFFFD800  }
0x52: {  	[spmem:s25] =	stream.linear.scatter [tilespmem:s0], [sflag:$0x9], $0x2800, $0x38;
	[tilespmem:$0x1D680] =	vst v63  }
0x53: {  	_ =	swait.ge [sflag:s29], $0x2800  }
0x54: {  	[sflag:s29] =	ssyncset.done $0x0  }
0x55: {  	s28 =	rddreg [dreg:$0xb];
	[sflag:s29] =	ssyncadd.s32 $0xFFFFD800  }
0x56: {  	[spmem:s28] =	stream.linear.scatter [tilespmem:s0], [sflag:$0x9], $0x2800, $0x38;
	[tilespmem:$0x1D680] =	vst v63  }
0x57: {  	_ =	swait.ge [sflag:s29], $0x2800  }
0x58: {  	[sflag:s29] =	ssyncset.done $0x0  }
0x59: {  	s31 =	rddreg [dreg:$0xc];
	[sflag:s29] =	ssyncadd.s32 $0xFFFFD800  }
0x5a: {  	[spmem:s31] =	stream.linear.scatter [tilespmem:s0], [sflag:$0x9], $0x2800, $0x38;
	[tilespmem:$0x1D680] =	vst v63  }
0x5b: {  	_ =	swait.ge [sflag:s29], $0x2800  }
0x5c: {  	[sflag:s29] =	ssyncset.done $0x0  }
0x5d: {  	s25 =	rddreg [dreg:$0xe];
	[sflag:s29] =	ssyncadd.s32 $0xFFFFD800  }
0x5e: {  	[spmem:s25] =	stream.linear.scatter [tilespmem:s0], [sflag:$0x9], $0x2800, $0x38;
	[tilespmem:$0x1D680] =	vst v63  }
0x5f: {  	_ =	swait.ge [sflag:s29], $0x2800  }
0x60: {  	[sflag:s29] =	ssyncset.done $0x0  }
0x61: {  	s28 =	rddreg [dreg:$0xf];
	[sflag:s29] =	ssyncadd.s32 $0xFFFFD800  }
0x62: {  	[spmem:s28] =	stream.linear.scatter [tilespmem:s0], [sflag:$0x9], $0x2800, $0x38;
	[tilespmem:$0x1D680] =	vst v63  }
0x63: {  	_ =	swait.ge [sflag:s29], $0x2800  }
0x64: {  	[sflag:s29] =	ssyncset.done $0x0  }
0x65: {  	s31 =	simm.s32 $0x1D380;
	[sflag:s29] =	ssyncadd.s32 $0xFFFFD800  }
0x66: {  	[spmem:s20] =	stream.linear.scatter [tilespmem:s31], [sflag:$0x9], $0x280, $0x38;
	[tilespmem:$0x1D680] =	vst v63  }
.Ltmp3:
0x67: {  	_ =	swait.ge [sflag:s29], $0x280;
	(pc) =	sbr.rel @p0 .LBB2_8-.Ltmp3, $4  }
0x68: {  	[sflag:s29] =	ssyncset.done $0x0  }
0x69: {  	[sflag:s29] =	ssyncadd.s32 $0xFFFFFD80  }
0x6a: {  	[bflag:$0x0] =	sbarrier.arrive $0xFFFF  }
0x6b: {  	s19 =	simm.s32 $0x14280  }
0x6c: {  	[tilespmem:s0], [sflag:$0x1] =	stream.indirect.gather [hbm4b:s5+s17], $0x80, s19, s17, $0xb8;
	[tilespmem:$0x1D680] =	vst v63  }
0x6d: {  	_ = 	snop  }
0x6e: {  	[tilespmem:s23], [sflag:$0x3] =	stream.linear.gather [hbm4b:s22+s4], $0x80, $0x38;
	[tilespmem:$0x1D680] =	vst v63  }
0x6f: {  	s31 =	simm.s32 $0x14300  }
0x70: {  	[tilespmem:s24], [sflag:$0x2] =	stream.indirect.gather [hbm4b:s5+s17], $0x80, s31, s17, $0xb8;
	[tilespmem:$0x1D680] =	vst v63  }
0x71: {  	s19 =	simm.s32 $0x180;
	s28 =	simm.s32 $0x14380  }
0x72: {  	[tilespmem:s3], [sflag:$0x4] =	stream.linear.gather [hbm4b:s26+s4], $0x80, $0x38;
	[tilespmem:$0x1D680] =	vst v63  }
.LBB2_5:
0x73: {  	_ =	swait.ge [sflag:s7], $0x2800  }
0x74: {  	[sflag:s7] =	ssyncset.done $0x0  }
0x75: {  	[sflag:s7] =	ssyncadd.s32 $0xFFFFD800  }
0x76: {  	_ =	swait.ge [sflag:s8], $0x80  }
0x77: {  	[sflag:s8] =	ssyncset.done $0x0  }
0x78: {  	[sflag:s8] =	ssyncadd.s32 $0xFFFFFF80  }
0x79: {  	[spmem:s1] =	stream.indirect.scatter.add.f32 [tilespmem:s0], [sflag:$0x5], $0x80, s23, s17, $0xb8;
	[tilespmem:$0x1D680] =	vst v63  }
0x7a: {  	_ = 	snop  }
0x7b: {  	[spmem:s2] =	stream.indirect.scatter.add.f32 [tilespmem:s30], [sflag:$0x7], $0x1, s23, s17, $0xb8;
	[tilespmem:$0x1D680] =	vst v63  }
0x7c: {  	_ =	swait.ge [sflag:s11], $0x2800  }
0x7d: {  	[sflag:s11] =	ssyncset.done $0x0  }
0x7e: {  	[sflag:s11] =	ssyncadd.s32 $0xFFFFD800  }
0x7f: {  	_ =	swait.ge [sflag:s12], $0x80  }
0x80: {  	[sflag:s12] =	ssyncset.done $0x0  }
0x81: {  	[sflag:s12] =	ssyncadd.s32 $0xFFFFFF80  }
0x82: {  	[spmem:s1] =	stream.indirect.scatter.add.f32 [tilespmem:s24], [sflag:$0x6], $0x80, s3, s17, $0xb8;
	[tilespmem:$0x1D680] =	vst v63  }
0x83: {  	_ = 	snop  }
0x84: {  	[spmem:s2] =	stream.indirect.scatter.add.f32 [tilespmem:s30], [sflag:$0x8], $0x1, s3, s17, $0xb8;
	[tilespmem:$0x1D680] =	vst v63  }
0x85: {  	_ =	swait.ge [sflag:s13], $0x2800  }
0x86: {  	s25 =	sadd.s32 $0xFFFFFF80, s19;
	[sflag:s13] =	ssyncset.done $0x0  }
0x87: {  	s31 =	sand.u32 $0x7C00, s25;
	[sflag:s13] =	ssyncadd.s32 $0xFFFFD800  }
0x88: {  	s25 =	sand.u32 $0x300, s25;
	s31 =	sadd.s32 s9, s31;
	_ =	swait.ge [sflag:s14], $0x50  }
0x89: {  	s25 =	sor.u32 s25, s31;
	[sflag:s14] =	ssyncset.done $0x0  }
0x8a: {  	s25 =	sshrl.u32 s25, $0x3;
	[sflag:s14] =	ssyncadd.s32 $0xFFFFFFB0  }
0x8b: {  	[tilespmem:s0], [sflag:$0x1] =	stream.indirect.gather [hbm4b:s5+s17], $0x80, s28, s17, $0xb8;
	[tilespmem:$0x1D680] =	vst v63  }
0x8c: {  	s25 =	sadd.s32 s6, s25  }
0x8d: {  	[tilespmem:s23], [sflag:$0x3] =	stream.linear.gather [hbm4b:s25+s4], $0x80, $0x38;
	[tilespmem:$0x1D680] =	vst v63  }
0x8e: {  	p1 =	seq.s32 s19, $0x3E80;
	_ =	swait.ge [sflag:s15], $0x2800  }
.Ltmp4:
0x8f: {  	[sflag:s15] =	ssyncset.done $0x0;
	(pc) =	sbr.rel @p1 .LBB2_7-.Ltmp4, $4  }
0x90: {  	[sflag:s15] =	ssyncadd.s32 $0xFFFFD800  }
0x91: {  	_ =	swait.ge [sflag:s16], $0x50  }
0x92: {  	[sflag:s16] =	ssyncset.done $0x0  }
0x93: {  	[sflag:s16] =	ssyncadd.s32 $0xFFFFFFB0  }
0x94: {  	s25 =	sadd.s32 $0x80, s28;
	s31 =	sand.u32 $0x7C00, s19  }
0x95: {  	[tilespmem:s24], [sflag:$0x2] =	stream.indirect.gather [hbm4b:s5+s17], $0x80, s25, s17, $0xb8;
	[tilespmem:$0x1D680] =	vst v63  }
.Ltmp5:
0x96: {  	s25 =	sadd.s32 s9, s31;
	s31 =	sand.u32 $0x380, s19;
	(pc) =	sbr.rel .LBB2_5-.Ltmp5, $4  }
0x97: {  	s25 =	sor.u32 s31, s25  }
0x98: {  	s25 =	sshrl.u32 s25, $0x3  }
0x99: {  	s28 =	sadd.s32 $0x100, s28;
	s19 =	sadd.s32 $0x100, s19;
	s25 =	sadd.s32 s6, s25  }
0x9a: {  	[tilespmem:s3], [sflag:$0x4] =	stream.linear.gather [hbm4b:s25+s4], $0x80, $0x38;
	[tilespmem:$0x1D680] =	vst v63  }
.LBB2_8:
0x9b: {  	[tilespmem:s0], [sflag:$0x1] =	stream.indirect.gather [hbm4b:s21+s17], $0x80, s19, s17, $0xb8;
	[tilespmem:$0x1D680] =	vst v63  }
0x9c: {  	_ = 	snop  }
0x9d: {  	[tilespmem:s23], [sflag:$0x3] =	stream.linear.gather [hbm4b:s22+s4], $0x80, $0x38;
	[tilespmem:$0x1D680] =	vst v63  }
0x9e: {  	s31 =	simm.s32 $0x14300  }
0x9f: {  	[tilespmem:s24], [sflag:$0x2] =	stream.indirect.gather [hbm4b:s21+s17], $0x80, s31, s17, $0xb8;
	[tilespmem:$0x1D680] =	vst v63  }
0xa0: {  	s19 =	simm.s32 $0x180;
	s28 =	simm.s32 $0x14380  }
0xa1: {  	[tilespmem:s3], [sflag:$0x4] =	stream.linear.gather [hbm4b:s26+s4], $0x80, $0x38;
	[tilespmem:$0x1D680] =	vst v63  }
.LBB2_9:
0xa2: {  	_ =	swait.ge [sflag:s7], $0x2800  }
0xa3: {  	[sflag:s7] =	ssyncset.done $0x0  }
0xa4: {  	[sflag:s7] =	ssyncadd.s32 $0xFFFFD800  }
0xa5: {  	_ =	swait.ge [sflag:s8], $0x80  }
0xa6: {  	[sflag:s8] =	ssyncset.done $0x0  }
0xa7: {  	[sflag:s8] =	ssyncadd.s32 $0xFFFFFF80  }
0xa8: {  	[spmem:s1] =	stream.indirect.scatter.add.f32 [tilespmem:s0], [sflag:$0x5], $0x80, s23, s17, $0xb8;
	[tilespmem:$0x1D680] =	vst v63  }
0xa9: {  	_ =	swait.ge [sflag:s11], $0x2800  }
0xaa: {  	[sflag:s11] =	ssyncset.done $0x0  }
0xab: {  	[sflag:s11] =	ssyncadd.s32 $0xFFFFD800  }
0xac: {  	_ =	swait.ge [sflag:s12], $0x80  }
0xad: {  	s25 =	sadd.s32 $0xFFFFFF80, s19;
	[sflag:s12] =	ssyncset.done $0x0  }
0xae: {  	s31 =	sand.u32 $0x7C00, s25;
	[sflag:s12] =	ssyncadd.s32 $0xFFFFFF80  }
0xaf: {  	[spmem:s1] =	stream.indirect.scatter.add.f32 [tilespmem:s24], [sflag:$0x6], $0x80, s3, s17, $0xb8;
	[tilespmem:$0x1D680] =	vst v63  }
0xb0: {  	s25 =	sand.u32 $0x300, s25;
	s31 =	sadd.s32 s9, s31;
	_ =	swait.ge [sflag:s13], $0x2800  }
0xb1: {  	s25 =	sor.u32 s25, s31;
	[sflag:s13] =	ssyncset.done $0x0  }
0xb2: {  	p1 =	seq.s32 s19, $0x3E80;
	s25 =	sshrl.u32 s25, $0x3;
	[sflag:s13] =	ssyncadd.s32 $0xFFFFD800  }
0xb3: {  	[tilespmem:s0], [sflag:$0x1] =	stream.indirect.gather [hbm4b:s21+s17], $0x80, s28, s17, $0xb8;
	[tilespmem:$0x1D680] =	vst v63  }
.Ltmp6:
0xb4: {  	s25 =	sadd.s32 s6, s25;
	(pc) =	sbr.rel @p1 .LBB2_11-.Ltmp6, $4  }
0xb5: {  	[tilespmem:s23], [sflag:$0x3] =	stream.linear.gather [hbm4b:s25+s4], $0x80, $0x38;
	[tilespmem:$0x1D680] =	vst v63  }
0xb6: {  	_ =	swait.ge [sflag:s15], $0x2800  }
0xb7: {  	[sflag:s15] =	ssyncset.done $0x0  }
0xb8: {  	[sflag:s15] =	ssyncadd.s32 $0xFFFFD800  }
0xb9: {  	s25 =	sadd.s32 $0x80, s28;
	s31 =	sand.u32 $0x7C00, s19  }
0xba: {  	[tilespmem:s24], [sflag:$0x2] =	stream.indirect.gather [hbm4b:s21+s17], $0x80, s25, s17, $0xb8;
	[tilespmem:$0x1D680] =	vst v63  }
.Ltmp7:
0xbb: {  	s25 =	sadd.s32 s9, s31;
	s31 =	sand.u32 $0x380, s19;
	(pc) =	sbr.rel .LBB2_9-.Ltmp7, $4  }
0xbc: {  	s25 =	sor.u32 s31, s25  }
0xbd: {  	s25 =	sshrl.u32 s25, $0x3  }
0xbe: {  	s28 =	sadd.s32 $0x100, s28;
	s19 =	sadd.s32 $0x100, s19;
	s25 =	sadd.s32 s6, s25  }
0xbf: {  	[tilespmem:s3], [sflag:$0x4] =	stream.linear.gather [hbm4b:s25+s4], $0x80, $0x38;
	[tilespmem:$0x1D680] =	vst v63  }
.LBB2_7:
0xc0: {  	_ =	swait.ge [sflag:s7], $0x2800  }
0xc1: {  	[sflag:s7] =	ssyncset.done $0x0  }
0xc2: {  	[sflag:s7] =	ssyncadd.s32 $0xFFFFD800  }
0xc3: {  	_ =	swait.ge [sflag:s8], $0x80  }
0xc4: {  	[sflag:s8] =	ssyncset.done $0x0  }
0xc5: {  	[sflag:s8] =	ssyncadd.s32 $0xFFFFFF80  }
0xc6: {  	[spmem:s1] =	stream.indirect.scatter.add.f32 [tilespmem:s0], [sflag:$0x5], $0x80, s23, s17, $0xb8;
	[tilespmem:$0x1D680] =	vst v63  }
0xc7: {  	_ = 	snop  }
0xc8: {  	[spmem:s2] =	stream.indirect.scatter.add.f32 [tilespmem:s30], [sflag:$0x7], $0x1, s23, s17, $0xb8;
	[tilespmem:$0x1D680] =	vst v63  }
0xc9: {  	_ =	swait.ge [sflag:s13], $0x2800  }
0xca: {  	[sflag:s13] =	ssyncset.done $0x0  }
0xcb: {  	[sflag:s13] =	ssyncadd.s32 $0xFFFFD800  }
0xcc: {  	_ =	swait.ge [sflag:s14], $0x50  }
0xcd: {  	[sflag:s14] =	ssyncset.done $0x0  }
0xce: {  	s19 =	stileid.u32;
	[sflag:s14] =	ssyncadd.s32 $0xFFFFFFB0  }
0xcf: {  	s19 =	sshll.u32 s19, $0x6;
	[bflag:$0x0] =	sbarrier.arrive $0xFFFF  }
0xd0: {  	s25 =	sshrl.u32 s10, $0x3;
	s19 =	sor.u32 $0x1C09, s19;
	s28 =	rddreg [dreg:$0xd]  }
0xd1: {  	[hbm:s28], [sflag:s19] =	dma.local [spmem:s25], $0x2800  }
0xd2: {  	_ =	swait.ge [sflag:s29], $0x2800  }
0xd3: {  	s25 =	sshrl.u32 s20, $0x3;
	[sflag:s29] =	ssyncset.done $0x0  }
.Ltmp8:
0xd4: {  	s31 =	rddreg [dreg:$0x11];
	[sflag:s29] =	ssyncadd.s32 $0xFFFFD800;
	(pc) =	sbr.rel .LBB2_12-.Ltmp8, $4  }
0xd5: {  	[hbm:s31], [sflag:s19] =	dma.local [spmem:s25], $0x50  }
0xd6: {  	_ =	swait.ge [sflag:s29], $0x50  }
0xd7: {  	[sflag:s29] =	ssyncset.done $0x0  }
0xd8: {  	[sflag:s29] =	ssyncadd.s32 $0xFFFFFFB0  }
.LBB2_13:
0xd9: {  	_ =	sfence.sel $0x180000  }
0xda: {  	[bflag:$0x0] =	sbarrier.arrive $0xFFFF  }
0xdb: {  	_ =	strace $0x90000047  }
0xdc: {  	s0 =	stileid.u32;
	[bflag:$0x2] =	sbarrier.arrive $0xFFFF  }
0xdd: {  	p0 =	sne.s32 s0, $0x0;
	s0 =	rddreg [dreg:$0x4]  }
0xde: {  	s0 =	sadd.s32 @!p0 $0x100000, s0  }
0xdf: {  	[sflag:s0] =	ssyncadd.tile.s32 @!p0 $0x1;
	_ =	shalt  }
.Lfunc_end2:
_tile_overlayer_lowered:
.L_overlay_start_2:
0xe0: {  	(tag) =	ssettag $0x2  }
0xe1: {  	s0 =	rddreg [dreg:$0x0];
	s2 =	stileid.u32  }
0xe2: {  	s1 =	rddreg [dreg:$0x1];
	p0 =	sne.s32 s2, $0x0  }
0xe3: {  	s3 =	rddreg [dreg:$0x2];
	[bflag:$0x3] =	sbarrier.arrive $0xFFFF;
	s2 =	simm.s32 @!p0 $0x1C09  }
0xe4: {  	[timem:s3], [sflag:s2] =	dma.local @!p0 [hbm:s0], s1  }
0xe5: {  	s0 =	simm.s32 @!p0 $0x9  }
0xe6: {  	_ =	swait.ge @!p0 [sflag:s0], s1  }
0xe7: {  	s1 =	ssub.s32 @!p0 $0x0, s1;
	[sflag:s0] =	ssyncset.done @!p0 $0x0  }
0xe8: {  	[sflag:s0] =	ssyncadd.s32 @!p0 s1  }
0xe9: {  	[bflag:$0x3] =	sbarrier.arrive $0xFFFF  }
0xea: {  	_ =	shalt  }

// kernel: _run.9.cloned.1.call-start
scs
__scs_entry_jumppad:
0x0: {  	(pc) =	sbr.rel $0x88, $3  }
0x1: {  	(tag) =	ssettag $0x0;
	lr =	simm.s32 $0x1  }
0x2: {  	[smem:$0x3F9B] =	sst lr;
	_ =	strace $0xD0000000  }
0x3: {  	_ = 	snop  }
0x4: {  	_ = 	snop  }
0x5: {  	_ = 	snop  }
0x6: {  	_ = 	snop  }
0x7: {  	_ = 	snop  }
__scs_overlays_trampoline_lowered:
0x8: {  	[smem:$0x3FAA] =	sst s0  }
0x9: {  	[smem:$0x3FAB] =	sst s1  }
0xa: {  	[smem:$0x3FAC] =	sst s2  }
0xb: {  	[smem:$0x3FAD] =	sst s3  }
0xc: {  	[smem:$0x3FAE] =	sst s4  }
0xd: {  	[smem:$0x3FAF] =	sst s5  }
0xe: {  	[smem:$0x3FB0] =	sst s6  }
0xf: {  	[smem:$0x3FB1] =	sst s7  }
0x10: {  	[smem:$0x3FB2] =	sst s8  }
0x11: {  	[smem:$0x3FB3] =	sst s9;
	s0 =	simm.s32 @!p0 $0x0  }
0x12: {  	s1 =	sld [smem:$0x3F99];
	s0 =	simm.s32 @p0 $0x1  }
0x13: {  	[smem:$0x3FB4] =	sst s0;
	s0 =	simm.s32 @!p1 $0x0  }
0x14: {  	s2 =	sld [smem:$0x3F98];
	s0 =	simm.s32 @p1 $0x1  }
0x15: {  	[smem:$0x3FB5] =	sst s0;
	s0 =	simm.s32 @!p2 $0x0  }
0x16: {  	s3 =	sld [smem:$0x3FDB];
	s0 =	simm.s32 @p2 $0x1  }
0x17: {  	s4 =	simm.s32 $0x1BF5;
	[smem:$0x3FB7] =	sst s0  }
0x18: {  	s0 =	sld [smem:$0x3F9A];
	_ =	swait.ge [sflag:s4], $0x0  }
0x19: {  	s7 =	sld [smem:$0x3F9B]  }
0x1a: {  	s8 =	sadd.s32 $0xFFFFE003, lr  }
0x1b: {  	s9 =	sadd.s32 $0xFFFFFEF7, lr;
	s5 =	simm.s32 $0xFFFFFFFF;
	p2 =	slt.u32 s8, $0xFFFFF086  }
0x1c: {  	p1 =	slt.u32 s9, $0xF7A;
	s5 =	simm.s32 @!p2 $0x0  }
0x1d: {  	s5 =	simm.s32 @p1 $0x1;
	p0 =	seq.s32 s7, s2  }
0x1e: {  	s7 =	smul.u32 @!p0 $0xF7A, s2;
	p2 =	seq.s32 @!p0 s5, $0x0  }
0x1f: {  	s9 =	smul.u32 $0xF7A, s1;
	s8 =	simm.s32 @!p0 $0x1BF5;
	p2 =	por !p2, p0  }
0x20: {  	[sflag:s8] =	ssyncset.s32 @!p0 $0xFFFFF086;
	s6 =	sadd.s32 @!p0 s3, s7;
	s7 =	simm.s32 @!p0 $0x108  }
0x21: {  	s3 =	sadd.s32 s3, s9;
	s6 =	sadd.s32 @!p0 $0x88, s6;
	s7 =	simm.s32 @p2 $0x1082  }
0x22: {  	[simem:s7], [sflag:s8] =	dma.local @!p0 [hbm:s6], $0xF7A  }
0x23: {  	s9 =	sor.u32 $0xD0000000, s2;
	s6 =	simm.s32 $0x108;
	_ =	swait.ge @!p0 [sflag:s8], $0x0  }
0x24: {  	s3 =	sadd.s32 $0x88, s3;
	s6 =	simm.s32 @!p1 $0x1082;
	[sflag:s4] =	ssyncset.s32 $0xFFFFF086  }
0x25: {  	[simem:s6], [sflag:s4] =	dma.local [hbm:s3], $0xF7A  }
0x26: {  	[smem:$0x3F9B] =	sst s1;
	(tag) =	ssettag s2;
	_ =	strace s9  }
0x27: {  	s1 =	sld [smem:$0x3FAB]  }
0x28: {  	s2 =	sld [smem:$0x3FAC]  }
0x29: {  	s4 =	sld [smem:$0x3FAE]  }
0x2a: {  	p0 =	seq.s32 s5, $0x0;
	s5 =	sld [smem:$0x3FAF]  }
0x2b: {  	s6 =	sld [smem:$0x3FB0]  }
0x2c: {  	s7 =	sld [smem:$0x3FB1]  }
0x2d: {  	s3 =	simm.s32 $0x108;
	s8 =	sld [smem:$0x3FB2]  }
0x2e: {  	s3 =	simm.s32 @!p0 $0x1082;
	s9 =	sld [smem:$0x3FB3]  }
0x2f: {  	lr =	sadd.s32 s0, s3;
	s0 =	sld [smem:$0x3FAA]  }
0x30: {  	s3 =	sld [smem:$0x3FAD]  }
0x31: {  	[smem:$0x3FB6] =	sst s10  }
0x32: {  	s10 =	sld [smem:$0x3FB4];
	_ =	sdelay $0x3  }
0x33: {  	p0 =	seq.s32 s10, $0x1;
	s10 =	sld [smem:$0x3FB6];
	_ =	sdelay $0x3  }
0x34: {  	[smem:$0x3FB6] =	sst s10  }
0x35: {  	s10 =	sld [smem:$0x3FB5];
	_ =	sdelay $0x3  }
0x36: {  	p1 =	seq.s32 s10, $0x1;
	s10 =	sld [smem:$0x3FB6];
	_ =	sdelay $0x3  }
0x37: {  	[smem:$0x3FB6] =	sst s10  }
0x38: {  	s10 =	sld [smem:$0x3FB7]  }
0x39: {  	_ = 	snop;
	(pc) =	sbr.ind lr, $3  }
0x3a: {  	_ = 	snop  }
0x3b: {  	_ = 	snop  }
0x3c: {  	p2 =	seq.s32 s10, $0x1;
	s10 =	sld [smem:$0x3FB6]  }
0x3d: {  	_ =	shalt  }
0x3e: {  	_ =	shalt  }
0x3f: {  	_ =	shalt  }
0x40: {  	_ =	shalt  }
0x41: {  	_ =	shalt  }
0x42: {  	_ =	shalt  }
0x43: {  	_ =	shalt  }
0x44: {  	_ =	shalt  }
0x45: {  	_ =	shalt  }
0x46: {  	_ =	shalt  }
0x47: {  	_ =	shalt  }
0x48: {  	_ =	shalt  }
0x49: {  	_ =	shalt  }
0x4a: {  	_ =	shalt  }
0x4b: {  	_ =	shalt  }
0x4c: {  	_ =	shalt  }
0x4d: {  	_ =	shalt  }
0x4e: {  	_ =	shalt  }
0x4f: {  	_ =	shalt  }
0x50: {  	_ =	shalt  }
0x51: {  	_ =	shalt  }
0x52: {  	_ =	shalt  }
0x53: {  	_ =	shalt  }
0x54: {  	_ =	shalt  }
0x55: {  	_ =	shalt  }
0x56: {  	_ =	shalt  }
0x57: {  	_ =	shalt  }
0x58: {  	_ =	shalt  }
0x59: {  	_ =	shalt  }
0x5a: {  	_ =	shalt  }
0x5b: {  	_ =	shalt  }
0x5c: {  	_ =	shalt  }
0x5d: {  	_ =	shalt  }
0x5e: {  	_ =	shalt  }
0x5f: {  	_ =	shalt  }
0x60: {  	_ =	shalt  }
0x61: {  	_ =	shalt  }
0x62: {  	_ =	shalt  }
0x63: {  	_ =	shalt  }
0x64: {  	_ =	shalt  }
0x65: {  	_ =	shalt  }
0x66: {  	_ =	shalt  }
0x67: {  	_ =	shalt  }
0x68: {  	_ =	shalt  }
0x69: {  	_ =	shalt  }
0x6a: {  	_ =	shalt  }
0x6b: {  	_ =	shalt  }
0x6c: {  	_ =	shalt  }
0x6d: {  	_ =	shalt  }
0x6e: {  	_ =	shalt  }
0x6f: {  	_ =	shalt  }
0x70: {  	_ =	shalt  }
0x71: {  	_ =	shalt  }
0x72: {  	_ =	shalt  }
0x73: {  	_ =	shalt  }
0x74: {  	_ =	shalt  }
0x75: {  	_ =	shalt  }
0x76: {  	_ =	shalt  }
0x77: {  	_ =	shalt  }
0x78: {  	_ =	shalt  }
0x79: {  	_ =	shalt  }
0x7a: {  	_ =	shalt  }
0x7b: {  	_ =	shalt  }
0x7c: {  	_ =	shalt  }
0x7d: {  	_ =	shalt  }
0x7e: {  	_ =	shalt  }
0x7f: {  	_ =	shalt  }
0x80: {  	_ =	shalt  }
0x81: {  	_ =	shalt  }
0x82: {  	_ =	shalt  }
0x83: {  	_ =	shalt  }
0x84: {  	_ =	shalt  }
0x85: {  	_ =	shalt  }
0x86: {  	_ =	shalt  }
0x87: {  	_ =	shalt  }
.Lfunc_end0:
.L_simem_size_0:
called_computation.1_lowered:
.L_overlay_start_0:
0x88: {  	s2 =	sld [smem:$0x3FD9]  }
0x89: {  	s3 =	sld [smem:$0x3FFE];
	_ =	sdelay $0x1  }
0x8a: {  	s1 =	srdreg.scid  }
0x8b: {  	s0 =	sand.u32 $0x1, s1  }
0x8c: {  	s17 =	sshll.u32 s0, $0xA;
	s2 =	sadd.s32 s3, s2  }
0x8d: {  	s2 =	sadd.s32 s2, s17  }
0x8e: {  	[smem:$0x3FC2] =	sst s2  }
0x8f: {  	_ = 	snop  }
0x90: {  	s2 =	sld [smem:$0x3FD0];
	(tm) =	ssettm $0x1  }
0x91: {  	s18 =	sld [smem:$0x3FFB];
	_ =	sdelay $0x3  }
0x92: {  	_ =	strace s18  }
0x93: {  	s3 =	sld [smem:$0x3FFC];
	_ =	sdelay $0x3  }
0x94: {  	_ =	strace s3  }
0x95: {  	s3 =	sld [smem:$0x3FFD];
	_ =	sdelay $0x3  }
0x96: {  	_ =	strace s3  }
0x97: {  	_ =	strace $0x8FFFFFFF  }
0x98: {  	s19 =	sld [smem:$0x3FDB];
	_ =	sdelay $0x1  }
0x99: {  	s4 =	simm.s32 $_scs_section_size  }
0x9a: {  	s5 =	simm.s32 $_size__tile_overlayer_lowered;
	s6 =	simm.s32 $_tile_overlayer_lowered  }
0x9b: {  	s22 =	simm.s32 $0x1BFF;
	s21 =	sshll.u32 s6, $0x1;
	s3 =	sadd.s32 s4, s19  }
0x9c: {  	s7 =	simm.s32 $0x0;
	s20 =	sshll.u32 s5, $0x1;
	s5 =	sadd.s32 s21, s3  }
0x9d: {  	[timem:s7], [sflag:s22] =	dma.local [hbm:s5], s20  }
0x9e: {  	_ =	swait.ge [sflag:s22], s20  }
0x9f: {  	s4 =	ssub.s32 $0x0, s20;
	[sflag:s22] =	ssyncset.done $0x0  }
0xa0: {  	[sflag:s22] =	ssyncadd.s32 s4;
	_ =	sdelay $0x1  }
0xa1: {  	s23 =	simm.s32 $0x1B8B  }
0xa2: {  	_ =	swait.ge [sflag:s23], $0x1  }
0xa3: {  	[sflag:s23] =	ssyncset.done $0x0  }
0xa4: {  	s25 =	simm.s32 $0x1B8E;
	s24 =	sld [smem:$0x3FFE];
	[sflag:s23] =	ssyncadd.s32 $0xFFFFFFFF  }
0xa5: {  	s26 =	simm.s32 $execute0_lowered;
	[smem:$0x3FD2] =	sst s25  }
0xa6: {  	s5 =	sshll.u32 s26, $0x1;
	_ =	strace $0x80000049;
	[dreg:$0x1] =	wrdreg $0xFFFFFFFF  }
0xa7: {  	s28 =	simm.s32 $_size_execute0_lowered;
	s3 =	sadd.s32 s3, s5;
	[dreg:$0x0] =	wrdreg $0x0  }
0xa8: {  	s5 =	sshll.u32 s28, $0x1;
	[dreg:$0x2] =	wrdreg s3  }
0xa9: {  	[dreg:$0x3] =	wrdreg s5  }
0xaa: {  	[dreg:$0x4] =	wrdreg $0xC0  }
0xab: {  	_ =	task [dreg:s7], $0x5FFFF  }
0xac: {  	[dreg:$0x1] =	wrdreg $0xFFFFFFFF  }
0xad: {  	[dreg:$0x0] =	wrdreg $0x60  }
0xae: {  	[dreg:$0x2] =	wrdreg s24  }
0xaf: {  	[dreg:$0x3] =	wrdreg s2  }
0xb0: {  	[dreg:$0x4] =	wrdreg $0x0  }
0xb1: {  	[dreg:$0x5] =	wrdreg $0x9  }
0xb2: {  	_ =	task.clear_ibuf [dreg:s7], $0x6FFFF;
	_ =	strace $0x90000049  }
0xb3: {  	s29 =	simm.s32 $0x9;
	_ =	strace $0x8000004B  }
0xb4: {  	_ =	swait.ge [sflag:s29], $0x1  }
0xb5: {  	[sflag:s29] =	ssyncadd.s32 $0xFFFFFFFF  }
0xb6: {  	_ =	strace $0x9000004B  }
0xb7: {  	_ =	sfence  }
0xb8: {  	s30 =	sld [smem:$0x0];
	_ =	sdelay $0x2  }
0xb9: {  	s31 =	sshll.u32 s1, $0xD;
	s1 =	sshrl.u32 s1, $0x2  }
0xba: {  	s3 =	sand.u32 $0x4000, s31;
	s1 =	sadd.s32 s1, s30  }
0xbb: {  	s0 =	sor.u32 s3, s0;
	s1 =	sshll.u32 s1, $0x11  }
0xbc: {  	s0 =	sor.u32 s1, s0  }
0xbd: {  	s0 =	sadd.s32 $0x8F2B, s0  }
0xbe: {  	[sflag:s0] =	ssyncadd.remote.s32 $0x1  }
0xbf: {  	_ =	sfence.sel $0xFFFF  }
0xc0: {  	[dreg:$0x0] =	wrdreg $0xFFFFFFFF;
	(pc) =	sbr.abs _section_cstart, $3  }
0xc1: {  	[dreg:$0x1] =	wrdreg $0xFFFFFFFF  }
0xc2: {  	_ =	task.clear_ibuf [dreg:s7], $0x2FFFF;
	_ =	strace $0x9FFFFFFF  }
0xc3: {  	(tm) =	ssettm $0x7FFFFFFF  }
tec
execute0_lowered:
.L_overlay_start_1:
0x0: {  	(tag) =	ssettag $0x1  }
0x1: {  	s0 =	rddreg [dreg:$0x0]  }
0x2: {  	s3 =	rddreg [dreg:$0x1]  }
0x3: {  	s1 =	rddreg [dreg:$0x2];
	s2 =	simm.s32 $0x0  }
0x4: {  	s6 =	srdreg.scid;
	s12 =	stileid.u32;
	s29 =	simm.s32 $0x14000  }
0x5: {  	s30 =	simm.s32 $0x18100;
	s31 =	simm.s32 $0x50;
	s28 =	simm.s32 $0x1A900  }
0x6: {  	[smem:$0x7FF] =	sst s2;
	s4 =	sadd.s32 $0x9000, s0;
	s5 =	sadd.s32 $0x1000, s0  }
0x7: {  	s6 =	sand.u32 $0x1, s6;
	s7 =	sadd.s32 $0x59200, s0;
	s8 =	smul.u32 $0x50000, s12  }
0x8: {  	s9 =	sadd.s32 $0x59000, s0;
	s18 =	sadd.s32 $0x59400, s0;
	s10 =	sshll.u32 s12, $0xB  }
0x9: {  	s24 =	smul.u32 $0x14000, s12;
	_ =	strace $0x8000004A;
	[dreg:$0x4] =	wrdreg s7  }
0xa: {  	s26 =	smul.u32 $0x2800, s12;
	s17 =	ssub.s32 $0x2, s6;
	[dreg:$0x5] =	wrdreg s9  }
0xb: {  	[dreg:$0x6] =	wrdreg s18;
	s9 =	sshll.u32 s12, $0xE;
	s3 =	sadd.s32 s3, s10  }
0xc: {  	p0 =	sne.s32 s6, $0x0;
	s6 =	simm.s32 $0x4;
	s19 =	sshrl.u32 s17, $0x1  }
0xd: {  	s8 =	sshrl.u32 s8, $0x2;
	[dreg:$0x7] =	wrdreg s3;
	s25 =	sshrl.u32 s24, $0x3  }
0xe: {  	[dreg:$0xd] =	wrdreg s26;
	s26 =	simm.s32 $0x7;
	s3 =	simm.s32 $0x2  }
0xf: {  	s7 =	ssub.s32 s17, s19;
	s11 =	sadd.s32 s8, s1;
	s19 =	sadd.s32 s5, s10  }
0x10: {  	s8 =	simm.s32 $0x6;
	s10 =	simm.s32 $0x0;
	s20 =	sadd.s32 $0x2800, s11  }
0x11: {  	s21 =	sadd.s32 $0x5000, s11;
	s22 =	sadd.s32 $0x7800, s11;
	s23 =	sadd.s32 $0xA000, s11  }
0x12: {  	s16 =	sadd.s32 $0xC800, s11;
	s17 =	sadd.s32 $0xF000, s11;
	[dreg:$0x8] =	wrdreg s20  }
.Ltmp0:
0x13: {  	s18 =	sadd.s32 $0x11800, s11;
	[dreg:$0x9] =	wrdreg s21;
	(pc) =	sbr.rel .LBB2_1-.Ltmp0, $4  }
0x14: {  	s24 =	smax.u32 s7, $0x1;
	s7 =	simm.s32 $0x5;
	[dreg:$0xa] =	wrdreg s22  }
0x15: {  	[dreg:$0xb] =	wrdreg s23;
	s20 =	sadd.s32 $0x31000, s0;
	s21 =	sadd.s32 $0x10, s19  }
0x16: {  	s0 =	sadd.s32 $0x28000, s25;
	s22 =	simm.s32 $0x18080;
	s23 =	simm.s32 $0x1  }
0x17: {  	v0 =	vimm.f32 $0.0e+00;
	s25 =	simm.s32 $0x3;
	[dreg:$0xc] =	wrdreg s0;
	s0 =	simm.s32 $0x18000  }
.LBB2_10:
0x18: {  	s12 =	rddreg [dreg:$0xc]  }
.LBB2_11:
0x19: {  	_ =	swait.ge [sflag:s23], $0x2800  }
0x1a: {  	[sflag:s23] =	ssyncset.done $0x0  }
0x1b: {  	[sflag:s23] =	ssyncadd.s32 $0xFFFFD800  }
0x1c: {  	_ =	swait.ge [sflag:s25], $0x80  }
0x1d: {  	[sflag:s25] =	ssyncset.done $0x0  }
0x1e: {  	s15 =	stileid.u32;
	[sflag:s25] =	ssyncadd.s32 $0xFFFFFF80  }
0x1f: {  	[spmem:s1] =	stream.indirect.scatter.add.f32 [tilespmem:s30], [sflag:$0x5], $0x80, s0, s31, $0xb8;
	[tilespmem:$0x1D400] =	vst v63  }
0x20: {  	s14 =	sshrl.u32 s11, $0x3;
	s10 =	sadd.s32 $0x1, s10;
	_ =	swait.ge [sflag:s7], $0x2800  }
0x21: {  	p1 =	sne.s32 s10, s24;
	[sflag:s7] =	ssyncset.done $0x0;
	s13 =	rddreg [dreg:$0x6]  }
0x22: {  	s12 =	sadd.s32 s13, s12;
	[sflag:s7] =	ssyncadd.s32 $0xFFFFD800;
	s13 =	sshll.u32 s15, $0x6  }
.Ltmp1:
0x23: {  	[bflag:$0x0] =	sbarrier.arrive $0xFFFF;
	s13 =	sor.u32 $0x1C07, s13;
	(pc) =	sbr.rel @!p1 .LBB2_12-.Ltmp1, $4  }
0x24: {  	[hbm:s12], [sflag:s13] =	dma.local [spmem:s14], $0x2800  }
0x25: {  	_ =	swait.ge [sflag:s26], $0x2800  }
0x26: {  	[sflag:s26] =	ssyncset.done $0x0  }
0x27: {  	[sflag:s26] =	ssyncadd.s32 $0xFFFFD800  }
.LBB2_1:
0x28: {  	s12 =	rddreg [dreg:$0x4];
	s13 =	simm.s32 $0x1D100  }
0x29: {  	[tilespmem:s13], [sflag:$0x7] =	stream.linear.gather [hbm4b:s12+s2], $0x280, $0x38;
	[tilespmem:$0x1D400] =	vst v63  }
0x2a: {  	_ =	swait.ge [sflag:s26], $0x280  }
0x2b: {  	[sflag:s26] =	ssyncset.done $0x0  }
0x2c: {  	s15 =	simm.s32 $0x1D380;
	s14 =	rddreg [dreg:$0x5];
	[sflag:s26] =	ssyncadd.s32 $0xFFFFFD80  }
0x2d: {  	[tilespmem:s15], [sflag:$0x7] =	stream.linear.gather [hbm4b:s14+s2], $0x80, $0x38;
	[tilespmem:$0x1D400] =	vst v63  }
0x2e: {  	_ =	swait.ge [sflag:s26], $0x80  }
0x2f: {  	[sflag:s26] =	ssyncset.done $0x0  }
0x30: {  	s13 =	rddreg [dreg:$0x7];
	[sflag:s26] =	ssyncadd.s32 $0xFFFFFF80  }
0x31: {  	[tilespmem:s29], [sflag:$0x7] =	stream.linear.gather [hbm4b:s13+s2], $0x3E80, $0x38;
	[tilespmem:$0x1D400] =	vst v63  }
0x32: {  	s12 =	simm.s32 $0x40;
	s14 =	sand.u32 $0xFE00, s2;
	_ =	swait.ge [sflag:s26], $0x3E80  }
0x33: {  	s15 =	sand.u32 $0x70, s2;
	s14 =	sshrl.u32 s14, $0x2;
	[sflag:s26] =	ssyncset.done $0x0  }
0x34: {  	s14 =	sor.u32 s15, s14;
	s13 =	simm.s32 $0x0;
	[sflag:s26] =	ssyncadd.s32 $0xFFFFC180  }
.LBB2_2:
0x35: {  	p1 =	sne.s32 s12, $0x9FC0  }
0x36: {  	[tilespmem:s14+$0x18100] =	vst v0;
	s13 =	sadd.s32 $0x10, s13;
	s14 =	smov.u32 s12;
	s12 =	sadd.s32 $0x40, s12  }
.Ltmp2:
0x37: {  	(pc) =	sbr.rel @p1 .LBB2_2-.Ltmp2, $4  }
0x38: {  	_ = 	snop  }
0x39: {  	s14 =	sand.u32 $0xFE00, s14  }
0x3a: {  	s15 =	sand.u32 $0x70, s13;
	s14 =	sshrl.u32 s14, $0x2  }
0x3b: {  	s14 =	sor.u32 s15, s14  }
0x3c: {  	[tilespmem:s14+$0x18100] =	vst v0  }
0x3d: {  	[spmem:s11] =	stream.linear.scatter [tilespmem:s30], [sflag:$0x7], $0x2800, $0x38;
	[tilespmem:$0x1D400] =	vst v63  }
0x3e: {  	_ =	swait.ge [sflag:s26], $0x2800  }
0x3f: {  	[sflag:s26] =	ssyncset.done $0x0  }
0x40: {  	s12 =	rddreg [dreg:$0x8];
	[sflag:s26] =	ssyncadd.s32 $0xFFFFD800  }
0x41: {  	[spmem:s12] =	stream.linear.scatter [tilespmem:s30], [sflag:$0x7], $0x2800, $0x38;
	[tilespmem:$0x1D400] =	vst v63  }
0x42: {  	_ =	swait.ge [sflag:s26], $0x2800  }
0x43: {  	[sflag:s26] =	ssyncset.done $0x0  }
0x44: {  	s13 =	rddreg [dreg:$0x9];
	[sflag:s26] =	ssyncadd.s32 $0xFFFFD800  }
0x45: {  	[spmem:s13] =	stream.linear.scatter [tilespmem:s30], [sflag:$0x7], $0x2800, $0x38;
	[tilespmem:$0x1D400] =	vst v63  }
0x46: {  	_ =	swait.ge [sflag:s26], $0x2800  }
0x47: {  	[sflag:s26] =	ssyncset.done $0x0  }
0x48: {  	s14 =	rddreg [dreg:$0xa];
	[sflag:s26] =	ssyncadd.s32 $0xFFFFD800  }
0x49: {  	[spmem:s14] =	stream.linear.scatter [tilespmem:s30], [sflag:$0x7], $0x2800, $0x38;
	[tilespmem:$0x1D400] =	vst v63  }
0x4a: {  	_ =	swait.ge [sflag:s26], $0x2800  }
0x4b: {  	[sflag:s26] =	ssyncset.done $0x0  }
0x4c: {  	s15 =	rddreg [dreg:$0xb];
	[sflag:s26] =	ssyncadd.s32 $0xFFFFD800  }
0x4d: {  	[spmem:s15] =	stream.linear.scatter [tilespmem:s30], [sflag:$0x7], $0x2800, $0x38;
	[tilespmem:$0x1D400] =	vst v63  }
0x4e: {  	_ =	swait.ge [sflag:s26], $0x2800  }
0x4f: {  	[sflag:s26] =	ssyncset.done $0x0  }
0x50: {  	[sflag:s26] =	ssyncadd.s32 $0xFFFFD800  }
0x51: {  	[spmem:s16] =	stream.linear.scatter [tilespmem:s30], [sflag:$0x7], $0x2800, $0x38;
	[tilespmem:$0x1D400] =	vst v63  }
0x52: {  	_ =	swait.ge [sflag:s26], $0x2800  }
0x53: {  	[sflag:s26] =	ssyncset.done $0x0  }
0x54: {  	[sflag:s26] =	ssyncadd.s32 $0xFFFFD800  }
0x55: {  	[spmem:s17] =	stream.linear.scatter [tilespmem:s30], [sflag:$0x7], $0x2800, $0x38;
	[tilespmem:$0x1D400] =	vst v63  }
0x56: {  	_ =	swait.ge [sflag:s26], $0x2800  }
0x57: {  	[sflag:s26] =	ssyncset.done $0x0  }
0x58: {  	[sflag:s26] =	ssyncadd.s32 $0xFFFFD800  }
0x59: {  	[spmem:s18] =	stream.linear.scatter [tilespmem:s30], [sflag:$0x7], $0x2800, $0x38;
	[tilespmem:$0x1D400] =	vst v63  }
.Ltmp3:
0x5a: {  	_ =	swait.ge [sflag:s26], $0x2800;
	(pc) =	sbr.rel @p0 .LBB2_8-.Ltmp3, $3  }
0x5b: {  	[sflag:s26] =	ssyncset.done $0x0  }
0x5c: {  	[sflag:s26] =	ssyncadd.s32 $0xFFFFD800  }
0x5d: {  	[bflag:$0x0] =	sbarrier.arrive $0xFFFF;
	_ =	sdelay $0x1  }
0x5e: {  	[tilespmem:s30], [sflag:$0x1] =	stream.indirect.gather [hbm4b:s4+s31], $0x80, s29, s31, $0xb8;
	[tilespmem:$0x1D400] =	vst v63  }
0x5f: {  	_ = 	snop  }
0x60: {  	[tilespmem:s0], [sflag:$0x3] =	stream.linear.gather [hbm4b:s19+s2], $0x80, $0x38;
	[tilespmem:$0x1D400] =	vst v63  }
0x61: {  	s12 =	simm.s32 $0x14080  }
0x62: {  	[tilespmem:s28], [sflag:$0x2] =	stream.indirect.gather [hbm4b:s4+s31], $0x80, s12, s31, $0xb8;
	[tilespmem:$0x1D400] =	vst v63  }
0x63: {  	s13 =	simm.s32 $0x14100;
	s12 =	simm.s32 $0x180  }
0x64: {  	[tilespmem:s22], [sflag:$0x4] =	stream.linear.gather [hbm4b:s21+s2], $0x80, $0x38;
	[tilespmem:$0x1D400] =	vst v63  }
.LBB2_5:
0x65: {  	_ =	swait.ge [sflag:s23], $0x2800  }
0x66: {  	[sflag:s23] =	ssyncset.done $0x0  }
0x67: {  	[sflag:s23] =	ssyncadd.s32 $0xFFFFD800  }
0x68: {  	_ =	swait.ge [sflag:s25], $0x80  }
0x69: {  	[sflag:s25] =	ssyncset.done $0x0  }
0x6a: {  	[sflag:s25] =	ssyncadd.s32 $0xFFFFFF80  }
0x6b: {  	[spmem:s1] =	stream.indirect.scatter.add.f32 [tilespmem:s30], [sflag:$0x5], $0x80, s0, s31, $0xb8;
	[tilespmem:$0x1D400] =	vst v63  }
0x6c: {  	_ =	swait.ge [sflag:s3], $0x2800  }
0x6d: {  	[sflag:s3] =	ssyncset.done $0x0  }
0x6e: {  	[sflag:s3] =	ssyncadd.s32 $0xFFFFD800  }
0x6f: {  	_ =	swait.ge [sflag:s6], $0x80  }
0x70: {  	s14 =	sadd.s32 $0xFFFFFF80, s12;
	[sflag:s6] =	ssyncset.done $0x0  }
0x71: {  	s15 =	sand.u32 $0x7C00, s14;
	[sflag:s6] =	ssyncadd.s32 $0xFFFFFF80  }
0x72: {  	[spmem:s1] =	stream.indirect.scatter.add.f32 [tilespmem:s28], [sflag:$0x6], $0x80, s22, s31, $0xb8;
	[tilespmem:$0x1D400] =	vst v63  }
0x73: {  	s14 =	sand.u32 $0x300, s14;
	s15 =	sadd.s32 s9, s15;
	_ =	swait.ge [sflag:s7], $0x2800  }
0x74: {  	s14 =	sor.u32 s14, s15;
	[sflag:s7] =	ssyncset.done $0x0  }
0x75: {  	p1 =	seq.s32 s12, $0x3E80;
	s14 =	sshrl.u32 s14, $0x3;
	[sflag:s7] =	ssyncadd.s32 $0xFFFFD800  }
0x76: {  	[tilespmem:s30], [sflag:$0x1] =	stream.indirect.gather [hbm4b:s4+s31], $0x80, s13, s31, $0xb8;
	[tilespmem:$0x1D400] =	vst v63  }
.Ltmp4:
0x77: {  	s14 =	sadd.s32 s5, s14;
	(pc) =	sbr.rel @p1 .LBB2_6-.Ltmp4, $4  }
0x78: {  	[tilespmem:s0], [sflag:$0x3] =	stream.linear.gather [hbm4b:s14+s2], $0x80, $0x38;
	[tilespmem:$0x1D400] =	vst v63  }
0x79: {  	_ =	swait.ge [sflag:s8], $0x2800  }
0x7a: {  	[sflag:s8] =	ssyncset.done $0x0  }
0x7b: {  	[sflag:s8] =	ssyncadd.s32 $0xFFFFD800  }
0x7c: {  	s14 =	sadd.s32 $0x80, s13;
	s15 =	sand.u32 $0x7C00, s12  }
0x7d: {  	[tilespmem:s28], [sflag:$0x2] =	stream.indirect.gather [hbm4b:s4+s31], $0x80, s14, s31, $0xb8;
	[tilespmem:$0x1D400] =	vst v63  }
.Ltmp5:
0x7e: {  	s14 =	sadd.s32 s9, s15;
	s15 =	sand.u32 $0x380, s12;
	(pc) =	sbr.rel .LBB2_5-.Ltmp5, $4  }
0x7f: {  	s14 =	sor.u32 s15, s14  }
0x80: {  	s14 =	sshrl.u32 s14, $0x3  }
0x81: {  	s13 =	sadd.s32 $0x100, s13;
	s12 =	sadd.s32 $0x100, s12;
	s14 =	sadd.s32 s5, s14  }
0x82: {  	[tilespmem:s22], [sflag:$0x4] =	stream.linear.gather [hbm4b:s14+s2], $0x80, $0x38;
	[tilespmem:$0x1D400] =	vst v63  }
.LBB2_8:
0x83: {  	[tilespmem:s30], [sflag:$0x1] =	stream.indirect.gather [hbm4b:s20+s31], $0x80, s29, s31, $0xb8;
	[tilespmem:$0x1D400] =	vst v63  }
0x84: {  	_ = 	snop  }
0x85: {  	[tilespmem:s0], [sflag:$0x3] =	stream.linear.gather [hbm4b:s19+s2], $0x80, $0x38;
	[tilespmem:$0x1D400] =	vst v63  }
0x86: {  	s12 =	simm.s32 $0x14080  }
0x87: {  	[tilespmem:s28], [sflag:$0x2] =	stream.indirect.gather [hbm4b:s20+s31], $0x80, s12, s31, $0xb8;
	[tilespmem:$0x1D400] =	vst v63  }
0x88: {  	s13 =	simm.s32 $0x14100;
	s12 =	simm.s32 $0x180  }
0x89: {  	[tilespmem:s22], [sflag:$0x4] =	stream.linear.gather [hbm4b:s21+s2], $0x80, $0x38;
	[tilespmem:$0x1D400] =	vst v63  }
.LBB2_9:
0x8a: {  	_ =	swait.ge [sflag:s23], $0x2800  }
0x8b: {  	[sflag:s23] =	ssyncset.done $0x0  }
0x8c: {  	[sflag:s23] =	ssyncadd.s32 $0xFFFFD800  }
0x8d: {  	_ =	swait.ge [sflag:s25], $0x80  }
0x8e: {  	[sflag:s25] =	ssyncset.done $0x0  }
0x8f: {  	[sflag:s25] =	ssyncadd.s32 $0xFFFFFF80  }
0x90: {  	[spmem:s1] =	stream.indirect.scatter.add.f32 [tilespmem:s30], [sflag:$0x5], $0x80, s0, s31, $0xb8;
	[tilespmem:$0x1D400] =	vst v63  }
0x91: {  	_ =	swait.ge [sflag:s3], $0x2800  }
0x92: {  	[sflag:s3] =	ssyncset.done $0x0  }
0x93: {  	[sflag:s3] =	ssyncadd.s32 $0xFFFFD800  }
0x94: {  	_ =	swait.ge [sflag:s6], $0x80  }
0x95: {  	s14 =	sadd.s32 $0xFFFFFF80, s12;
	[sflag:s6] =	ssyncset.done $0x0  }
0x96: {  	s15 =	sand.u32 $0x7C00, s14;
	[sflag:s6] =	ssyncadd.s32 $0xFFFFFF80  }
0x97: {  	[spmem:s1] =	stream.indirect.scatter.add.f32 [tilespmem:s28], [sflag:$0x6], $0x80, s22, s31, $0xb8;
	[tilespmem:$0x1D400] =	vst v63  }
0x98: {  	s14 =	sand.u32 $0x300, s14;
	s15 =	sadd.s32 s9, s15;
	_ =	swait.ge [sflag:s7], $0x2800  }
0x99: {  	s14 =	sor.u32 s14, s15;
	[sflag:s7] =	ssyncset.done $0x0  }
0x9a: {  	p1 =	seq.s32 s12, $0x3E80;
	s14 =	sshrl.u32 s14, $0x3;
	[sflag:s7] =	ssyncadd.s32 $0xFFFFD800  }
0x9b: {  	[tilespmem:s30], [sflag:$0x1] =	stream.indirect.gather [hbm4b:s20+s31], $0x80, s13, s31, $0xb8;
	[tilespmem:$0x1D400] =	vst v63  }
.Ltmp6:
0x9c: {  	s14 =	sadd.s32 s5, s14;
	(pc) =	sbr.rel @p1 .LBB2_10-.Ltmp6, $4  }
0x9d: {  	[tilespmem:s0], [sflag:$0x3] =	stream.linear.gather [hbm4b:s14+s2], $0x80, $0x38;
	[tilespmem:$0x1D400] =	vst v63  }
0x9e: {  	_ =	swait.ge [sflag:s8], $0x2800  }
0x9f: {  	[sflag:s8] =	ssyncset.done $0x0  }
0xa0: {  	[sflag:s8] =	ssyncadd.s32 $0xFFFFD800  }
0xa1: {  	s14 =	sadd.s32 $0x80, s13;
	s15 =	sand.u32 $0x7C00, s12  }
0xa2: {  	[tilespmem:s28], [sflag:$0x2] =	stream.indirect.gather [hbm4b:s20+s31], $0x80, s14, s31, $0xb8;
	[tilespmem:$0x1D400] =	vst v63  }
.Ltmp7:
0xa3: {  	s14 =	sadd.s32 s9, s15;
	s15 =	sand.u32 $0x380, s12;
	(pc) =	sbr.rel .LBB2_9-.Ltmp7, $4  }
0xa4: {  	s14 =	sor.u32 s15, s14  }
0xa5: {  	s14 =	sshrl.u32 s14, $0x3  }
0xa6: {  	s13 =	sadd.s32 $0x100, s13;
	s12 =	sadd.s32 $0x100, s12;
	s14 =	sadd.s32 s5, s14  }
0xa7: {  	[tilespmem:s22], [sflag:$0x4] =	stream.linear.gather [hbm4b:s14+s2], $0x80, $0x38;
	[tilespmem:$0x1D400] =	vst v63  }
.LBB2_6:
.Ltmp8:
0xa8: {  	(pc) =	sbr.rel .LBB2_11-.Ltmp8, $2  }
0xa9: {  	_ =	sdelay $0x2  }
0xaa: {  	s12 =	rddreg [dreg:$0xd]  }
.LBB2_12:
0xab: {  	_ =	sfence.sel $0x180000  }
0xac: {  	[bflag:$0x0] =	sbarrier.arrive $0xFFFF  }
0xad: {  	_ =	strace $0x9000004A  }
0xae: {  	s0 =	stileid.u32;
	[bflag:$0x2] =	sbarrier.arrive $0xFFFF  }
0xaf: {  	p0 =	sne.s32 s0, $0x0;
	s0 =	rddreg [dreg:$0x3]  }
0xb0: {  	s0 =	sadd.s32 @!p0 $0x100000, s0  }
0xb1: {  	[sflag:s0] =	ssyncadd.tile.s32 @!p0 $0x1;
	_ =	shalt  }
.Lfunc_end2:
_tile_overlayer_lowered:
.L_overlay_start_2:
0xb2: {  	(tag) =	ssettag $0x2  }
0xb3: {  	s0 =	rddreg [dreg:$0x0];
	s2 =	stileid.u32  }
0xb4: {  	s1 =	rddreg [dreg:$0x1];
	p0 =	sne.s32 s2, $0x0  }
0xb5: {  	s3 =	rddreg [dreg:$0x2];
	[bflag:$0x3] =	sbarrier.arrive $0xFFFF;
	s2 =	simm.s32 @!p0 $0x1C07  }
0xb6: {  	[timem:s3], [sflag:s2] =	dma.local @!p0 [hbm:s0], s1  }
0xb7: {  	s0 =	simm.s32 @!p0 $0x7  }
0xb8: {  	_ =	swait.ge @!p0 [sflag:s0], s1  }
0xb9: {  	s1 =	ssub.s32 @!p0 $0x0, s1;
	[sflag:s0] =	ssyncset.done @!p0 $0x0  }
0xba: {  	[sflag:s0] =	ssyncadd.s32 @!p0 s1  }
0xbb: {  	[bflag:$0x3] =	sbarrier.arrive $0xFFFF  }
0xbc: {  	_ =	shalt  }

</sc_bundles>
